<compile_context>
chip_gen: v7x
topology: tpu7x:2x2x1
jax: 0.10.2.dev20260603
libtpu: 0.0.44.dev20260713+nightly
codegen_flags: <defaults>
</compile_context>

<pallas_src>
import functools

import jax
import jax.numpy as jnp
from jax import lax
from jax.experimental import pallas as pl
from jax.experimental.pallas import tpu as pltpu
from jax.experimental.pallas import tpu_sc as plsc

_N = 10000
_NP = 10240
_E = 320000
_W = 128
_NWIN = 2560
_EP = _NWIN * _W
_D = 256
_H = 128
_STRIPE = _NP // 16
_WPT = _NWIN // 16
_CH = 20
_NCH = _WPT // _CH

_mesh = plsc.VectorSubcoreMesh(
    core_axis_name="c", subcore_axis_name="s", num_cores=2, num_subcores=16
)
_sc_params = pltpu.CompilerParams(use_tc_tiling_on_sc=False)


_WPT_D = _NWIN // 32


@functools.partial(
    pl.kernel,
    out_type=(
        jax.ShapeDtypeStruct((2 * _NP,), jnp.float32),
        jax.ShapeDtypeStruct((2 * _NP,), jnp.float32),
    ),
    mesh=_mesh,
    compiler_params=_sc_params,
    scratch_types=[
        pltpu.VMEM_SHARED((_NP,), jnp.float32),
        pltpu.VMEM_SHARED((_NP,), jnp.float32),
        pltpu.VMEM((_WPT_D, _W), jnp.int32),
        pltpu.VMEM((_WPT_D, _W), jnp.int32),
        pltpu.VMEM((_W,), jnp.float32),
        pltpu.VMEM((_STRIPE,), jnp.float32),
    ],
)
def _sc_degrees(src_hbm, dst_hbm, ones_hbm, zer_hbm, din_hbm, dout_hbm,
                din_s, dout_s, src_v, dst_v, ones_v, zer_v):
    c = lax.axis_index("c")
    s = lax.axis_index("s")
    base_w = c * (_NWIN // 2) + s * _WPT_D
    pltpu.sync_copy(ones_hbm, ones_v)
    pltpu.sync_copy(zer_hbm, zer_v)
    pltpu.sync_copy(src_hbm.at[pl.ds(base_w, _WPT_D)], src_v)
    pltpu.sync_copy(dst_hbm.at[pl.ds(base_w, _WPT_D)], dst_v)
    pltpu.sync_copy(zer_v, din_s.at[pl.ds(s * _STRIPE, _STRIPE)])
    pltpu.sync_copy(zer_v, dout_s.at[pl.ds(s * _STRIPE, _STRIPE)])
    plsc.subcore_barrier()

    def body(w, carry):
        pltpu.sync_copy(ones_v, din_s.at[dst_v.at[w]], add=True)
        pltpu.sync_copy(ones_v, dout_s.at[src_v.at[w]], add=True)
        return carry

    lax.fori_loop(0, _WPT_D, body, 0)
    plsc.subcore_barrier()
    pltpu.sync_copy(din_s.at[pl.ds(s * _STRIPE, _STRIPE)],
                    din_hbm.at[pl.ds(c * _NP + s * _STRIPE, _STRIPE)])
    pltpu.sync_copy(dout_s.at[pl.ds(s * _STRIPE, _STRIPE)],
                    dout_hbm.at[pl.ds(c * _NP + s * _STRIPE, _STRIPE)])


@functools.partial(
    pl.kernel,
    out_type=(
        jax.ShapeDtypeStruct((_NP, _H), jnp.float32),
        jax.ShapeDtypeStruct((_NP, _H), jnp.float32),
    ),
    mesh=_mesh,
    compiler_params=_sc_params,
    scratch_types=[
        pltpu.VMEM_SHARED((_NP, _H), jnp.float32),
        pltpu.VMEM((_W, _H), jnp.float32),
        pltpu.VMEM((_W, _H), jnp.float32),
        pltpu.VMEM((_CH, _W), jnp.int32),
        pltpu.VMEM((_CH, _W), jnp.int32),
        pltpu.VMEM((_CH, _W), jnp.int32),
        pltpu.VMEM((_CH, _W), jnp.int32),
        pltpu.SemaphoreType.DMA,
        pltpu.SemaphoreType.DMA,
        pltpu.SemaphoreType.DMA,
        pltpu.SemaphoreType.DMA,
    ],
)
def _sc_aggregate(hl_hbm, hr_hbm, src_hbm, dst_hbm, zer_hbm, outl_hbm, outr_hbm,
                  acc_s, rows0, rows1, srcc0, srcc1, dstc0, dstc1,
                  sem0, sem1, semi0, semi1):
    c = lax.axis_index("c")
    s = lax.axis_index("s")
    base_w = s * _WPT

    pltpu.sync_copy(zer_hbm, rows0)

    def zbody(j, carry):
        pltpu.sync_copy(rows0, acc_s.at[pl.ds(s * _STRIPE + j * _W, _W)])
        return carry

    lax.fori_loop(0, _STRIPE // _W, zbody, 0)
    plsc.subcore_barrier()

    idx_slots = ((srcc0, dstc0, semi0), (srcc1, dstc1, semi1))

    def idx_start(q, slot):
        sv, dv, sem = idx_slots[slot]
        pltpu.async_copy(src_hbm.at[pl.ds(base_w + q * _CH, _CH)], sv, sem)
        pltpu.async_copy(dst_hbm.at[pl.ds(base_w + q * _CH, _CH)], dv, sem)

    def idx_wait(q, slot):
        sv, dv, sem = idx_slots[slot]
        pltpu.make_async_copy(src_hbm.at[pl.ds(base_w + q * _CH, _CH)],
                              sv, sem).wait()
        pltpu.make_async_copy(dst_hbm.at[pl.ds(base_w + q * _CH, _CH)],
                              dv, sem).wait()

    row_bufs = ((rows0, sem0), (rows1, sem1))

    def gather_start(iv, rv, sem):
        @pl.when(c == 0)
        def _():
            pltpu.async_copy(hl_hbm.at[iv], rv, sem)

        @pl.when(c == 1)
        def _():
            pltpu.async_copy(hr_hbm.at[iv], rv, sem)

    def gather_wait(iv, rv, sem):
        @pl.when(c == 0)
        def _():
            pltpu.make_async_copy(hl_hbm.at[iv], rv, sem).wait()

        @pl.when(c == 1)
        def _():
            pltpu.make_async_copy(hr_hbm.at[iv], rv, sem).wait()

    idx_start(0, 0)
    idx_start(1, 1)
    idx_wait(0, 0)
    gather_start(srcc0.at[0], rows0, sem0)
    gather_start(srcc0.at[1], rows1, sem1)

    def chunk_body(sv, dv, svn, q, slot):
        def wbody(t, carry):
            for b, (rv, sem) in enumerate(row_bufs):
                w = 2 * t + b
                gather_wait(sv.at[w], rv, sem)
                pltpu.sync_copy(rv, acc_s.at[dv.at[w]], add=True)

                @pl.when(w + 2 < _CH)
                def _():
                    gather_start(sv.at[w + 2], rv, sem)

                @pl.when((w + 2 >= _CH) & (q + 1 < _NCH))
                def _():
                    gather_start(svn.at[w + 2 - _CH], rv, sem)

            return carry

        lax.fori_loop(0, _CH // 2, wbody, 0)

        @pl.when(q + 2 < _NCH)
        def _():
            idx_start(q + 2, slot)

    def qbody(qq, carry):
        for slot in (0, 1):
            q = 2 * qq + slot
            sv, dv, _ = idx_slots[slot]
            svn = idx_slots[1 - slot][0]

            @pl.when(q + 1 < _NCH)
            def _():
                idx_wait(q + 1, 1 - slot)

            chunk_body(sv, dv, svn, q, slot)
        return carry

    lax.fori_loop(0, _NCH // 2, qbody, 0)
    plsc.subcore_barrier()

    @pl.when(c == 0)
    def _():
        pltpu.sync_copy(acc_s.at[pl.ds(s * _STRIPE, _STRIPE)],
                        outl_hbm.at[pl.ds(s * _STRIPE, _STRIPE)])

    @pl.when(c == 1)
    def _():
        pltpu.sync_copy(acc_s.at[pl.ds(s * _STRIPE, _STRIPE)],
                        outr_hbm.at[pl.ds(s * _STRIPE, _STRIPE)])


_R = 1024


def _mm0_body(feat_ref, w0_ref, out_ref):
    out_ref[...] = jnp.dot(feat_ref[...], w0_ref[...],
                           preferred_element_type=jnp.float32)


def _tc_matmul0(feat, w0):
    return pl.pallas_call(
        _mm0_body,
        grid=(_NP // _R,),
        in_specs=[
            pl.BlockSpec((_R, _D), lambda i: (i, 0)),
            pl.BlockSpec((_D, _D), lambda i: (0, 0)),
        ],
        out_specs=pl.BlockSpec((_R, _D), lambda i: (i, 0)),
        out_shape=jax.ShapeDtypeStruct((_NP, _D), jnp.float32),
    )(feat, w0)


def _prescale_body(h0_ref, din_ref, dout_ref, sin_ref, sout_ref,
                   hl_ref, hr_ref):
    din = din_ref[0] + din_ref[1]
    dout = dout_ref[0] + dout_ref[1]
    sin = jnp.broadcast_to(lax.rsqrt(jnp.maximum(din, 1.0)), (_R, _H))
    sout = jnp.broadcast_to(lax.rsqrt(jnp.maximum(dout, 1.0)), (_R, _H))
    sin_ref[...] = sin
    sout_ref[...] = sout
    h0 = h0_ref[...]
    hl_ref[...] = h0[:, :_H] * sout
    hr_ref[...] = h0[:, _H:] * sout


def _tc_prescale(h0, din, dout):
    return pl.pallas_call(
        _prescale_body,
        grid=(_NP // _R,),
        in_specs=[
            pl.BlockSpec((_R, _D), lambda i: (i, 0)),
            pl.BlockSpec((2, _R, 1), lambda i: (0, i, 0)),
            pl.BlockSpec((2, _R, 1), lambda i: (0, i, 0)),
        ],
        out_specs=[pl.BlockSpec((_R, _H), lambda i: (i, 0))] * 4,
        out_shape=[jax.ShapeDtypeStruct((_NP, _H), jnp.float32)] * 4,
    )(h0, din, dout)


def _mid_body(aggl_ref, aggr_ref, sin_ref, sout_ref, b0_ref,
              hxl_ref, hxr_ref, hxpl_ref, hxpr_ref):
    sin = sin_ref[...]
    sout = sout_ref[...]
    b0 = b0_ref[...]
    hxl = jnp.maximum(aggl_ref[...] * sin + b0[:, :_H], 0.0)
    hxr = jnp.maximum(aggr_ref[...] * sin + b0[:, _H:], 0.0)
    hxl_ref[...] = hxl
    hxr_ref[...] = hxr
    hxpl_ref[...] = hxl * sout
    hxpr_ref[...] = hxr * sout


def _tc_mid(aggl, aggr, sin, sout, b0):
    return pl.pallas_call(
        _mid_body,
        grid=(_NP // _R,),
        in_specs=[
            pl.BlockSpec((_R, _H), lambda i: (i, 0)),
            pl.BlockSpec((_R, _H), lambda i: (i, 0)),
            pl.BlockSpec((_R, _H), lambda i: (i, 0)),
            pl.BlockSpec((_R, _H), lambda i: (i, 0)),
            pl.BlockSpec((1, _D), lambda i: (0, 0)),
        ],
        out_specs=[pl.BlockSpec((_R, _H), lambda i: (i, 0))] * 4,
        out_shape=[jax.ShapeDtypeStruct((_NP, _H), jnp.float32)] * 4,
    )(aggl, aggr, sin, sout, b0)


def _final_body(hxl_ref, hxr_ref, aggl_ref, aggr_ref, sin_ref, w1_ref, b1_ref,
                out_ref):
    w1 = w1_ref[...]
    sin = sin_ref[...]
    acc = jnp.dot(hxl_ref[...], w1[:_H], preferred_element_type=jnp.float32)
    acc += jnp.dot(hxr_ref[...], w1[_H:_D], preferred_element_type=jnp.float32)
    acc += jnp.dot(aggl_ref[...] * sin, w1[_D:_D + _H],
                   preferred_element_type=jnp.float32)
    acc += jnp.dot(aggr_ref[...] * sin, w1[_D + _H:],
                   preferred_element_type=jnp.float32)
    out_ref[...] = jnp.maximum(acc + b1_ref[...], 0.0)


def _tc_final(hxl, hxr, aggl, aggr, sin, w1, b1):
    return pl.pallas_call(
        _final_body,
        grid=(_NP // _R,),
        in_specs=[
            pl.BlockSpec((_R, _H), lambda i: (i, 0)),
            pl.BlockSpec((_R, _H), lambda i: (i, 0)),
            pl.BlockSpec((_R, _H), lambda i: (i, 0)),
            pl.BlockSpec((_R, _H), lambda i: (i, 0)),
            pl.BlockSpec((_R, _H), lambda i: (i, 0)),
            pl.BlockSpec((2 * _D, _H), lambda i: (0, 0)),
            pl.BlockSpec((1, _H), lambda i: (0, 0)),
        ],
        out_specs=pl.BlockSpec((_R, _H), lambda i: (i, 0)),
        out_shape=jax.ShapeDtypeStruct((_NP, _H), jnp.float32),
    )(hxl, hxr, aggl, aggr, sin, w1, b1)


def kernel(feat, edge_index, W0, b0, W1, b1):
    pad = jnp.full((2, _EP - _E), _N, jnp.int32)
    edge_p = jnp.concatenate([edge_index, pad], axis=1)
    src = edge_p[0].reshape(_NWIN, _W)
    dst = edge_p[1].reshape(_NWIN, _W)
    feat_p = jnp.pad(feat, ((0, _NP - _N), (0, 0)))
    ones_w = jnp.ones((_W,), jnp.float32)
    zer_1d = jnp.zeros((_STRIPE,), jnp.float32)
    zer_2d = jnp.zeros((_W, _H), jnp.float32)
    b0_2d = b0.reshape(1, _D)
    b1_2d = b1.reshape(1, _H)

    h0 = _tc_matmul0(feat_p, W0)
    din_p, dout_p = _sc_degrees(src, dst, ones_w, zer_1d)
    sin, sout, hl, hr = _tc_prescale(
        h0, din_p.reshape(2, _NP, 1), dout_p.reshape(2, _NP, 1))
    aggl0, aggr0 = _sc_aggregate(hl, hr, src, dst, zer_2d)
    hxl, hxr, hxpl, hxpr = _tc_mid(aggl0, aggr0, sin, sout, b0_2d)
    aggl1, aggr1 = _sc_aggregate(hxpl, hxpr, src, dst, zer_2d)
    out = _tc_final(hxl, hxr, aggl1, aggr1, sin, W1, b1_2d)
    return out[:_N]

# --- scband reference (transcript-rebuilt; emitter-appended) ---
"""Pipeline reference for scband-encoder-41790031790231 (READ-ONLY COPY).

The authoritative reference and input builder live on the scoring server;
editing this copy changes nothing except your own understanding.
"""

import jax, jax.numpy as jnp
import numpy as np

N_NODES = 10000
N_EDGES = 320000
DIMS = [256, 256, 128]


def setup_inputs(seed: int = 0) -> dict:
    key = jax.random.key(seed)
    k1, k2, k3, k4 = jax.random.split(key, 4)
    feat = jax.random.normal(k1, (N_NODES, DIMS[0]), dtype=jnp.float32)
    edge_index = jax.random.randint(k2, (2, N_EDGES), 0, N_NODES, dtype=jnp.int32)
    W0 = jax.random.normal(k3, (DIMS[0], DIMS[1]), dtype=jnp.float32) * (1.0 / np.sqrt(DIMS[0]))
    b0 = jnp.zeros((DIMS[1],), dtype=jnp.float32)
    W1 = jax.random.normal(k4, (DIMS[1] * 2, DIMS[2]), dtype=jnp.float32) * (1.0 / np.sqrt(DIMS[1] * 2))
    b1 = jnp.zeros((DIMS[2],), dtype=jnp.float32)
    return {"feat": feat, "edge_index": edge_index, "W0": W0, "b0": b0, "W1": W1, "b1": b1}


def _sym_norm_aggregate(h, edge_index):
    # Equivalent of torch.spmm(adj_norm, h) with D^-1/2 A D^-1/2 normalization,
    # implemented with SparseCore-friendly gather + scatter-add.
    src = edge_index[0]
    dst = edge_index[1]
    deg_in = jnp.zeros((N_NODES,), h.dtype).at[dst].add(1.0)
    deg_out = jnp.zeros((N_NODES,), h.dtype).at[src].add(1.0)
    norm = jax.lax.rsqrt(jnp.maximum(deg_out[src], 1.0)) * jax.lax.rsqrt(jnp.maximum(deg_in[dst], 1.0))
    msg = h[src] * norm[:, None]
    return jnp.zeros((N_NODES, h.shape[1]), h.dtype).at[dst].add(msg)


def reference(feat, edge_index, W0, b0, W1, b1):
    # Encoder.forward with name='gcn', x.typ='node' (readout branch skipped),
    # dropout=0.0 (eval). embed() is identity for name != 'none'.
    # Layer 0: GraphConvolution(dims[0]->dims[1]): relu(A_hat @ (H W0) + b0)
    hx = feat
    hx = jax.nn.relu(_sym_norm_aggregate(hx @ W0, edge_index) + b0)
    # Last layer takes dims[-2]*2 input channels: concat of self features and
    # aggregated neighbor features (GraphSAGE-style concat), then linear + relu.
    agg = _sym_norm_aggregate(hx, edge_index)
    hx = jax.nn.relu(jnp.concatenate([hx, agg], axis=-1) @ W1 + b1)
    return hx

if __name__ == "__main__":
    import jax
    _d = setup_inputs()
    print(jax.jit(kernel)(*tuple(_d.values())))

</pallas_src>

<mosaic_0001>
#map = affine_map<(d0, d1) -> (0, 0)>
module attributes {stable_mosaic.version = 14 : i64} {
  func.func @_sc_aggregate(%arg0: i32, %arg1: i32, %arg2: memref<10240x128xf32, #tpu.memory_space<hbm>>, %arg3: memref<10240x128xf32, #tpu.memory_space<hbm>>, %arg4: memref<2560x128xi32, #tpu.memory_space<hbm>>, %arg5: memref<2560x128xi32, #tpu.memory_space<hbm>>, %arg6: memref<128x128xf32, #tpu.memory_space<hbm>>, %arg7: memref<10240x128xf32, #tpu.memory_space<hbm>>, %arg8: memref<10240x128xf32, #tpu.memory_space<hbm>>, %arg9: memref<10240x128xf32, #tpu.memory_space<vmem_shared>>, %arg10: memref<128x128xf32, #tpu.memory_space<vmem>>, %arg11: memref<128x128xf32, #tpu.memory_space<vmem>>, %arg12: memref<20x128xi32, #tpu.memory_space<vmem>>, %arg13: memref<20x128xi32, #tpu.memory_space<vmem>>, %arg14: memref<20x128xi32, #tpu.memory_space<vmem>>, %arg15: memref<20x128xi32, #tpu.memory_space<vmem>>, %arg16: memref<!tpu.dma_semaphore, #tpu.memory_space<semaphore_mem>>, %arg17: memref<!tpu.dma_semaphore, #tpu.memory_space<semaphore_mem>>, %arg18: memref<!tpu.dma_semaphore, #tpu.memory_space<semaphore_mem>>, %arg19: memref<!tpu.dma_semaphore, #tpu.memory_space<semaphore_mem>>) attributes {dimension_semantics = [#tpu.dimension_semantics<core_parallel>, #tpu.dimension_semantics<subcore_parallel>], iteration_bounds = array<i64: 2, 16>, scalar_prefetch = 0 : i64, scratch_operands = 11 : i64, tpu.core_type = #tpu.core_type<sc_vector_subcore>, window_params = [{transform_indices = #map}, {transform_indices = #map}, {transform_indices = #map}, {transform_indices = #map}, {transform_indices = #map}, {transform_indices = #map}, {transform_indices = #map}]} {
    %mul3A = arith.constant 160 : i32
    %mul3A_0 = arith.muli %arg1, %mul3A : i32
    "tpu.region"() ({
      %run_scoped3A = tpu.sem_alloc : memref<!tpu.dma_semaphore, #tpu.memory_space<semaphore_mem>>
      tpu.enqueue_dma source(%arg6 : memref<128x128xf32, #tpu.memory_space<hbm>>) target(%arg10 : memref<128x128xf32, #tpu.memory_space<vmem>>) target_semaphore(%run_scoped3A : memref<!tpu.dma_semaphore, #tpu.memory_space<semaphore_mem>>)
      tpu.wait_dma2 semaphore(%run_scoped3A : memref<!tpu.dma_semaphore, #tpu.memory_space<semaphore_mem>>) src(%arg6 : memref<128x128xf32, #tpu.memory_space<hbm>>) dst(%arg10 : memref<128x128xf32, #tpu.memory_space<vmem>>)
      tpu.yield
    }) : () -> ()
    %scan3A = arith.constant 0 : i32
    %scan3A_1 = arith.constant 0 : i32
    %scan3A_2 = arith.constant 5 : i32
    %scan3A_3 = arith.addi %scan3A_1, %scan3A_2 : i32
    %scan3A_4 = arith.constant 1 : i32
    scf.for %scan3A_77 = %scan3A_1 to %scan3A_3 step %scan3A_4  : i32 {
      %mul3A_78 = arith.constant 640 : i32
      %mul3A_79 = arith.muli %arg1, %mul3A_78 : i32
      %mul3A_80 = arith.constant 128 : i32
      %mul3A_81 = arith.muli %scan3A_77, %mul3A_80 : i32
      %add3A_82 = arith.addi %mul3A_79, %mul3A_81 : i32
      "tpu.region"() ({
        %run_scoped3A = tpu.sem_alloc : memref<!tpu.dma_semaphore, #tpu.memory_space<semaphore_mem>>
        %dma_start3A_83 = arith.constant 0 : i32
        %dma_start3A_84 = tpu.memref_slice %arg9[%add3A_82, %dma_start3A_83] : memref<10240x128xf32, #tpu.memory_space<vmem_shared>> -> memref<128x128xf32, #tpu.memory_space<vmem_shared>>
        %dma_start3A_85 = arith.constant 0 : i32
        %dma_start3A_86 = tpu.memref_slice %arg9[%add3A_82, %dma_start3A_85] : memref<10240x128xf32, #tpu.memory_space<vmem_shared>> -> memref<128x128xf32, #tpu.memory_space<vmem_shared>>
        tpu.enqueue_dma source(%arg10 : memref<128x128xf32, #tpu.memory_space<vmem>>) target(%dma_start3A_86 : memref<128x128xf32, #tpu.memory_space<vmem_shared>>) target_semaphore(%run_scoped3A : memref<!tpu.dma_semaphore, #tpu.memory_space<semaphore_mem>>)
        %dma_wait3A_87 = arith.constant 0 : i32
        %dma_wait3A_88 = tpu.memref_slice %arg9[%add3A_82, %dma_wait3A_87] : memref<10240x128xf32, #tpu.memory_space<vmem_shared>> -> memref<128x128xf32, #tpu.memory_space<vmem_shared>>
        %dma_wait3A_89 = arith.constant 0 : i32
        %dma_wait3A_90 = tpu.memref_slice %arg9[%add3A_82, %dma_wait3A_89] : memref<10240x128xf32, #tpu.memory_space<vmem_shared>> -> memref<128x128xf32, #tpu.memory_space<vmem_shared>>
        tpu.wait_dma2 semaphore(%run_scoped3A : memref<!tpu.dma_semaphore, #tpu.memory_space<semaphore_mem>>) src(%arg10 : memref<128x128xf32, #tpu.memory_space<vmem>>) dst(%dma_wait3A_90 : memref<128x128xf32, #tpu.memory_space<vmem_shared>>)
        tpu.yield
      }) : () -> ()
    }
    %scan3A_5 = arith.constant 5 : i32
    %barrier3A = arith.constant 0 : index
    tpu.barrier barrier_id(%barrier3A)
    %add3A = arith.constant 0 : i32
    %add3A_6 = arith.addi %mul3A_0, %add3A : i32
    %dma_start3A = arith.constant 0 : i32
    %dma_start3A_7 = tpu.memref_slice %arg4[%add3A_6, %dma_start3A] : memref<2560x128xi32, #tpu.memory_space<hbm>> -> memref<20x128xi32, #tpu.memory_space<hbm>>
    %dma_start3A_8 = arith.constant 0 : i32
    %dma_start3A_9 = tpu.memref_slice %arg4[%add3A_6, %dma_start3A_8] : memref<2560x128xi32, #tpu.memory_space<hbm>> -> memref<20x128xi32, #tpu.memory_space<hbm>>
    tpu.enqueue_dma source(%dma_start3A_9 : memref<20x128xi32, #tpu.memory_space<hbm>>) target(%arg12 : memref<20x128xi32, #tpu.memory_space<vmem>>) target_semaphore(%arg18 : memref<!tpu.dma_semaphore, #tpu.memory_space<semaphore_mem>>)
    %add3A_10 = arith.constant 0 : i32
    %add3A_11 = arith.addi %mul3A_0, %add3A_10 : i32
    %dma_start3A_12 = arith.constant 0 : i32
    %dma_start3A_13 = tpu.memref_slice %arg5[%add3A_11, %dma_start3A_12] : memref<2560x128xi32, #tpu.memory_space<hbm>> -> memref<20x128xi32, #tpu.memory_space<hbm>>
    %dma_start3A_14 = arith.constant 0 : i32
    %dma_start3A_15 = tpu.memref_slice %arg5[%add3A_11, %dma_start3A_14] : memref<2560x128xi32, #tpu.memory_space<hbm>> -> memref<20x128xi32, #tpu.memory_space<hbm>>
    tpu.enqueue_dma source(%dma_start3A_15 : memref<20x128xi32, #tpu.memory_space<hbm>>) target(%arg14 : memref<20x128xi32, #tpu.memory_space<vmem>>) target_semaphore(%arg18 : memref<!tpu.dma_semaphore, #tpu.memory_space<semaphore_mem>>)
    %add3A_16 = arith.constant 20 : i32
    %add3A_17 = arith.addi %mul3A_0, %add3A_16 : i32
    %dma_start3A_18 = arith.constant 0 : i32
    %dma_start3A_19 = tpu.memref_slice %arg4[%add3A_17, %dma_start3A_18] : memref<2560x128xi32, #tpu.memory_space<hbm>> -> memref<20x128xi32, #tpu.memory_space<hbm>>
    %dma_start3A_20 = arith.constant 0 : i32
    %dma_start3A_21 = tpu.memref_slice %arg4[%add3A_17, %dma_start3A_20] : memref<2560x128xi32, #tpu.memory_space<hbm>> -> memref<20x128xi32, #tpu.memory_space<hbm>>
    tpu.enqueue_dma source(%dma_start3A_21 : memref<20x128xi32, #tpu.memory_space<hbm>>) target(%arg13 : memref<20x128xi32, #tpu.memory_space<vmem>>) target_semaphore(%arg19 : memref<!tpu.dma_semaphore, #tpu.memory_space<semaphore_mem>>)
    %add3A_22 = arith.constant 20 : i32
    %add3A_23 = arith.addi %mul3A_0, %add3A_22 : i32
    %dma_start3A_24 = arith.constant 0 : i32
    %dma_start3A_25 = tpu.memref_slice %arg5[%add3A_23, %dma_start3A_24] : memref<2560x128xi32, #tpu.memory_space<hbm>> -> memref<20x128xi32, #tpu.memory_space<hbm>>
    %dma_start3A_26 = arith.constant 0 : i32
    %dma_start3A_27 = tpu.memref_slice %arg5[%add3A_23, %dma_start3A_26] : memref<2560x128xi32, #tpu.memory_space<hbm>> -> memref<20x128xi32, #tpu.memory_space<hbm>>
    tpu.enqueue_dma source(%dma_start3A_27 : memref<20x128xi32, #tpu.memory_space<hbm>>) target(%arg15 : memref<20x128xi32, #tpu.memory_space<vmem>>) target_semaphore(%arg19 : memref<!tpu.dma_semaphore, #tpu.memory_space<semaphore_mem>>)
    %add3A_28 = arith.constant 0 : i32
    %add3A_29 = arith.addi %mul3A_0, %add3A_28 : i32
    %dma_wait3A = arith.constant 0 : i32
    %dma_wait3A_30 = tpu.memref_slice %arg4[%add3A_29, %dma_wait3A] : memref<2560x128xi32, #tpu.memory_space<hbm>> -> memref<20x128xi32, #tpu.memory_space<hbm>>
    %dma_wait3A_31 = arith.constant 0 : i32
    %dma_wait3A_32 = tpu.memref_slice %arg4[%add3A_29, %dma_wait3A_31] : memref<2560x128xi32, #tpu.memory_space<hbm>> -> memref<20x128xi32, #tpu.memory_space<hbm>>
    tpu.wait_dma2 semaphore(%arg18 : memref<!tpu.dma_semaphore, #tpu.memory_space<semaphore_mem>>) src(%dma_wait3A_32 : memref<20x128xi32, #tpu.memory_space<hbm>>) dst(%arg12 : memref<20x128xi32, #tpu.memory_space<vmem>>)
    %add3A_33 = arith.constant 0 : i32
    %add3A_34 = arith.addi %mul3A_0, %add3A_33 : i32
    %dma_wait3A_35 = arith.constant 0 : i32
    %dma_wait3A_36 = tpu.memref_slice %arg5[%add3A_34, %dma_wait3A_35] : memref<2560x128xi32, #tpu.memory_space<hbm>> -> memref<20x128xi32, #tpu.memory_space<hbm>>
    %dma_wait3A_37 = arith.constant 0 : i32
    %dma_wait3A_38 = tpu.memref_slice %arg5[%add3A_34, %dma_wait3A_37] : memref<2560x128xi32, #tpu.memory_space<hbm>> -> memref<20x128xi32, #tpu.memory_space<hbm>>
    tpu.wait_dma2 semaphore(%arg18 : memref<!tpu.dma_semaphore, #tpu.memory_space<semaphore_mem>>) src(%dma_wait3A_38 : memref<20x128xi32, #tpu.memory_space<hbm>>) dst(%arg14 : memref<20x128xi32, #tpu.memory_space<vmem>>)
    %eq3A = arith.constant 0 : i32
    %eq3A_39 = arith.cmpi eq, %arg0, %eq3A : i32
    %convert_element_type3A = arith.extui %eq3A_39 : i1 to i32
    %cond3A = arith.constant 0 : i32
    %cond3A_40 = arith.constant 0 : i32
    %cond3A_41 = arith.cmpi ne, %convert_element_type3A, %cond3A_40 : i32
    scf.if %cond3A_41 {
      %dma_start3A_77 = arith.constant 0 : i32
      %dma_start3A_78 = tpu.memref_slice %arg12[%cond3A, %dma_start3A_77] : memref<20x128xi32, #tpu.memory_space<vmem>> -> memref<1x128xi32, #tpu.memory_space<vmem>>
      %dma_start3A_79 = tpu.memref_squeeze %dma_start3A_78 : memref<1x128xi32, #tpu.memory_space<vmem>> -> memref<128xi32, #tpu.memory_space<vmem>>
      %dma_start3A_80 = arith.constant 0 : i32
      %dma_start3A_81 = arith.constant 0 : i32
      %dma_start3A_82 = tpu.memref_slice %arg2[%dma_start3A_80, %dma_start3A_81] : memref<10240x128xf32, #tpu.memory_space<hbm>> -> memref<10240x128xf32, #tpu.memory_space<hbm>>
      tpu.enqueue_indirect_dma source(%dma_start3A_82 : memref<10240x128xf32, #tpu.memory_space<hbm>>) target(%arg10 : memref<128x128xf32, #tpu.memory_space<vmem>>) offsets(%dma_start3A_79 : memref<128xi32, #tpu.memory_space<vmem>>) semaphore(%arg16 : memref<!tpu.dma_semaphore, #tpu.memory_space<semaphore_mem>>)
    } else {
    }
    %eq3A_42 = arith.constant 1 : i32
    %eq3A_43 = arith.cmpi eq, %arg0, %eq3A_42 : i32
    %convert_element_type3A_44 = arith.extui %eq3A_43 : i1 to i32
    %cond3A_45 = arith.constant 0 : i32
    %cond3A_46 = arith.constant 0 : i32
    %cond3A_47 = arith.cmpi ne, %convert_element_type3A_44, %cond3A_46 : i32
    scf.if %cond3A_47 {
      %dma_start3A_77 = arith.constant 0 : i32
      %dma_start3A_78 = tpu.memref_slice %arg12[%cond3A_45, %dma_start3A_77] : memref<20x128xi32, #tpu.memory_space<vmem>> -> memref<1x128xi32, #tpu.memory_space<vmem>>
      %dma_start3A_79 = tpu.memref_squeeze %dma_start3A_78 : memref<1x128xi32, #tpu.memory_space<vmem>> -> memref<128xi32, #tpu.memory_space<vmem>>
      %dma_start3A_80 = arith.constant 0 : i32
      %dma_start3A_81 = arith.constant 0 : i32
      %dma_start3A_82 = tpu.memref_slice %arg3[%dma_start3A_80, %dma_start3A_81] : memref<10240x128xf32, #tpu.memory_space<hbm>> -> memref<10240x128xf32, #tpu.memory_space<hbm>>
      tpu.enqueue_indirect_dma source(%dma_start3A_82 : memref<10240x128xf32, #tpu.memory_space<hbm>>) target(%arg10 : memref<128x128xf32, #tpu.memory_space<vmem>>) offsets(%dma_start3A_79 : memref<128xi32, #tpu.memory_space<vmem>>) semaphore(%arg16 : memref<!tpu.dma_semaphore, #tpu.memory_space<semaphore_mem>>)
    } else {
    }
    %eq3A_48 = arith.constant 0 : i32
    %eq3A_49 = arith.cmpi eq, %arg0, %eq3A_48 : i32
    %convert_element_type3A_50 = arith.extui %eq3A_49 : i1 to i32
    %cond3A_51 = arith.constant 1 : i32
    %cond3A_52 = arith.constant 0 : i32
    %cond3A_53 = arith.cmpi ne, %convert_element_type3A_50, %cond3A_52 : i32
    scf.if %cond3A_53 {
      %dma_start3A_77 = arith.constant 0 : i32
      %dma_start3A_78 = tpu.memref_slice %arg12[%cond3A_51, %dma_start3A_77] : memref<20x128xi32, #tpu.memory_space<vmem>> -> memref<1x128xi32, #tpu.memory_space<vmem>>
      %dma_start3A_79 = tpu.memref_squeeze %dma_start3A_78 : memref<1x128xi32, #tpu.memory_space<vmem>> -> memref<128xi32, #tpu.memory_space<vmem>>
      %dma_start3A_80 = arith.constant 0 : i32
      %dma_start3A_81 = arith.constant 0 : i32
      %dma_start3A_82 = tpu.memref_slice %arg2[%dma_start3A_80, %dma_start3A_81] : memref<10240x128xf32, #tpu.memory_space<hbm>> -> memref<10240x128xf32, #tpu.memory_space<hbm>>
      tpu.enqueue_indirect_dma source(%dma_start3A_82 : memref<10240x128xf32, #tpu.memory_space<hbm>>) target(%arg11 : memref<128x128xf32, #tpu.memory_space<vmem>>) offsets(%dma_start3A_79 : memref<128xi32, #tpu.memory_space<vmem>>) semaphore(%arg17 : memref<!tpu.dma_semaphore, #tpu.memory_space<semaphore_mem>>)
    } else {
    }
    %eq3A_54 = arith.constant 1 : i32
    %eq3A_55 = arith.cmpi eq, %arg0, %eq3A_54 : i32
    %convert_element_type3A_56 = arith.extui %eq3A_55 : i1 to i32
    %cond3A_57 = arith.constant 1 : i32
    %cond3A_58 = arith.constant 0 : i32
    %cond3A_59 = arith.cmpi ne, %convert_element_type3A_56, %cond3A_58 : i32
    scf.if %cond3A_59 {
      %dma_start3A_77 = arith.constant 0 : i32
      %dma_start3A_78 = tpu.memref_slice %arg12[%cond3A_57, %dma_start3A_77] : memref<20x128xi32, #tpu.memory_space<vmem>> -> memref<1x128xi32, #tpu.memory_space<vmem>>
      %dma_start3A_79 = tpu.memref_squeeze %dma_start3A_78 : memref<1x128xi32, #tpu.memory_space<vmem>> -> memref<128xi32, #tpu.memory_space<vmem>>
      %dma_start3A_80 = arith.constant 0 : i32
      %dma_start3A_81 = arith.constant 0 : i32
      %dma_start3A_82 = tpu.memref_slice %arg3[%dma_start3A_80, %dma_start3A_81] : memref<10240x128xf32, #tpu.memory_space<hbm>> -> memref<10240x128xf32, #tpu.memory_space<hbm>>
      tpu.enqueue_indirect_dma source(%dma_start3A_82 : memref<10240x128xf32, #tpu.memory_space<hbm>>) target(%arg11 : memref<128x128xf32, #tpu.memory_space<vmem>>) offsets(%dma_start3A_79 : memref<128xi32, #tpu.memory_space<vmem>>) semaphore(%arg17 : memref<!tpu.dma_semaphore, #tpu.memory_space<semaphore_mem>>)
    } else {
    }
    %scan3A_60 = arith.constant 0 : i32
    %scan3A_61 = arith.constant 0 : i32
    %scan3A_62 = arith.constant 4 : i32
    %scan3A_63 = arith.addi %scan3A_61, %scan3A_62 : i32
    %scan3A_64 = arith.constant 1 : i32
    scf.for %scan3A_77 = %scan3A_61 to %scan3A_63 step %scan3A_64  : i32 {
      %mul3A_78 = arith.constant 2 : i32
      %mul3A_79 = arith.muli %mul3A_78, %scan3A_77 : i32
      %add3A_80 = arith.constant 0 : i32
      %add3A_81 = arith.addi %mul3A_79, %add3A_80 : i32
      %add3A_82 = arith.constant 1 : i32
      %add3A_83 = arith.addi %add3A_81, %add3A_82 : i32
      %lt3A = arith.constant 8 : i32
      %lt3A_84 = arith.cmpi slt, %add3A_83, %lt3A : i32
      %convert_element_type3A_85 = arith.extui %lt3A_84 : i1 to i32
      %cond3A_86 = arith.constant 0 : i32
      %cond3A_87 = arith.cmpi ne, %convert_element_type3A_85, %cond3A_86 : i32
      scf.if %cond3A_87 {
        %add3A_125 = arith.constant 1 : i32
        %add3A_126 = arith.addi %add3A_81, %add3A_125 : i32
        %mul3A_127 = arith.constant 20 : i32
        %mul3A_128 = arith.muli %add3A_126, %mul3A_127 : i32
        %add3A_129 = arith.addi %mul3A_0, %mul3A_128 : i32
        %dma_wait3A_130 = arith.constant 0 : i32
        %dma_wait3A_131 = tpu.memref_slice %arg4[%add3A_129, %dma_wait3A_130] : memref<2560x128xi32, #tpu.memory_space<hbm>> -> memref<20x128xi32, #tpu.memory_space<hbm>>
        %dma_wait3A_132 = arith.constant 0 : i32
        %dma_wait3A_133 = tpu.memref_slice %arg4[%add3A_129, %dma_wait3A_132] : memref<2560x128xi32, #tpu.memory_space<hbm>> -> memref<20x128xi32, #tpu.memory_space<hbm>>
        tpu.wait_dma2 semaphore(%arg19 : memref<!tpu.dma_semaphore, #tpu.memory_space<semaphore_mem>>) src(%dma_wait3A_133 : memref<20x128xi32, #tpu.memory_space<hbm>>) dst(%arg13 : memref<20x128xi32, #tpu.memory_space<vmem>>)
        %mul3A_134 = arith.constant 20 : i32
        %mul3A_135 = arith.muli %add3A_126, %mul3A_134 : i32
        %add3A_136 = arith.addi %mul3A_0, %mul3A_135 : i32
        %dma_wait3A_137 = arith.constant 0 : i32
        %dma_wait3A_138 = tpu.memref_slice %arg5[%add3A_136, %dma_wait3A_137] : memref<2560x128xi32, #tpu.memory_space<hbm>> -> memref<20x128xi32, #tpu.memory_space<hbm>>
        %dma_wait3A_139 = arith.constant 0 : i32
        %dma_wait3A_140 = tpu.memref_slice %arg5[%add3A_136, %dma_wait3A_139] : memref<2560x128xi32, #tpu.memory_space<hbm>> -> memref<20x128xi32, #tpu.memory_space<hbm>>
        tpu.wait_dma2 semaphore(%arg19 : memref<!tpu.dma_semaphore, #tpu.memory_space<semaphore_mem>>) src(%dma_wait3A_140 : memref<20x128xi32, #tpu.memory_space<hbm>>) dst(%arg15 : memref<20x128xi32, #tpu.memory_space<vmem>>)
      } else {
      }
      %scan3A_88 = arith.constant 0 : i32
      %scan3A_89 = arith.constant 0 : i32
      %scan3A_90 = arith.constant 10 : i32
      %scan3A_91 = arith.addi %scan3A_89, %scan3A_90 : i32
      %scan3A_92 = arith.constant 1 : i32
      scf.for %scan3A_125 = %scan3A_89 to %scan3A_91 step %scan3A_92  : i32 {
        %mul3A_126 = arith.constant 2 : i32
        %mul3A_127 = arith.muli %mul3A_126, %scan3A_125 : i32
        %add3A_128 = arith.constant 0 : i32
        %add3A_129 = arith.addi %mul3A_127, %add3A_128 : i32
        %eq3A_130 = arith.constant 0 : i32
        %eq3A_131 = arith.cmpi eq, %arg0, %eq3A_130 : i32
        %convert_element_type3A_132 = arith.extui %eq3A_131 : i1 to i32
        %cond3A_133 = arith.constant 0 : i32
        %cond3A_134 = arith.cmpi ne, %convert_element_type3A_132, %cond3A_133 : i32
        scf.if %cond3A_134 {
          %dma_wait3A_190 = arith.constant 0 : i32
          %dma_wait3A_191 = tpu.memref_slice %arg12[%add3A_129, %dma_wait3A_190] : memref<20x128xi32, #tpu.memory_space<vmem>> -> memref<1x128xi32, #tpu.memory_space<vmem>>
          %dma_wait3A_192 = tpu.memref_squeeze %dma_wait3A_191 : memref<1x128xi32, #tpu.memory_space<vmem>> -> memref<128xi32, #tpu.memory_space<vmem>>
          %dma_wait3A_193 = arith.constant 0 : i32
          %dma_wait3A_194 = arith.constant 0 : i32
          %dma_wait3A_195 = tpu.memref_slice %arg2[%dma_wait3A_193, %dma_wait3A_194] : memref<10240x128xf32, #tpu.memory_space<hbm>> -> memref<10240x128xf32, #tpu.memory_space<hbm>>
          tpu.wait_indirect_dma semaphore(%arg16 : memref<!tpu.dma_semaphore, #tpu.memory_space<semaphore_mem>>) src(%dma_wait3A_195 : memref<10240x128xf32, #tpu.memory_space<hbm>>) dst(%arg10 : memref<128x128xf32, #tpu.memory_space<vmem>>)
        } else {
        }
        %eq3A_135 = arith.constant 1 : i32
        %eq3A_136 = arith.cmpi eq, %arg0, %eq3A_135 : i32
        %convert_element_type3A_137 = arith.extui %eq3A_136 : i1 to i32
        %cond3A_138 = arith.constant 0 : i32
        %cond3A_139 = arith.cmpi ne, %convert_element_type3A_137, %cond3A_138 : i32
        scf.if %cond3A_139 {
          %dma_wait3A_190 = arith.constant 0 : i32
          %dma_wait3A_191 = tpu.memref_slice %arg12[%add3A_129, %dma_wait3A_190] : memref<20x128xi32, #tpu.memory_space<vmem>> -> memref<1x128xi32, #tpu.memory_space<vmem>>
          %dma_wait3A_192 = tpu.memref_squeeze %dma_wait3A_191 : memref<1x128xi32, #tpu.memory_space<vmem>> -> memref<128xi32, #tpu.memory_space<vmem>>
          %dma_wait3A_193 = arith.constant 0 : i32
          %dma_wait3A_194 = arith.constant 0 : i32
          %dma_wait3A_195 = tpu.memref_slice %arg3[%dma_wait3A_193, %dma_wait3A_194] : memref<10240x128xf32, #tpu.memory_space<hbm>> -> memref<10240x128xf32, #tpu.memory_space<hbm>>
          tpu.wait_indirect_dma semaphore(%arg16 : memref<!tpu.dma_semaphore, #tpu.memory_space<semaphore_mem>>) src(%dma_wait3A_195 : memref<10240x128xf32, #tpu.memory_space<hbm>>) dst(%arg10 : memref<128x128xf32, #tpu.memory_space<vmem>>)
        } else {
        }
        "tpu.region"() ({
          %run_scoped3A = tpu.sem_alloc : memref<!tpu.dma_semaphore, #tpu.memory_space<semaphore_mem>>
          %dma_start3A_190 = arith.constant 0 : i32
          %dma_start3A_191 = tpu.memref_slice %arg14[%add3A_129, %dma_start3A_190] : memref<20x128xi32, #tpu.memory_space<vmem>> -> memref<1x128xi32, #tpu.memory_space<vmem>>
          %dma_start3A_192 = tpu.memref_squeeze %dma_start3A_191 : memref<1x128xi32, #tpu.memory_space<vmem>> -> memref<128xi32, #tpu.memory_space<vmem>>
          %dma_start3A_193 = arith.constant 0 : i32
          %dma_start3A_194 = arith.constant 0 : i32
          %dma_start3A_195 = tpu.memref_slice %arg9[%dma_start3A_193, %dma_start3A_194] : memref<10240x128xf32, #tpu.memory_space<vmem_shared>> -> memref<10240x128xf32, #tpu.memory_space<vmem_shared>>
          tpu.enqueue_indirect_dma source(%arg10 : memref<128x128xf32, #tpu.memory_space<vmem>>) target(%dma_start3A_195 : memref<10240x128xf32, #tpu.memory_space<vmem_shared>>) offsets(%dma_start3A_192 : memref<128xi32, #tpu.memory_space<vmem>>) semaphore(%run_scoped3A : memref<!tpu.dma_semaphore, #tpu.memory_space<semaphore_mem>>) {add = true}
          %dma_wait3A_196 = arith.constant 0 : i32
          %dma_wait3A_197 = tpu.memref_slice %arg14[%add3A_129, %dma_wait3A_196] : memref<20x128xi32, #tpu.memory_space<vmem>> -> memref<1x128xi32, #tpu.memory_space<vmem>>
          %dma_wait3A_198 = tpu.memref_squeeze %dma_wait3A_197 : memref<1x128xi32, #tpu.memory_space<vmem>> -> memref<128xi32, #tpu.memory_space<vmem>>
          %dma_wait3A_199 = arith.constant 0 : i32
          %dma_wait3A_200 = arith.constant 0 : i32
          %dma_wait3A_201 = tpu.memref_slice %arg9[%dma_wait3A_199, %dma_wait3A_200] : memref<10240x128xf32, #tpu.memory_space<vmem_shared>> -> memref<10240x128xf32, #tpu.memory_space<vmem_shared>>
          tpu.wait_indirect_dma semaphore(%run_scoped3A : memref<!tpu.dma_semaphore, #tpu.memory_space<semaphore_mem>>) src(%arg10 : memref<128x128xf32, #tpu.memory_space<vmem>>) dst(%dma_wait3A_201 : memref<10240x128xf32, #tpu.memory_space<vmem_shared>>)
          tpu.yield
        }) : () -> ()
        %add3A_140 = arith.constant 2 : i32
        %add3A_141 = arith.addi %add3A_129, %add3A_140 : i32
        %lt3A_142 = arith.constant 20 : i32
        %lt3A_143 = arith.cmpi slt, %add3A_141, %lt3A_142 : i32
        %convert_element_type3A_144 = arith.extui %lt3A_143 : i1 to i32
        %cond3A_145 = arith.constant 0 : i32
        %cond3A_146 = arith.cmpi ne, %convert_element_type3A_144, %cond3A_145 : i32
        scf.if %cond3A_146 {
          %add3A_190 = arith.constant 2 : i32
          %add3A_191 = arith.addi %add3A_129, %add3A_190 : i32
          %eq3A_192 = arith.constant 0 : i32
          %eq3A_193 = arith.cmpi eq, %arg0, %eq3A_192 : i32
          %convert_element_type3A_194 = arith.extui %eq3A_193 : i1 to i32
          %cond3A_195 = arith.constant 0 : i32
          %cond3A_196 = arith.cmpi ne, %convert_element_type3A_194, %cond3A_195 : i32
          scf.if %cond3A_196 {
            %dma_start3A_202 = arith.constant 0 : i32
            %dma_start3A_203 = tpu.memref_slice %arg12[%add3A_191, %dma_start3A_202] : memref<20x128xi32, #tpu.memory_space<vmem>> -> memref<1x128xi32, #tpu.memory_space<vmem>>
            %dma_start3A_204 = tpu.memref_squeeze %dma_start3A_203 : memref<1x128xi32, #tpu.memory_space<vmem>> -> memref<128xi32, #tpu.memory_space<vmem>>
            %dma_start3A_205 = arith.constant 0 : i32
            %dma_start3A_206 = arith.constant 0 : i32
            %dma_start3A_207 = tpu.memref_slice %arg2[%dma_start3A_205, %dma_start3A_206] : memref<10240x128xf32, #tpu.memory_space<hbm>> -> memref<10240x128xf32, #tpu.memory_space<hbm>>
            tpu.enqueue_indirect_dma source(%dma_start3A_207 : memref<10240x128xf32, #tpu.memory_space<hbm>>) target(%arg10 : memref<128x128xf32, #tpu.memory_space<vmem>>) offsets(%dma_start3A_204 : memref<128xi32, #tpu.memory_space<vmem>>) semaphore(%arg16 : memref<!tpu.dma_semaphore, #tpu.memory_space<semaphore_mem>>)
          } else {
          }
          %eq3A_197 = arith.constant 1 : i32
          %eq3A_198 = arith.cmpi eq, %arg0, %eq3A_197 : i32
          %convert_element_type3A_199 = arith.extui %eq3A_198 : i1 to i32
          %cond3A_200 = arith.constant 0 : i32
          %cond3A_201 = arith.cmpi ne, %convert_element_type3A_199, %cond3A_200 : i32
          scf.if %cond3A_201 {
            %dma_start3A_202 = arith.constant 0 : i32
            %dma_start3A_203 = tpu.memref_slice %arg12[%add3A_191, %dma_start3A_202] : memref<20x128xi32, #tpu.memory_space<vmem>> -> memref<1x128xi32, #tpu.memory_space<vmem>>
            %dma_start3A_204 = tpu.memref_squeeze %dma_start3A_203 : memref<1x128xi32, #tpu.memory_space<vmem>> -> memref<128xi32, #tpu.memory_space<vmem>>
            %dma_start3A_205 = arith.constant 0 : i32
            %dma_start3A_206 = arith.constant 0 : i32
            %dma_start3A_207 = tpu.memref_slice %arg3[%dma_start3A_205, %dma_start3A_206] : memref<10240x128xf32, #tpu.memory_space<hbm>> -> memref<10240x128xf32, #tpu.memory_space<hbm>>
            tpu.enqueue_indirect_dma source(%dma_start3A_207 : memref<10240x128xf32, #tpu.memory_space<hbm>>) target(%arg10 : memref<128x128xf32, #tpu.memory_space<vmem>>) offsets(%dma_start3A_204 : memref<128xi32, #tpu.memory_space<vmem>>) semaphore(%arg16 : memref<!tpu.dma_semaphore, #tpu.memory_space<semaphore_mem>>)
          } else {
          }
        } else {
        }
        %add3A_147 = arith.constant 2 : i32
        %add3A_148 = arith.addi %add3A_129, %add3A_147 : i32
        %ge3A = arith.constant 20 : i32
        %ge3A_149 = arith.cmpi sge, %add3A_148, %ge3A : i32
        %add3A_150 = arith.constant 1 : i32
        %add3A_151 = arith.addi %add3A_81, %add3A_150 : i32
        %lt3A_152 = arith.constant 8 : i32
        %lt3A_153 = arith.cmpi slt, %add3A_151, %lt3A_152 : i32
        %and3A = arith.andi %ge3A_149, %lt3A_153 : i1
        %convert_element_type3A_154 = arith.extui %and3A : i1 to i32
        %cond3A_155 = arith.constant 0 : i32
        %cond3A_156 = arith.cmpi ne, %convert_element_type3A_154, %cond3A_155 : i32
        scf.if %cond3A_156 {
          %add3A_190 = arith.constant 2 : i32
          %add3A_191 = arith.addi %add3A_129, %add3A_190 : i32
          %sub3A = arith.constant 20 : i32
          %sub3A_192 = arith.subi %add3A_191, %sub3A : i32
          %eq3A_193 = arith.constant 0 : i32
          %eq3A_194 = arith.cmpi eq, %arg0, %eq3A_193 : i32
          %convert_element_type3A_195 = arith.extui %eq3A_194 : i1 to i32
          %cond3A_196 = arith.constant 0 : i32
          %cond3A_197 = arith.cmpi ne, %convert_element_type3A_195, %cond3A_196 : i32
          scf.if %cond3A_197 {
            %dma_start3A_203 = arith.constant 0 : i32
            %dma_start3A_204 = tpu.memref_slice %arg13[%sub3A_192, %dma_start3A_203] : memref<20x128xi32, #tpu.memory_space<vmem>> -> memref<1x128xi32, #tpu.memory_space<vmem>>
            %dma_start3A_205 = tpu.memref_squeeze %dma_start3A_204 : memref<1x128xi32, #tpu.memory_space<vmem>> -> memref<128xi32, #tpu.memory_space<vmem>>
            %dma_start3A_206 = arith.constant 0 : i32
            %dma_start3A_207 = arith.constant 0 : i32
            %dma_start3A_208 = tpu.memref_slice %arg2[%dma_start3A_206, %dma_start3A_207] : memref<10240x128xf32, #tpu.memory_space<hbm>> -> memref<10240x128xf32, #tpu.memory_space<hbm>>
            tpu.enqueue_indirect_dma source(%dma_start3A_208 : memref<10240x128xf32, #tpu.memory_space<hbm>>) target(%arg10 : memref<128x128xf32, #tpu.memory_space<vmem>>) offsets(%dma_start3A_205 : memref<128xi32, #tpu.memory_space<vmem>>) semaphore(%arg16 : memref<!tpu.dma_semaphore, #tpu.memory_space<semaphore_mem>>)
          } else {
          }
          %eq3A_198 = arith.constant 1 : i32
          %eq3A_199 = arith.cmpi eq, %arg0, %eq3A_198 : i32
          %convert_element_type3A_200 = arith.extui %eq3A_199 : i1 to i32
          %cond3A_201 = arith.constant 0 : i32
          %cond3A_202 = arith.cmpi ne, %convert_element_type3A_200, %cond3A_201 : i32
          scf.if %cond3A_202 {
            %dma_start3A_203 = arith.constant 0 : i32
            %dma_start3A_204 = tpu.memref_slice %arg13[%sub3A_192, %dma_start3A_203] : memref<20x128xi32, #tpu.memory_space<vmem>> -> memref<1x128xi32, #tpu.memory_space<vmem>>
            %dma_start3A_205 = tpu.memref_squeeze %dma_start3A_204 : memref<1x128xi32, #tpu.memory_space<vmem>> -> memref<128xi32, #tpu.memory_space<vmem>>
            %dma_start3A_206 = arith.constant 0 : i32
            %dma_start3A_207 = arith.constant 0 : i32
            %dma_start3A_208 = tpu.memref_slice %arg3[%dma_start3A_206, %dma_start3A_207] : memref<10240x128xf32, #tpu.memory_space<hbm>> -> memref<10240x128xf32, #tpu.memory_space<hbm>>
            tpu.enqueue_indirect_dma source(%dma_start3A_208 : memref<10240x128xf32, #tpu.memory_space<hbm>>) target(%arg10 : memref<128x128xf32, #tpu.memory_space<vmem>>) offsets(%dma_start3A_205 : memref<128xi32, #tpu.memory_space<vmem>>) semaphore(%arg16 : memref<!tpu.dma_semaphore, #tpu.memory_space<semaphore_mem>>)
          } else {
          }
        } else {
        }
        %mul3A_157 = arith.constant 2 : i32
        %mul3A_158 = arith.muli %mul3A_157, %scan3A_125 : i32
        %add3A_159 = arith.constant 1 : i32
        %add3A_160 = arith.addi %mul3A_158, %add3A_159 : i32
        %eq3A_161 = arith.constant 0 : i32
        %eq3A_162 = arith.cmpi eq, %arg0, %eq3A_161 : i32
        %convert_element_type3A_163 = arith.extui %eq3A_162 : i1 to i32
        %cond3A_164 = arith.constant 0 : i32
        %cond3A_165 = arith.cmpi ne, %convert_element_type3A_163, %cond3A_164 : i32
        scf.if %cond3A_165 {
          %dma_wait3A_190 = arith.constant 0 : i32
          %dma_wait3A_191 = tpu.memref_slice %arg12[%add3A_160, %dma_wait3A_190] : memref<20x128xi32, #tpu.memory_space<vmem>> -> memref<1x128xi32, #tpu.memory_space<vmem>>
          %dma_wait3A_192 = tpu.memref_squeeze %dma_wait3A_191 : memref<1x128xi32, #tpu.memory_space<vmem>> -> memref<128xi32, #tpu.memory_space<vmem>>
          %dma_wait3A_193 = arith.constant 0 : i32
          %dma_wait3A_194 = arith.constant 0 : i32
          %dma_wait3A_195 = tpu.memref_slice %arg2[%dma_wait3A_193, %dma_wait3A_194] : memref<10240x128xf32, #tpu.memory_space<hbm>> -> memref<10240x128xf32, #tpu.memory_space<hbm>>
          tpu.wait_indirect_dma semaphore(%arg17 : memref<!tpu.dma_semaphore, #tpu.memory_space<semaphore_mem>>) src(%dma_wait3A_195 : memref<10240x128xf32, #tpu.memory_space<hbm>>) dst(%arg11 : memref<128x128xf32, #tpu.memory_space<vmem>>)
        } else {
        }
        %eq3A_166 = arith.constant 1 : i32
        %eq3A_167 = arith.cmpi eq, %arg0, %eq3A_166 : i32
        %convert_element_type3A_168 = arith.extui %eq3A_167 : i1 to i32
        %cond3A_169 = arith.constant 0 : i32
        %cond3A_170 = arith.cmpi ne, %convert_element_type3A_168, %cond3A_169 : i32
        scf.if %cond3A_170 {
          %dma_wait3A_190 = arith.constant 0 : i32
          %dma_wait3A_191 = tpu.memref_slice %arg12[%add3A_160, %dma_wait3A_190] : memref<20x128xi32, #tpu.memory_space<vmem>> -> memref<1x128xi32, #tpu.memory_space<vmem>>
          %dma_wait3A_192 = tpu.memref_squeeze %dma_wait3A_191 : memref<1x128xi32, #tpu.memory_space<vmem>> -> memref<128xi32, #tpu.memory_space<vmem>>
          %dma_wait3A_193 = arith.constant 0 : i32
          %dma_wait3A_194 = arith.constant 0 : i32
          %dma_wait3A_195 = tpu.memref_slice %arg3[%dma_wait3A_193, %dma_wait3A_194] : memref<10240x128xf32, #tpu.memory_space<hbm>> -> memref<10240x128xf32, #tpu.memory_space<hbm>>
          tpu.wait_indirect_dma semaphore(%arg17 : memref<!tpu.dma_semaphore, #tpu.memory_space<semaphore_mem>>) src(%dma_wait3A_195 : memref<10240x128xf32, #tpu.memory_space<hbm>>) dst(%arg11 : memref<128x128xf32, #tpu.memory_space<vmem>>)
        } else {
        }
        "tpu.region"() ({
          %run_scoped3A = tpu.sem_alloc : memref<!tpu.dma_semaphore, #tpu.memory_space<semaphore_mem>>
          %dma_start3A_190 = arith.constant 0 : i32
          %dma_start3A_191 = tpu.memref_slice %arg14[%add3A_160, %dma_start3A_190] : memref<20x128xi32, #tpu.memory_space<vmem>> -> memref<1x128xi32, #tpu.memory_space<vmem>>
          %dma_start3A_192 = tpu.memref_squeeze %dma_start3A_191 : memref<1x128xi32, #tpu.memory_space<vmem>> -> memref<128xi32, #tpu.memory_space<vmem>>
          %dma_start3A_193 = arith.constant 0 : i32
          %dma_start3A_194 = arith.constant 0 : i32
          %dma_start3A_195 = tpu.memref_slice %arg9[%dma_start3A_193, %dma_start3A_194] : memref<10240x128xf32, #tpu.memory_space<vmem_shared>> -> memref<10240x128xf32, #tpu.memory_space<vmem_shared>>
          tpu.enqueue_indirect_dma source(%arg11 : memref<128x128xf32, #tpu.memory_space<vmem>>) target(%dma_start3A_195 : memref<10240x128xf32, #tpu.memory_space<vmem_shared>>) offsets(%dma_start3A_192 : memref<128xi32, #tpu.memory_space<vmem>>) semaphore(%run_scoped3A : memref<!tpu.dma_semaphore, #tpu.memory_space<semaphore_mem>>) {add = true}
          %dma_wait3A_196 = arith.constant 0 : i32
          %dma_wait3A_197 = tpu.memref_slice %arg14[%add3A_160, %dma_wait3A_196] : memref<20x128xi32, #tpu.memory_space<vmem>> -> memref<1x128xi32, #tpu.memory_space<vmem>>
          %dma_wait3A_198 = tpu.memref_squeeze %dma_wait3A_197 : memref<1x128xi32, #tpu.memory_space<vmem>> -> memref<128xi32, #tpu.memory_space<vmem>>
          %dma_wait3A_199 = arith.constant 0 : i32
          %dma_wait3A_200 = arith.constant 0 : i32
          %dma_wait3A_201 = tpu.memref_slice %arg9[%dma_wait3A_199, %dma_wait3A_200] : memref<10240x128xf32, #tpu.memory_space<vmem_shared>> -> memref<10240x128xf32, #tpu.memory_space<vmem_shared>>
          tpu.wait_indirect_dma semaphore(%run_scoped3A : memref<!tpu.dma_semaphore, #tpu.memory_space<semaphore_mem>>) src(%arg11 : memref<128x128xf32, #tpu.memory_space<vmem>>) dst(%dma_wait3A_201 : memref<10240x128xf32, #tpu.memory_space<vmem_shared>>)
          tpu.yield
        }) : () -> ()
        %add3A_171 = arith.constant 2 : i32
        %add3A_172 = arith.addi %add3A_160, %add3A_171 : i32
        %lt3A_173 = arith.constant 20 : i32
        %lt3A_174 = arith.cmpi slt, %add3A_172, %lt3A_173 : i32
        %convert_element_type3A_175 = arith.extui %lt3A_174 : i1 to i32
        %cond3A_176 = arith.constant 0 : i32
        %cond3A_177 = arith.cmpi ne, %convert_element_type3A_175, %cond3A_176 : i32
        scf.if %cond3A_177 {
          %add3A_190 = arith.constant 2 : i32
          %add3A_191 = arith.addi %add3A_160, %add3A_190 : i32
          %eq3A_192 = arith.constant 0 : i32
          %eq3A_193 = arith.cmpi eq, %arg0, %eq3A_192 : i32
          %convert_element_type3A_194 = arith.extui %eq3A_193 : i1 to i32
          %cond3A_195 = arith.constant 0 : i32
          %cond3A_196 = arith.cmpi ne, %convert_element_type3A_194, %cond3A_195 : i32
          scf.if %cond3A_196 {
            %dma_start3A_202 = arith.constant 0 : i32
            %dma_start3A_203 = tpu.memref_slice %arg12[%add3A_191, %dma_start3A_202] : memref<20x128xi32, #tpu.memory_space<vmem>> -> memref<1x128xi32, #tpu.memory_space<vmem>>
            %dma_start3A_204 = tpu.memref_squeeze %dma_start3A_203 : memref<1x128xi32, #tpu.memory_space<vmem>> -> memref<128xi32, #tpu.memory_space<vmem>>
            %dma_start3A_205 = arith.constant 0 : i32
            %dma_start3A_206 = arith.constant 0 : i32
            %dma_start3A_207 = tpu.memref_slice %arg2[%dma_start3A_205, %dma_start3A_206] : memref<10240x128xf32, #tpu.memory_space<hbm>> -> memref<10240x128xf32, #tpu.memory_space<hbm>>
            tpu.enqueue_indirect_dma source(%dma_start3A_207 : memref<10240x128xf32, #tpu.memory_space<hbm>>) target(%arg11 : memref<128x128xf32, #tpu.memory_space<vmem>>) offsets(%dma_start3A_204 : memref<128xi32, #tpu.memory_space<vmem>>) semaphore(%arg17 : memref<!tpu.dma_semaphore, #tpu.memory_space<semaphore_mem>>)
          } else {
          }
          %eq3A_197 = arith.constant 1 : i32
          %eq3A_198 = arith.cmpi eq, %arg0, %eq3A_197 : i32
          %convert_element_type3A_199 = arith.extui %eq3A_198 : i1 to i32
          %cond3A_200 = arith.constant 0 : i32
          %cond3A_201 = arith.cmpi ne, %convert_element_type3A_199, %cond3A_200 : i32
          scf.if %cond3A_201 {
            %dma_start3A_202 = arith.constant 0 : i32
            %dma_start3A_203 = tpu.memref_slice %arg12[%add3A_191, %dma_start3A_202] : memref<20x128xi32, #tpu.memory_space<vmem>> -> memref<1x128xi32, #tpu.memory_space<vmem>>
            %dma_start3A_204 = tpu.memref_squeeze %dma_start3A_203 : memref<1x128xi32, #tpu.memory_space<vmem>> -> memref<128xi32, #tpu.memory_space<vmem>>
            %dma_start3A_205 = arith.constant 0 : i32
            %dma_start3A_206 = arith.constant 0 : i32
            %dma_start3A_207 = tpu.memref_slice %arg3[%dma_start3A_205, %dma_start3A_206] : memref<10240x128xf32, #tpu.memory_space<hbm>> -> memref<10240x128xf32, #tpu.memory_space<hbm>>
            tpu.enqueue_indirect_dma source(%dma_start3A_207 : memref<10240x128xf32, #tpu.memory_space<hbm>>) target(%arg11 : memref<128x128xf32, #tpu.memory_space<vmem>>) offsets(%dma_start3A_204 : memref<128xi32, #tpu.memory_space<vmem>>) semaphore(%arg17 : memref<!tpu.dma_semaphore, #tpu.memory_space<semaphore_mem>>)
          } else {
          }
        } else {
        }
        %add3A_178 = arith.constant 2 : i32
        %add3A_179 = arith.addi %add3A_160, %add3A_178 : i32
        %ge3A_180 = arith.constant 20 : i32
        %ge3A_181 = arith.cmpi sge, %add3A_179, %ge3A_180 : i32
        %add3A_182 = arith.constant 1 : i32
        %add3A_183 = arith.addi %add3A_81, %add3A_182 : i32
        %lt3A_184 = arith.constant 8 : i32
        %lt3A_185 = arith.cmpi slt, %add3A_183, %lt3A_184 : i32
        %and3A_186 = arith.andi %ge3A_181, %lt3A_185 : i1
        %convert_element_type3A_187 = arith.extui %and3A_186 : i1 to i32
        %cond3A_188 = arith.constant 0 : i32
        %cond3A_189 = arith.cmpi ne, %convert_element_type3A_187, %cond3A_188 : i32
        scf.if %cond3A_189 {
          %add3A_190 = arith.constant 2 : i32
          %add3A_191 = arith.addi %add3A_160, %add3A_190 : i32
          %sub3A = arith.constant 20 : i32
          %sub3A_192 = arith.subi %add3A_191, %sub3A : i32
          %eq3A_193 = arith.constant 0 : i32
          %eq3A_194 = arith.cmpi eq, %arg0, %eq3A_193 : i32
          %convert_element_type3A_195 = arith.extui %eq3A_194 : i1 to i32
          %cond3A_196 = arith.constant 0 : i32
          %cond3A_197 = arith.cmpi ne, %convert_element_type3A_195, %cond3A_196 : i32
          scf.if %cond3A_197 {
            %dma_start3A_203 = arith.constant 0 : i32
            %dma_start3A_204 = tpu.memref_slice %arg13[%sub3A_192, %dma_start3A_203] : memref<20x128xi32, #tpu.memory_space<vmem>> -> memref<1x128xi32, #tpu.memory_space<vmem>>
            %dma_start3A_205 = tpu.memref_squeeze %dma_start3A_204 : memref<1x128xi32, #tpu.memory_space<vmem>> -> memref<128xi32, #tpu.memory_space<vmem>>
            %dma_start3A_206 = arith.constant 0 : i32
            %dma_start3A_207 = arith.constant 0 : i32
            %dma_start3A_208 = tpu.memref_slice %arg2[%dma_start3A_206, %dma_start3A_207] : memref<10240x128xf32, #tpu.memory_space<hbm>> -> memref<10240x128xf32, #tpu.memory_space<hbm>>
            tpu.enqueue_indirect_dma source(%dma_start3A_208 : memref<10240x128xf32, #tpu.memory_space<hbm>>) target(%arg11 : memref<128x128xf32, #tpu.memory_space<vmem>>) offsets(%dma_start3A_205 : memref<128xi32, #tpu.memory_space<vmem>>) semaphore(%arg17 : memref<!tpu.dma_semaphore, #tpu.memory_space<semaphore_mem>>)
          } else {
          }
          %eq3A_198 = arith.constant 1 : i32
          %eq3A_199 = arith.cmpi eq, %arg0, %eq3A_198 : i32
          %convert_element_type3A_200 = arith.extui %eq3A_199 : i1 to i32
          %cond3A_201 = arith.constant 0 : i32
          %cond3A_202 = arith.cmpi ne, %convert_element_type3A_200, %cond3A_201 : i32
          scf.if %cond3A_202 {
            %dma_start3A_203 = arith.constant 0 : i32
            %dma_start3A_204 = tpu.memref_slice %arg13[%sub3A_192, %dma_start3A_203] : memref<20x128xi32, #tpu.memory_space<vmem>> -> memref<1x128xi32, #tpu.memory_space<vmem>>
            %dma_start3A_205 = tpu.memref_squeeze %dma_start3A_204 : memref<1x128xi32, #tpu.memory_space<vmem>> -> memref<128xi32, #tpu.memory_space<vmem>>
            %dma_start3A_206 = arith.constant 0 : i32
            %dma_start3A_207 = arith.constant 0 : i32
            %dma_start3A_208 = tpu.memref_slice %arg3[%dma_start3A_206, %dma_start3A_207] : memref<10240x128xf32, #tpu.memory_space<hbm>> -> memref<10240x128xf32, #tpu.memory_space<hbm>>
            tpu.enqueue_indirect_dma source(%dma_start3A_208 : memref<10240x128xf32, #tpu.memory_space<hbm>>) target(%arg11 : memref<128x128xf32, #tpu.memory_space<vmem>>) offsets(%dma_start3A_205 : memref<128xi32, #tpu.memory_space<vmem>>) semaphore(%arg17 : memref<!tpu.dma_semaphore, #tpu.memory_space<semaphore_mem>>)
          } else {
          }
        } else {
        }
      }
      %scan3A_93 = arith.constant 10 : i32
      %add3A_94 = arith.constant 2 : i32
      %add3A_95 = arith.addi %add3A_81, %add3A_94 : i32
      %lt3A_96 = arith.constant 8 : i32
      %lt3A_97 = arith.cmpi slt, %add3A_95, %lt3A_96 : i32
      %convert_element_type3A_98 = arith.extui %lt3A_97 : i1 to i32
      %cond3A_99 = arith.constant 0 : i32
      %cond3A_100 = arith.cmpi ne, %convert_element_type3A_98, %cond3A_99 : i32
      scf.if %cond3A_100 {
        %add3A_125 = arith.constant 2 : i32
        %add3A_126 = arith.addi %add3A_81, %add3A_125 : i32
        %mul3A_127 = arith.constant 20 : i32
        %mul3A_128 = arith.muli %add3A_126, %mul3A_127 : i32
        %add3A_129 = arith.addi %mul3A_0, %mul3A_128 : i32
        %dma_start3A_130 = arith.constant 0 : i32
        %dma_start3A_131 = tpu.memref_slice %arg4[%add3A_129, %dma_start3A_130] : memref<2560x128xi32, #tpu.memory_space<hbm>> -> memref<20x128xi32, #tpu.memory_space<hbm>>
        %dma_start3A_132 = arith.constant 0 : i32
        %dma_start3A_133 = tpu.memref_slice %arg4[%add3A_129, %dma_start3A_132] : memref<2560x128xi32, #tpu.memory_space<hbm>> -> memref<20x128xi32, #tpu.memory_space<hbm>>
        tpu.enqueue_dma source(%dma_start3A_133 : memref<20x128xi32, #tpu.memory_space<hbm>>) target(%arg12 : memref<20x128xi32, #tpu.memory_space<vmem>>) target_semaphore(%arg18 : memref<!tpu.dma_semaphore, #tpu.memory_space<semaphore_mem>>)
        %mul3A_134 = arith.constant 20 : i32
        %mul3A_135 = arith.muli %add3A_126, %mul3A_134 : i32
        %add3A_136 = arith.addi %mul3A_0, %mul3A_135 : i32
        %dma_start3A_137 = arith.constant 0 : i32
        %dma_start3A_138 = tpu.memref_slice %arg5[%add3A_136, %dma_start3A_137] : memref<2560x128xi32, #tpu.memory_space<hbm>> -> memref<20x128xi32, #tpu.memory_space<hbm>>
        %dma_start3A_139 = arith.constant 0 : i32
        %dma_start3A_140 = tpu.memref_slice %arg5[%add3A_136, %dma_start3A_139] : memref<2560x128xi32, #tpu.memory_space<hbm>> -> memref<20x128xi32, #tpu.memory_space<hbm>>
        tpu.enqueue_dma source(%dma_start3A_140 : memref<20x128xi32, #tpu.memory_space<hbm>>) target(%arg14 : memref<20x128xi32, #tpu.memory_space<vmem>>) target_semaphore(%arg18 : memref<!tpu.dma_semaphore, #tpu.memory_space<semaphore_mem>>)
      } else {
      }
      %mul3A_101 = arith.constant 2 : i32
      %mul3A_102 = arith.muli %mul3A_101, %scan3A_77 : i32
      %add3A_103 = arith.constant 1 : i32
      %add3A_104 = arith.addi %mul3A_102, %add3A_103 : i32
      %add3A_105 = arith.constant 1 : i32
      %add3A_106 = arith.addi %add3A_104, %add3A_105 : i32
      %lt3A_107 = arith.constant 8 : i32
      %lt3A_108 = arith.cmpi slt, %add3A_106, %lt3A_107 : i32
      %convert_element_type3A_109 = arith.extui %lt3A_108 : i1 to i32
      %cond3A_110 = arith.constant 0 : i32
      %cond3A_111 = arith.cmpi ne, %convert_element_type3A_109, %cond3A_110 : i32
      scf.if %cond3A_111 {
        %add3A_125 = arith.constant 1 : i32
        %add3A_126 = arith.addi %add3A_104, %add3A_125 : i32
        %mul3A_127 = arith.constant 20 : i32
        %mul3A_128 = arith.muli %add3A_126, %mul3A_127 : i32
        %add3A_129 = arith.addi %mul3A_0, %mul3A_128 : i32
        %dma_wait3A_130 = arith.constant 0 : i32
        %dma_wait3A_131 = tpu.memref_slice %arg4[%add3A_129, %dma_wait3A_130] : memref<2560x128xi32, #tpu.memory_space<hbm>> -> memref<20x128xi32, #tpu.memory_space<hbm>>
        %dma_wait3A_132 = arith.constant 0 : i32
        %dma_wait3A_133 = tpu.memref_slice %arg4[%add3A_129, %dma_wait3A_132] : memref<2560x128xi32, #tpu.memory_space<hbm>> -> memref<20x128xi32, #tpu.memory_space<hbm>>
        tpu.wait_dma2 semaphore(%arg18 : memref<!tpu.dma_semaphore, #tpu.memory_space<semaphore_mem>>) src(%dma_wait3A_133 : memref<20x128xi32, #tpu.memory_space<hbm>>) dst(%arg12 : memref<20x128xi32, #tpu.memory_space<vmem>>)
        %mul3A_134 = arith.constant 20 : i32
        %mul3A_135 = arith.muli %add3A_126, %mul3A_134 : i32
        %add3A_136 = arith.addi %mul3A_0, %mul3A_135 : i32
        %dma_wait3A_137 = arith.constant 0 : i32
        %dma_wait3A_138 = tpu.memref_slice %arg5[%add3A_136, %dma_wait3A_137] : memref<2560x128xi32, #tpu.memory_space<hbm>> -> memref<20x128xi32, #tpu.memory_space<hbm>>
        %dma_wait3A_139 = arith.constant 0 : i32
        %dma_wait3A_140 = tpu.memref_slice %arg5[%add3A_136, %dma_wait3A_139] : memref<2560x128xi32, #tpu.memory_space<hbm>> -> memref<20x128xi32, #tpu.memory_space<hbm>>
        tpu.wait_dma2 semaphore(%arg18 : memref<!tpu.dma_semaphore, #tpu.memory_space<semaphore_mem>>) src(%dma_wait3A_140 : memref<20x128xi32, #tpu.memory_space<hbm>>) dst(%arg14 : memref<20x128xi32, #tpu.memory_space<vmem>>)
      } else {
      }
      %scan3A_112 = arith.constant 0 : i32
      %scan3A_113 = arith.constant 0 : i32
      %scan3A_114 = arith.constant 10 : i32
      %scan3A_115 = arith.addi %scan3A_113, %scan3A_114 : i32
      %scan3A_116 = arith.constant 1 : i32
      scf.for %scan3A_125 = %scan3A_113 to %scan3A_115 step %scan3A_116  : i32 {
        %mul3A_126 = arith.constant 2 : i32
        %mul3A_127 = arith.muli %mul3A_126, %scan3A_125 : i32
        %add3A_128 = arith.constant 0 : i32
        %add3A_129 = arith.addi %mul3A_127, %add3A_128 : i32
        %eq3A_130 = arith.constant 0 : i32
        %eq3A_131 = arith.cmpi eq, %arg0, %eq3A_130 : i32
        %convert_element_type3A_132 = arith.extui %eq3A_131 : i1 to i32
        %cond3A_133 = arith.constant 0 : i32
        %cond3A_134 = arith.cmpi ne, %convert_element_type3A_132, %cond3A_133 : i32
        scf.if %cond3A_134 {
          %dma_wait3A_190 = arith.constant 0 : i32
          %dma_wait3A_191 = tpu.memref_slice %arg13[%add3A_129, %dma_wait3A_190] : memref<20x128xi32, #tpu.memory_space<vmem>> -> memref<1x128xi32, #tpu.memory_space<vmem>>
          %dma_wait3A_192 = tpu.memref_squeeze %dma_wait3A_191 : memref<1x128xi32, #tpu.memory_space<vmem>> -> memref<128xi32, #tpu.memory_space<vmem>>
          %dma_wait3A_193 = arith.constant 0 : i32
          %dma_wait3A_194 = arith.constant 0 : i32
          %dma_wait3A_195 = tpu.memref_slice %arg2[%dma_wait3A_193, %dma_wait3A_194] : memref<10240x128xf32, #tpu.memory_space<hbm>> -> memref<10240x128xf32, #tpu.memory_space<hbm>>
          tpu.wait_indirect_dma semaphore(%arg16 : memref<!tpu.dma_semaphore, #tpu.memory_space<semaphore_mem>>) src(%dma_wait3A_195 : memref<10240x128xf32, #tpu.memory_space<hbm>>) dst(%arg10 : memref<128x128xf32, #tpu.memory_space<vmem>>)
        } else {
        }
        %eq3A_135 = arith.constant 1 : i32
        %eq3A_136 = arith.cmpi eq, %arg0, %eq3A_135 : i32
        %convert_element_type3A_137 = arith.extui %eq3A_136 : i1 to i32
        %cond3A_138 = arith.constant 0 : i32
        %cond3A_139 = arith.cmpi ne, %convert_element_type3A_137, %cond3A_138 : i32
        scf.if %cond3A_139 {
          %dma_wait3A_190 = arith.constant 0 : i32
          %dma_wait3A_191 = tpu.memref_slice %arg13[%add3A_129, %dma_wait3A_190] : memref<20x128xi32, #tpu.memory_space<vmem>> -> memref<1x128xi32, #tpu.memory_space<vmem>>
          %dma_wait3A_192 = tpu.memref_squeeze %dma_wait3A_191 : memref<1x128xi32, #tpu.memory_space<vmem>> -> memref<128xi32, #tpu.memory_space<vmem>>
          %dma_wait3A_193 = arith.constant 0 : i32
          %dma_wait3A_194 = arith.constant 0 : i32
          %dma_wait3A_195 = tpu.memref_slice %arg3[%dma_wait3A_193, %dma_wait3A_194] : memref<10240x128xf32, #tpu.memory_space<hbm>> -> memref<10240x128xf32, #tpu.memory_space<hbm>>
          tpu.wait_indirect_dma semaphore(%arg16 : memref<!tpu.dma_semaphore, #tpu.memory_space<semaphore_mem>>) src(%dma_wait3A_195 : memref<10240x128xf32, #tpu.memory_space<hbm>>) dst(%arg10 : memref<128x128xf32, #tpu.memory_space<vmem>>)
        } else {
        }
        "tpu.region"() ({
          %run_scoped3A = tpu.sem_alloc : memref<!tpu.dma_semaphore, #tpu.memory_space<semaphore_mem>>
          %dma_start3A_190 = arith.constant 0 : i32
          %dma_start3A_191 = tpu.memref_slice %arg15[%add3A_129, %dma_start3A_190] : memref<20x128xi32, #tpu.memory_space<vmem>> -> memref<1x128xi32, #tpu.memory_space<vmem>>
          %dma_start3A_192 = tpu.memref_squeeze %dma_start3A_191 : memref<1x128xi32, #tpu.memory_space<vmem>> -> memref<128xi32, #tpu.memory_space<vmem>>
          %dma_start3A_193 = arith.constant 0 : i32
          %dma_start3A_194 = arith.constant 0 : i32
          %dma_start3A_195 = tpu.memref_slice %arg9[%dma_start3A_193, %dma_start3A_194] : memref<10240x128xf32, #tpu.memory_space<vmem_shared>> -> memref<10240x128xf32, #tpu.memory_space<vmem_shared>>
          tpu.enqueue_indirect_dma source(%arg10 : memref<128x128xf32, #tpu.memory_space<vmem>>) target(%dma_start3A_195 : memref<10240x128xf32, #tpu.memory_space<vmem_shared>>) offsets(%dma_start3A_192 : memref<128xi32, #tpu.memory_space<vmem>>) semaphore(%run_scoped3A : memref<!tpu.dma_semaphore, #tpu.memory_space<semaphore_mem>>) {add = true}
          %dma_wait3A_196 = arith.constant 0 : i32
          %dma_wait3A_197 = tpu.memref_slice %arg15[%add3A_129, %dma_wait3A_196] : memref<20x128xi32, #tpu.memory_space<vmem>> -> memref<1x128xi32, #tpu.memory_space<vmem>>
          %dma_wait3A_198 = tpu.memref_squeeze %dma_wait3A_197 : memref<1x128xi32, #tpu.memory_space<vmem>> -> memref<128xi32, #tpu.memory_space<vmem>>
          %dma_wait3A_199 = arith.constant 0 : i32
          %dma_wait3A_200 = arith.constant 0 : i32
          %dma_wait3A_201 = tpu.memref_slice %arg9[%dma_wait3A_199, %dma_wait3A_200] : memref<10240x128xf32, #tpu.memory_space<vmem_shared>> -> memref<10240x128xf32, #tpu.memory_space<vmem_shared>>
          tpu.wait_indirect_dma semaphore(%run_scoped3A : memref<!tpu.dma_semaphore, #tpu.memory_space<semaphore_mem>>) src(%arg10 : memref<128x128xf32, #tpu.memory_space<vmem>>) dst(%dma_wait3A_201 : memref<10240x128xf32, #tpu.memory_space<vmem_shared>>)
          tpu.yield
        }) : () -> ()
        %add3A_140 = arith.constant 2 : i32
        %add3A_141 = arith.addi %add3A_129, %add3A_140 : i32
        %lt3A_142 = arith.constant 20 : i32
        %lt3A_143 = arith.cmpi slt, %add3A_141, %lt3A_142 : i32
        %convert_element_type3A_144 = arith.extui %lt3A_143 : i1 to i32
        %cond3A_145 = arith.constant 0 : i32
        %cond3A_146 = arith.cmpi ne, %convert_element_type3A_144, %cond3A_145 : i32
        scf.if %cond3A_146 {
          %add3A_190 = arith.constant 2 : i32
          %add3A_191 = arith.addi %add3A_129, %add3A_190 : i32
          %eq3A_192 = arith.constant 0 : i32
          %eq3A_193 = arith.cmpi eq, %arg0, %eq3A_192 : i32
          %convert_element_type3A_194 = arith.extui %eq3A_193 : i1 to i32
          %cond3A_195 = arith.constant 0 : i32
          %cond3A_196 = arith.cmpi ne, %convert_element_type3A_194, %cond3A_195 : i32
          scf.if %cond3A_196 {
            %dma_start3A_202 = arith.constant 0 : i32
            %dma_start3A_203 = tpu.memref_slice %arg13[%add3A_191, %dma_start3A_202] : memref<20x128xi32, #tpu.memory_space<vmem>> -> memref<1x128xi32, #tpu.memory_space<vmem>>
            %dma_start3A_204 = tpu.memref_squeeze %dma_start3A_203 : memref<1x128xi32, #tpu.memory_space<vmem>> -> memref<128xi32, #tpu.memory_space<vmem>>
            %dma_start3A_205 = arith.constant 0 : i32
            %dma_start3A_206 = arith.constant 0 : i32
            %dma_start3A_207 = tpu.memref_slice %arg2[%dma_start3A_205, %dma_start3A_206] : memref<10240x128xf32, #tpu.memory_space<hbm>> -> memref<10240x128xf32, #tpu.memory_space<hbm>>
            tpu.enqueue_indirect_dma source(%dma_start3A_207 : memref<10240x128xf32, #tpu.memory_space<hbm>>) target(%arg10 : memref<128x128xf32, #tpu.memory_space<vmem>>) offsets(%dma_start3A_204 : memref<128xi32, #tpu.memory_space<vmem>>) semaphore(%arg16 : memref<!tpu.dma_semaphore, #tpu.memory_space<semaphore_mem>>)
          } else {
          }
          %eq3A_197 = arith.constant 1 : i32
          %eq3A_198 = arith.cmpi eq, %arg0, %eq3A_197 : i32
          %convert_element_type3A_199 = arith.extui %eq3A_198 : i1 to i32
          %cond3A_200 = arith.constant 0 : i32
          %cond3A_201 = arith.cmpi ne, %convert_element_type3A_199, %cond3A_200 : i32
          scf.if %cond3A_201 {
            %dma_start3A_202 = arith.constant 0 : i32
            %dma_start3A_203 = tpu.memref_slice %arg13[%add3A_191, %dma_start3A_202] : memref<20x128xi32, #tpu.memory_space<vmem>> -> memref<1x128xi32, #tpu.memory_space<vmem>>
            %dma_start3A_204 = tpu.memref_squeeze %dma_start3A_203 : memref<1x128xi32, #tpu.memory_space<vmem>> -> memref<128xi32, #tpu.memory_space<vmem>>
            %dma_start3A_205 = arith.constant 0 : i32
            %dma_start3A_206 = arith.constant 0 : i32
            %dma_start3A_207 = tpu.memref_slice %arg3[%dma_start3A_205, %dma_start3A_206] : memref<10240x128xf32, #tpu.memory_space<hbm>> -> memref<10240x128xf32, #tpu.memory_space<hbm>>
            tpu.enqueue_indirect_dma source(%dma_start3A_207 : memref<10240x128xf32, #tpu.memory_space<hbm>>) target(%arg10 : memref<128x128xf32, #tpu.memory_space<vmem>>) offsets(%dma_start3A_204 : memref<128xi32, #tpu.memory_space<vmem>>) semaphore(%arg16 : memref<!tpu.dma_semaphore, #tpu.memory_space<semaphore_mem>>)
          } else {
          }
        } else {
        }
        %add3A_147 = arith.constant 2 : i32
        %add3A_148 = arith.addi %add3A_129, %add3A_147 : i32
        %ge3A = arith.constant 20 : i32
        %ge3A_149 = arith.cmpi sge, %add3A_148, %ge3A : i32
        %add3A_150 = arith.constant 1 : i32
        %add3A_151 = arith.addi %add3A_104, %add3A_150 : i32
        %lt3A_152 = arith.constant 8 : i32
        %lt3A_153 = arith.cmpi slt, %add3A_151, %lt3A_152 : i32
        %and3A = arith.andi %ge3A_149, %lt3A_153 : i1
        %convert_element_type3A_154 = arith.extui %and3A : i1 to i32
        %cond3A_155 = arith.constant 0 : i32
        %cond3A_156 = arith.cmpi ne, %convert_element_type3A_154, %cond3A_155 : i32
        scf.if %cond3A_156 {
          %add3A_190 = arith.constant 2 : i32
          %add3A_191 = arith.addi %add3A_129, %add3A_190 : i32
          %sub3A = arith.constant 20 : i32
          %sub3A_192 = arith.subi %add3A_191, %sub3A : i32
          %eq3A_193 = arith.constant 0 : i32
          %eq3A_194 = arith.cmpi eq, %arg0, %eq3A_193 : i32
          %convert_element_type3A_195 = arith.extui %eq3A_194 : i1 to i32
          %cond3A_196 = arith.constant 0 : i32
          %cond3A_197 = arith.cmpi ne, %convert_element_type3A_195, %cond3A_196 : i32
          scf.if %cond3A_197 {
            %dma_start3A_203 = arith.constant 0 : i32
            %dma_start3A_204 = tpu.memref_slice %arg12[%sub3A_192, %dma_start3A_203] : memref<20x128xi32, #tpu.memory_space<vmem>> -> memref<1x128xi32, #tpu.memory_space<vmem>>
            %dma_start3A_205 = tpu.memref_squeeze %dma_start3A_204 : memref<1x128xi32, #tpu.memory_space<vmem>> -> memref<128xi32, #tpu.memory_space<vmem>>
            %dma_start3A_206 = arith.constant 0 : i32
            %dma_start3A_207 = arith.constant 0 : i32
            %dma_start3A_208 = tpu.memref_slice %arg2[%dma_start3A_206, %dma_start3A_207] : memref<10240x128xf32, #tpu.memory_space<hbm>> -> memref<10240x128xf32, #tpu.memory_space<hbm>>
            tpu.enqueue_indirect_dma source(%dma_start3A_208 : memref<10240x128xf32, #tpu.memory_space<hbm>>) target(%arg10 : memref<128x128xf32, #tpu.memory_space<vmem>>) offsets(%dma_start3A_205 : memref<128xi32, #tpu.memory_space<vmem>>) semaphore(%arg16 : memref<!tpu.dma_semaphore, #tpu.memory_space<semaphore_mem>>)
          } else {
          }
          %eq3A_198 = arith.constant 1 : i32
          %eq3A_199 = arith.cmpi eq, %arg0, %eq3A_198 : i32
          %convert_element_type3A_200 = arith.extui %eq3A_199 : i1 to i32
          %cond3A_201 = arith.constant 0 : i32
          %cond3A_202 = arith.cmpi ne, %convert_element_type3A_200, %cond3A_201 : i32
          scf.if %cond3A_202 {
            %dma_start3A_203 = arith.constant 0 : i32
            %dma_start3A_204 = tpu.memref_slice %arg12[%sub3A_192, %dma_start3A_203] : memref<20x128xi32, #tpu.memory_space<vmem>> -> memref<1x128xi32, #tpu.memory_space<vmem>>
            %dma_start3A_205 = tpu.memref_squeeze %dma_start3A_204 : memref<1x128xi32, #tpu.memory_space<vmem>> -> memref<128xi32, #tpu.memory_space<vmem>>
            %dma_start3A_206 = arith.constant 0 : i32
            %dma_start3A_207 = arith.constant 0 : i32
            %dma_start3A_208 = tpu.memref_slice %arg3[%dma_start3A_206, %dma_start3A_207] : memref<10240x128xf32, #tpu.memory_space<hbm>> -> memref<10240x128xf32, #tpu.memory_space<hbm>>
            tpu.enqueue_indirect_dma source(%dma_start3A_208 : memref<10240x128xf32, #tpu.memory_space<hbm>>) target(%arg10 : memref<128x128xf32, #tpu.memory_space<vmem>>) offsets(%dma_start3A_205 : memref<128xi32, #tpu.memory_space<vmem>>) semaphore(%arg16 : memref<!tpu.dma_semaphore, #tpu.memory_space<semaphore_mem>>)
          } else {
          }
        } else {
        }
        %mul3A_157 = arith.constant 2 : i32
        %mul3A_158 = arith.muli %mul3A_157, %scan3A_125 : i32
        %add3A_159 = arith.constant 1 : i32
        %add3A_160 = arith.addi %mul3A_158, %add3A_159 : i32
        %eq3A_161 = arith.constant 0 : i32
        %eq3A_162 = arith.cmpi eq, %arg0, %eq3A_161 : i32
        %convert_element_type3A_163 = arith.extui %eq3A_162 : i1 to i32
        %cond3A_164 = arith.constant 0 : i32
        %cond3A_165 = arith.cmpi ne, %convert_element_type3A_163, %cond3A_164 : i32
        scf.if %cond3A_165 {
          %dma_wait3A_190 = arith.constant 0 : i32
          %dma_wait3A_191 = tpu.memref_slice %arg13[%add3A_160, %dma_wait3A_190] : memref<20x128xi32, #tpu.memory_space<vmem>> -> memref<1x128xi32, #tpu.memory_space<vmem>>
          %dma_wait3A_192 = tpu.memref_squeeze %dma_wait3A_191 : memref<1x128xi32, #tpu.memory_space<vmem>> -> memref<128xi32, #tpu.memory_space<vmem>>
          %dma_wait3A_193 = arith.constant 0 : i32
          %dma_wait3A_194 = arith.constant 0 : i32
          %dma_wait3A_195 = tpu.memref_slice %arg2[%dma_wait3A_193, %dma_wait3A_194] : memref<10240x128xf32, #tpu.memory_space<hbm>> -> memref<10240x128xf32, #tpu.memory_space<hbm>>
          tpu.wait_indirect_dma semaphore(%arg17 : memref<!tpu.dma_semaphore, #tpu.memory_space<semaphore_mem>>) src(%dma_wait3A_195 : memref<10240x128xf32, #tpu.memory_space<hbm>>) dst(%arg11 : memref<128x128xf32, #tpu.memory_space<vmem>>)
        } else {
        }
        %eq3A_166 = arith.constant 1 : i32
        %eq3A_167 = arith.cmpi eq, %arg0, %eq3A_166 : i32
        %convert_element_type3A_168 = arith.extui %eq3A_167 : i1 to i32
        %cond3A_169 = arith.constant 0 : i32
        %cond3A_170 = arith.cmpi ne, %convert_element_type3A_168, %cond3A_169 : i32
        scf.if %cond3A_170 {
          %dma_wait3A_190 = arith.constant 0 : i32
          %dma_wait3A_191 = tpu.memref_slice %arg13[%add3A_160, %dma_wait3A_190] : memref<20x128xi32, #tpu.memory_space<vmem>> -> memref<1x128xi32, #tpu.memory_space<vmem>>
          %dma_wait3A_192 = tpu.memref_squeeze %dma_wait3A_191 : memref<1x128xi32, #tpu.memory_space<vmem>> -> memref<128xi32, #tpu.memory_space<vmem>>
          %dma_wait3A_193 = arith.constant 0 : i32
          %dma_wait3A_194 = arith.constant 0 : i32
          %dma_wait3A_195 = tpu.memref_slice %arg3[%dma_wait3A_193, %dma_wait3A_194] : memref<10240x128xf32, #tpu.memory_space<hbm>> -> memref<10240x128xf32, #tpu.memory_space<hbm>>
          tpu.wait_indirect_dma semaphore(%arg17 : memref<!tpu.dma_semaphore, #tpu.memory_space<semaphore_mem>>) src(%dma_wait3A_195 : memref<10240x128xf32, #tpu.memory_space<hbm>>) dst(%arg11 : memref<128x128xf32, #tpu.memory_space<vmem>>)
        } else {
        }
        "tpu.region"() ({
          %run_scoped3A = tpu.sem_alloc : memref<!tpu.dma_semaphore, #tpu.memory_space<semaphore_mem>>
          %dma_start3A_190 = arith.constant 0 : i32
          %dma_start3A_191 = tpu.memref_slice %arg15[%add3A_160, %dma_start3A_190] : memref<20x128xi32, #tpu.memory_space<vmem>> -> memref<1x128xi32, #tpu.memory_space<vmem>>
          %dma_start3A_192 = tpu.memref_squeeze %dma_start3A_191 : memref<1x128xi32, #tpu.memory_space<vmem>> -> memref<128xi32, #tpu.memory_space<vmem>>
          %dma_start3A_193 = arith.constant 0 : i32
          %dma_start3A_194 = arith.constant 0 : i32
          %dma_start3A_195 = tpu.memref_slice %arg9[%dma_start3A_193, %dma_start3A_194] : memref<10240x128xf32, #tpu.memory_space<vmem_shared>> -> memref<10240x128xf32, #tpu.memory_space<vmem_shared>>
          tpu.enqueue_indirect_dma source(%arg11 : memref<128x128xf32, #tpu.memory_space<vmem>>) target(%dma_start3A_195 : memref<10240x128xf32, #tpu.memory_space<vmem_shared>>) offsets(%dma_start3A_192 : memref<128xi32, #tpu.memory_space<vmem>>) semaphore(%run_scoped3A : memref<!tpu.dma_semaphore, #tpu.memory_space<semaphore_mem>>) {add = true}
          %dma_wait3A_196 = arith.constant 0 : i32
          %dma_wait3A_197 = tpu.memref_slice %arg15[%add3A_160, %dma_wait3A_196] : memref<20x128xi32, #tpu.memory_space<vmem>> -> memref<1x128xi32, #tpu.memory_space<vmem>>
          %dma_wait3A_198 = tpu.memref_squeeze %dma_wait3A_197 : memref<1x128xi32, #tpu.memory_space<vmem>> -> memref<128xi32, #tpu.memory_space<vmem>>
          %dma_wait3A_199 = arith.constant 0 : i32
          %dma_wait3A_200 = arith.constant 0 : i32
          %dma_wait3A_201 = tpu.memref_slice %arg9[%dma_wait3A_199, %dma_wait3A_200] : memref<10240x128xf32, #tpu.memory_space<vmem_shared>> -> memref<10240x128xf32, #tpu.memory_space<vmem_shared>>
          tpu.wait_indirect_dma semaphore(%run_scoped3A : memref<!tpu.dma_semaphore, #tpu.memory_space<semaphore_mem>>) src(%arg11 : memref<128x128xf32, #tpu.memory_space<vmem>>) dst(%dma_wait3A_201 : memref<10240x128xf32, #tpu.memory_space<vmem_shared>>)
          tpu.yield
        }) : () -> ()
        %add3A_171 = arith.constant 2 : i32
        %add3A_172 = arith.addi %add3A_160, %add3A_171 : i32
        %lt3A_173 = arith.constant 20 : i32
        %lt3A_174 = arith.cmpi slt, %add3A_172, %lt3A_173 : i32
        %convert_element_type3A_175 = arith.extui %lt3A_174 : i1 to i32
        %cond3A_176 = arith.constant 0 : i32
        %cond3A_177 = arith.cmpi ne, %convert_element_type3A_175, %cond3A_176 : i32
        scf.if %cond3A_177 {
          %add3A_190 = arith.constant 2 : i32
          %add3A_191 = arith.addi %add3A_160, %add3A_190 : i32
          %eq3A_192 = arith.constant 0 : i32
          %eq3A_193 = arith.cmpi eq, %arg0, %eq3A_192 : i32
          %convert_element_type3A_194 = arith.extui %eq3A_193 : i1 to i32
          %cond3A_195 = arith.constant 0 : i32
          %cond3A_196 = arith.cmpi ne, %convert_element_type3A_194, %cond3A_195 : i32
          scf.if %cond3A_196 {
            %dma_start3A_202 = arith.constant 0 : i32
            %dma_start3A_203 = tpu.memref_slice %arg13[%add3A_191, %dma_start3A_202] : memref<20x128xi32, #tpu.memory_space<vmem>> -> memref<1x128xi32, #tpu.memory_space<vmem>>
            %dma_start3A_204 = tpu.memref_squeeze %dma_start3A_203 : memref<1x128xi32, #tpu.memory_space<vmem>> -> memref<128xi32, #tpu.memory_space<vmem>>
            %dma_start3A_205 = arith.constant 0 : i32
            %dma_start3A_206 = arith.constant 0 : i32
            %dma_start3A_207 = tpu.memref_slice %arg2[%dma_start3A_205, %dma_start3A_206] : memref<10240x128xf32, #tpu.memory_space<hbm>> -> memref<10240x128xf32, #tpu.memory_space<hbm>>
            tpu.enqueue_indirect_dma source(%dma_start3A_207 : memref<10240x128xf32, #tpu.memory_space<hbm>>) target(%arg11 : memref<128x128xf32, #tpu.memory_space<vmem>>) offsets(%dma_start3A_204 : memref<128xi32, #tpu.memory_space<vmem>>) semaphore(%arg17 : memref<!tpu.dma_semaphore, #tpu.memory_space<semaphore_mem>>)
          } else {
          }
          %eq3A_197 = arith.constant 1 : i32
          %eq3A_198 = arith.cmpi eq, %arg0, %eq3A_197 : i32
          %convert_element_type3A_199 = arith.extui %eq3A_198 : i1 to i32
          %cond3A_200 = arith.constant 0 : i32
          %cond3A_201 = arith.cmpi ne, %convert_element_type3A_199, %cond3A_200 : i32
          scf.if %cond3A_201 {
            %dma_start3A_202 = arith.constant 0 : i32
            %dma_start3A_203 = tpu.memref_slice %arg13[%add3A_191, %dma_start3A_202] : memref<20x128xi32, #tpu.memory_space<vmem>> -> memref<1x128xi32, #tpu.memory_space<vmem>>
            %dma_start3A_204 = tpu.memref_squeeze %dma_start3A_203 : memref<1x128xi32, #tpu.memory_space<vmem>> -> memref<128xi32, #tpu.memory_space<vmem>>
            %dma_start3A_205 = arith.constant 0 : i32
            %dma_start3A_206 = arith.constant 0 : i32
            %dma_start3A_207 = tpu.memref_slice %arg3[%dma_start3A_205, %dma_start3A_206] : memref<10240x128xf32, #tpu.memory_space<hbm>> -> memref<10240x128xf32, #tpu.memory_space<hbm>>
            tpu.enqueue_indirect_dma source(%dma_start3A_207 : memref<10240x128xf32, #tpu.memory_space<hbm>>) target(%arg11 : memref<128x128xf32, #tpu.memory_space<vmem>>) offsets(%dma_start3A_204 : memref<128xi32, #tpu.memory_space<vmem>>) semaphore(%arg17 : memref<!tpu.dma_semaphore, #tpu.memory_space<semaphore_mem>>)
          } else {
          }
        } else {
        }
        %add3A_178 = arith.constant 2 : i32
        %add3A_179 = arith.addi %add3A_160, %add3A_178 : i32
        %ge3A_180 = arith.constant 20 : i32
        %ge3A_181 = arith.cmpi sge, %add3A_179, %ge3A_180 : i32
        %add3A_182 = arith.constant 1 : i32
        %add3A_183 = arith.addi %add3A_104, %add3A_182 : i32
        %lt3A_184 = arith.constant 8 : i32
        %lt3A_185 = arith.cmpi slt, %add3A_183, %lt3A_184 : i32
        %and3A_186 = arith.andi %ge3A_181, %lt3A_185 : i1
        %convert_element_type3A_187 = arith.extui %and3A_186 : i1 to i32
        %cond3A_188 = arith.constant 0 : i32
        %cond3A_189 = arith.cmpi ne, %convert_element_type3A_187, %cond3A_188 : i32
        scf.if %cond3A_189 {
          %add3A_190 = arith.constant 2 : i32
          %add3A_191 = arith.addi %add3A_160, %add3A_190 : i32
          %sub3A = arith.constant 20 : i32
          %sub3A_192 = arith.subi %add3A_191, %sub3A : i32
          %eq3A_193 = arith.constant 0 : i32
          %eq3A_194 = arith.cmpi eq, %arg0, %eq3A_193 : i32
          %convert_element_type3A_195 = arith.extui %eq3A_194 : i1 to i32
          %cond3A_196 = arith.constant 0 : i32
          %cond3A_197 = arith.cmpi ne, %convert_element_type3A_195, %cond3A_196 : i32
          scf.if %cond3A_197 {
            %dma_start3A_203 = arith.constant 0 : i32
            %dma_start3A_204 = tpu.memref_slice %arg12[%sub3A_192, %dma_start3A_203] : memref<20x128xi32, #tpu.memory_space<vmem>> -> memref<1x128xi32, #tpu.memory_space<vmem>>
            %dma_start3A_205 = tpu.memref_squeeze %dma_start3A_204 : memref<1x128xi32, #tpu.memory_space<vmem>> -> memref<128xi32, #tpu.memory_space<vmem>>
            %dma_start3A_206 = arith.constant 0 : i32
            %dma_start3A_207 = arith.constant 0 : i32
            %dma_start3A_208 = tpu.memref_slice %arg2[%dma_start3A_206, %dma_start3A_207] : memref<10240x128xf32, #tpu.memory_space<hbm>> -> memref<10240x128xf32, #tpu.memory_space<hbm>>
            tpu.enqueue_indirect_dma source(%dma_start3A_208 : memref<10240x128xf32, #tpu.memory_space<hbm>>) target(%arg11 : memref<128x128xf32, #tpu.memory_space<vmem>>) offsets(%dma_start3A_205 : memref<128xi32, #tpu.memory_space<vmem>>) semaphore(%arg17 : memref<!tpu.dma_semaphore, #tpu.memory_space<semaphore_mem>>)
          } else {
          }
          %eq3A_198 = arith.constant 1 : i32
          %eq3A_199 = arith.cmpi eq, %arg0, %eq3A_198 : i32
          %convert_element_type3A_200 = arith.extui %eq3A_199 : i1 to i32
          %cond3A_201 = arith.constant 0 : i32
          %cond3A_202 = arith.cmpi ne, %convert_element_type3A_200, %cond3A_201 : i32
          scf.if %cond3A_202 {
            %dma_start3A_203 = arith.constant 0 : i32
            %dma_start3A_204 = tpu.memref_slice %arg12[%sub3A_192, %dma_start3A_203] : memref<20x128xi32, #tpu.memory_space<vmem>> -> memref<1x128xi32, #tpu.memory_space<vmem>>
            %dma_start3A_205 = tpu.memref_squeeze %dma_start3A_204 : memref<1x128xi32, #tpu.memory_space<vmem>> -> memref<128xi32, #tpu.memory_space<vmem>>
            %dma_start3A_206 = arith.constant 0 : i32
            %dma_start3A_207 = arith.constant 0 : i32
            %dma_start3A_208 = tpu.memref_slice %arg3[%dma_start3A_206, %dma_start3A_207] : memref<10240x128xf32, #tpu.memory_space<hbm>> -> memref<10240x128xf32, #tpu.memory_space<hbm>>
            tpu.enqueue_indirect_dma source(%dma_start3A_208 : memref<10240x128xf32, #tpu.memory_space<hbm>>) target(%arg11 : memref<128x128xf32, #tpu.memory_space<vmem>>) offsets(%dma_start3A_205 : memref<128xi32, #tpu.memory_space<vmem>>) semaphore(%arg17 : memref<!tpu.dma_semaphore, #tpu.memory_space<semaphore_mem>>)
          } else {
          }
        } else {
        }
      }
      %scan3A_117 = arith.constant 10 : i32
      %add3A_118 = arith.constant 2 : i32
      %add3A_119 = arith.addi %add3A_104, %add3A_118 : i32
      %lt3A_120 = arith.constant 8 : i32
      %lt3A_121 = arith.cmpi slt, %add3A_119, %lt3A_120 : i32
      %convert_element_type3A_122 = arith.extui %lt3A_121 : i1 to i32
      %cond3A_123 = arith.constant 0 : i32
      %cond3A_124 = arith.cmpi ne, %convert_element_type3A_122, %cond3A_123 : i32
      scf.if %cond3A_124 {
        %add3A_125 = arith.constant 2 : i32
        %add3A_126 = arith.addi %add3A_104, %add3A_125 : i32
        %mul3A_127 = arith.constant 20 : i32
        %mul3A_128 = arith.muli %add3A_126, %mul3A_127 : i32
        %add3A_129 = arith.addi %mul3A_0, %mul3A_128 : i32
        %dma_start3A_130 = arith.constant 0 : i32
        %dma_start3A_131 = tpu.memref_slice %arg4[%add3A_129, %dma_start3A_130] : memref<2560x128xi32, #tpu.memory_space<hbm>> -> memref<20x128xi32, #tpu.memory_space<hbm>>
        %dma_start3A_132 = arith.constant 0 : i32
        %dma_start3A_133 = tpu.memref_slice %arg4[%add3A_129, %dma_start3A_132] : memref<2560x128xi32, #tpu.memory_space<hbm>> -> memref<20x128xi32, #tpu.memory_space<hbm>>
        tpu.enqueue_dma source(%dma_start3A_133 : memref<20x128xi32, #tpu.memory_space<hbm>>) target(%arg13 : memref<20x128xi32, #tpu.memory_space<vmem>>) target_semaphore(%arg19 : memref<!tpu.dma_semaphore, #tpu.memory_space<semaphore_mem>>)
        %mul3A_134 = arith.constant 20 : i32
        %mul3A_135 = arith.muli %add3A_126, %mul3A_134 : i32
        %add3A_136 = arith.addi %mul3A_0, %mul3A_135 : i32
        %dma_start3A_137 = arith.constant 0 : i32
        %dma_start3A_138 = tpu.memref_slice %arg5[%add3A_136, %dma_start3A_137] : memref<2560x128xi32, #tpu.memory_space<hbm>> -> memref<20x128xi32, #tpu.memory_space<hbm>>
        %dma_start3A_139 = arith.constant 0 : i32
        %dma_start3A_140 = tpu.memref_slice %arg5[%add3A_136, %dma_start3A_139] : memref<2560x128xi32, #tpu.memory_space<hbm>> -> memref<20x128xi32, #tpu.memory_space<hbm>>
        tpu.enqueue_dma source(%dma_start3A_140 : memref<20x128xi32, #tpu.memory_space<hbm>>) target(%arg15 : memref<20x128xi32, #tpu.memory_space<vmem>>) target_semaphore(%arg19 : memref<!tpu.dma_semaphore, #tpu.memory_space<semaphore_mem>>)
      } else {
      }
    }
    %scan3A_65 = arith.constant 4 : i32
    %barrier3A_66 = arith.constant 0 : index
    tpu.barrier barrier_id(%barrier3A_66)
    %eq3A_67 = arith.constant 0 : i32
    %eq3A_68 = arith.cmpi eq, %arg0, %eq3A_67 : i32
    %convert_element_type3A_69 = arith.extui %eq3A_68 : i1 to i32
    %cond3A_70 = arith.constant 0 : i32
    %cond3A_71 = arith.cmpi ne, %convert_element_type3A_69, %cond3A_70 : i32
    scf.if %cond3A_71 {
      %mul3A_77 = arith.constant 640 : i32
      %mul3A_78 = arith.muli %arg1, %mul3A_77 : i32
      %mul3A_79 = arith.constant 640 : i32
      %mul3A_80 = arith.muli %arg1, %mul3A_79 : i32
      "tpu.region"() ({
        %run_scoped3A = tpu.sem_alloc : memref<!tpu.dma_semaphore, #tpu.memory_space<semaphore_mem>>
        %dma_start3A_81 = arith.constant 0 : i32
        %dma_start3A_82 = tpu.memref_slice %arg7[%mul3A_80, %dma_start3A_81] : memref<10240x128xf32, #tpu.memory_space<hbm>> -> memref<640x128xf32, #tpu.memory_space<hbm>>
        %dma_start3A_83 = arith.constant 0 : i32
        %dma_start3A_84 = tpu.memref_slice %arg9[%mul3A_78, %dma_start3A_83] : memref<10240x128xf32, #tpu.memory_space<vmem_shared>> -> memref<640x128xf32, #tpu.memory_space<vmem_shared>>
        tpu.enqueue_dma source(%dma_start3A_84 : memref<640x128xf32, #tpu.memory_space<vmem_shared>>) target(%dma_start3A_82 : memref<640x128xf32, #tpu.memory_space<hbm>>) target_semaphore(%run_scoped3A : memref<!tpu.dma_semaphore, #tpu.memory_space<semaphore_mem>>)
        %dma_wait3A_85 = arith.constant 0 : i32
        %dma_wait3A_86 = tpu.memref_slice %arg7[%mul3A_80, %dma_wait3A_85] : memref<10240x128xf32, #tpu.memory_space<hbm>> -> memref<640x128xf32, #tpu.memory_space<hbm>>
        %dma_wait3A_87 = arith.constant 0 : i32
        %dma_wait3A_88 = tpu.memref_slice %arg9[%mul3A_78, %dma_wait3A_87] : memref<10240x128xf32, #tpu.memory_space<vmem_shared>> -> memref<640x128xf32, #tpu.memory_space<vmem_shared>>
        tpu.wait_dma2 semaphore(%run_scoped3A : memref<!tpu.dma_semaphore, #tpu.memory_space<semaphore_mem>>) src(%dma_wait3A_88 : memref<640x128xf32, #tpu.memory_space<vmem_shared>>) dst(%dma_wait3A_86 : memref<640x128xf32, #tpu.memory_space<hbm>>)
        tpu.yield
      }) : () -> ()
    } else {
    }
    %eq3A_72 = arith.constant 1 : i32
    %eq3A_73 = arith.cmpi eq, %arg0, %eq3A_72 : i32
    %convert_element_type3A_74 = arith.extui %eq3A_73 : i1 to i32
    %cond3A_75 = arith.constant 0 : i32
    %cond3A_76 = arith.cmpi ne, %convert_element_type3A_74, %cond3A_75 : i32
    scf.if %cond3A_76 {
      %mul3A_77 = arith.constant 640 : i32
      %mul3A_78 = arith.muli %arg1, %mul3A_77 : i32
      %mul3A_79 = arith.constant 640 : i32
      %mul3A_80 = arith.muli %arg1, %mul3A_79 : i32
      "tpu.region"() ({
        %run_scoped3A = tpu.sem_alloc : memref<!tpu.dma_semaphore, #tpu.memory_space<semaphore_mem>>
        %dma_start3A_81 = arith.constant 0 : i32
        %dma_start3A_82 = tpu.memref_slice %arg8[%mul3A_80, %dma_start3A_81] : memref<10240x128xf32, #tpu.memory_space<hbm>> -> memref<640x128xf32, #tpu.memory_space<hbm>>
        %dma_start3A_83 = arith.constant 0 : i32
        %dma_start3A_84 = tpu.memref_slice %arg9[%mul3A_78, %dma_start3A_83] : memref<10240x128xf32, #tpu.memory_space<vmem_shared>> -> memref<640x128xf32, #tpu.memory_space<vmem_shared>>
        tpu.enqueue_dma source(%dma_start3A_84 : memref<640x128xf32, #tpu.memory_space<vmem_shared>>) target(%dma_start3A_82 : memref<640x128xf32, #tpu.memory_space<hbm>>) target_semaphore(%run_scoped3A : memref<!tpu.dma_semaphore, #tpu.memory_space<semaphore_mem>>)
        %dma_wait3A_85 = arith.constant 0 : i32
        %dma_wait3A_86 = tpu.memref_slice %arg8[%mul3A_80, %dma_wait3A_85] : memref<10240x128xf32, #tpu.memory_space<hbm>> -> memref<640x128xf32, #tpu.memory_space<hbm>>
        %dma_wait3A_87 = arith.constant 0 : i32
        %dma_wait3A_88 = tpu.memref_slice %arg9[%mul3A_78, %dma_wait3A_87] : memref<10240x128xf32, #tpu.memory_space<vmem_shared>> -> memref<640x128xf32, #tpu.memory_space<vmem_shared>>
        tpu.wait_dma2 semaphore(%run_scoped3A : memref<!tpu.dma_semaphore, #tpu.memory_space<semaphore_mem>>) src(%dma_wait3A_88 : memref<640x128xf32, #tpu.memory_space<vmem_shared>>) dst(%dma_wait3A_86 : memref<640x128xf32, #tpu.memory_space<hbm>>)
        tpu.yield
      }) : () -> ()
    } else {
    }
    return
  }
}

#map = affine_map<(d0, d1) -> (0, 0)>
#map1 = affine_map<(d0, d1) -> (0)>
module attributes {stable_mosaic.version = 14 : i64} {
  func.func @_sc_degrees(%arg0: i32, %arg1: i32, %arg2: memref<2560x128xi32, #tpu.memory_space<hbm>>, %arg3: memref<2560x128xi32, #tpu.memory_space<hbm>>, %arg4: memref<128xf32, #tpu.memory_space<hbm>>, %arg5: memref<640xf32, #tpu.memory_space<hbm>>, %arg6: memref<20480xf32, #tpu.memory_space<hbm>>, %arg7: memref<20480xf32, #tpu.memory_space<hbm>>, %arg8: memref<10240xf32, #tpu.memory_space<vmem_shared>>, %arg9: memref<10240xf32, #tpu.memory_space<vmem_shared>>, %arg10: memref<80x128xi32, #tpu.memory_space<vmem>>, %arg11: memref<80x128xi32, #tpu.memory_space<vmem>>, %arg12: memref<128xf32, #tpu.memory_space<vmem>>, %arg13: memref<640xf32, #tpu.memory_space<vmem>>) attributes {dimension_semantics = [#tpu.dimension_semantics<core_parallel>, #tpu.dimension_semantics<subcore_parallel>], iteration_bounds = array<i64: 2, 16>, scalar_prefetch = 0 : i64, scratch_operands = 6 : i64, tpu.core_type = #tpu.core_type<sc_vector_subcore>, window_params = [{transform_indices = #map}, {transform_indices = #map}, {transform_indices = #map1}, {transform_indices = #map1}, {transform_indices = #map1}, {transform_indices = #map1}]} {
    %mul3A = arith.constant 1280 : i32
    %mul3A_0 = arith.muli %arg0, %mul3A : i32
    %mul3A_1 = arith.constant 80 : i32
    %mul3A_2 = arith.muli %arg1, %mul3A_1 : i32
    %add3A = arith.addi %mul3A_0, %mul3A_2 : i32
    "tpu.region"() ({
      %run_scoped3A = tpu.sem_alloc : memref<!tpu.dma_semaphore, #tpu.memory_space<semaphore_mem>>
      tpu.enqueue_dma source(%arg4 : memref<128xf32, #tpu.memory_space<hbm>>) target(%arg12 : memref<128xf32, #tpu.memory_space<vmem>>) target_semaphore(%run_scoped3A : memref<!tpu.dma_semaphore, #tpu.memory_space<semaphore_mem>>)
      tpu.wait_dma2 semaphore(%run_scoped3A : memref<!tpu.dma_semaphore, #tpu.memory_space<semaphore_mem>>) src(%arg4 : memref<128xf32, #tpu.memory_space<hbm>>) dst(%arg12 : memref<128xf32, #tpu.memory_space<vmem>>)
      tpu.yield
    }) : () -> ()
    "tpu.region"() ({
      %run_scoped3A = tpu.sem_alloc : memref<!tpu.dma_semaphore, #tpu.memory_space<semaphore_mem>>
      tpu.enqueue_dma source(%arg5 : memref<640xf32, #tpu.memory_space<hbm>>) target(%arg13 : memref<640xf32, #tpu.memory_space<vmem>>) target_semaphore(%run_scoped3A : memref<!tpu.dma_semaphore, #tpu.memory_space<semaphore_mem>>)
      tpu.wait_dma2 semaphore(%run_scoped3A : memref<!tpu.dma_semaphore, #tpu.memory_space<semaphore_mem>>) src(%arg5 : memref<640xf32, #tpu.memory_space<hbm>>) dst(%arg13 : memref<640xf32, #tpu.memory_space<vmem>>)
      tpu.yield
    }) : () -> ()
    "tpu.region"() ({
      %run_scoped3A = tpu.sem_alloc : memref<!tpu.dma_semaphore, #tpu.memory_space<semaphore_mem>>
      %dma_start3A = arith.constant 0 : i32
      %dma_start3A_27 = tpu.memref_slice %arg2[%add3A, %dma_start3A] : memref<2560x128xi32, #tpu.memory_space<hbm>> -> memref<80x128xi32, #tpu.memory_space<hbm>>
      %dma_start3A_28 = arith.constant 0 : i32
      %dma_start3A_29 = tpu.memref_slice %arg2[%add3A, %dma_start3A_28] : memref<2560x128xi32, #tpu.memory_space<hbm>> -> memref<80x128xi32, #tpu.memory_space<hbm>>
      tpu.enqueue_dma source(%dma_start3A_29 : memref<80x128xi32, #tpu.memory_space<hbm>>) target(%arg10 : memref<80x128xi32, #tpu.memory_space<vmem>>) target_semaphore(%run_scoped3A : memref<!tpu.dma_semaphore, #tpu.memory_space<semaphore_mem>>)
      %dma_wait3A = arith.constant 0 : i32
      %dma_wait3A_30 = tpu.memref_slice %arg2[%add3A, %dma_wait3A] : memref<2560x128xi32, #tpu.memory_space<hbm>> -> memref<80x128xi32, #tpu.memory_space<hbm>>
      %dma_wait3A_31 = arith.constant 0 : i32
      %dma_wait3A_32 = tpu.memref_slice %arg2[%add3A, %dma_wait3A_31] : memref<2560x128xi32, #tpu.memory_space<hbm>> -> memref<80x128xi32, #tpu.memory_space<hbm>>
      tpu.wait_dma2 semaphore(%run_scoped3A : memref<!tpu.dma_semaphore, #tpu.memory_space<semaphore_mem>>) src(%dma_wait3A_32 : memref<80x128xi32, #tpu.memory_space<hbm>>) dst(%arg10 : memref<80x128xi32, #tpu.memory_space<vmem>>)
      tpu.yield
    }) : () -> ()
    "tpu.region"() ({
      %run_scoped3A = tpu.sem_alloc : memref<!tpu.dma_semaphore, #tpu.memory_space<semaphore_mem>>
      %dma_start3A = arith.constant 0 : i32
      %dma_start3A_27 = tpu.memref_slice %arg3[%add3A, %dma_start3A] : memref<2560x128xi32, #tpu.memory_space<hbm>> -> memref<80x128xi32, #tpu.memory_space<hbm>>
      %dma_start3A_28 = arith.constant 0 : i32
      %dma_start3A_29 = tpu.memref_slice %arg3[%add3A, %dma_start3A_28] : memref<2560x128xi32, #tpu.memory_space<hbm>> -> memref<80x128xi32, #tpu.memory_space<hbm>>
      tpu.enqueue_dma source(%dma_start3A_29 : memref<80x128xi32, #tpu.memory_space<hbm>>) target(%arg11 : memref<80x128xi32, #tpu.memory_space<vmem>>) target_semaphore(%run_scoped3A : memref<!tpu.dma_semaphore, #tpu.memory_space<semaphore_mem>>)
      %dma_wait3A = arith.constant 0 : i32
      %dma_wait3A_30 = tpu.memref_slice %arg3[%add3A, %dma_wait3A] : memref<2560x128xi32, #tpu.memory_space<hbm>> -> memref<80x128xi32, #tpu.memory_space<hbm>>
      %dma_wait3A_31 = arith.constant 0 : i32
      %dma_wait3A_32 = tpu.memref_slice %arg3[%add3A, %dma_wait3A_31] : memref<2560x128xi32, #tpu.memory_space<hbm>> -> memref<80x128xi32, #tpu.memory_space<hbm>>
      tpu.wait_dma2 semaphore(%run_scoped3A : memref<!tpu.dma_semaphore, #tpu.memory_space<semaphore_mem>>) src(%dma_wait3A_32 : memref<80x128xi32, #tpu.memory_space<hbm>>) dst(%arg11 : memref<80x128xi32, #tpu.memory_space<vmem>>)
      tpu.yield
    }) : () -> ()
    %mul3A_3 = arith.constant 640 : i32
    %mul3A_4 = arith.muli %arg1, %mul3A_3 : i32
    "tpu.region"() ({
      %run_scoped3A = tpu.sem_alloc : memref<!tpu.dma_semaphore, #tpu.memory_space<semaphore_mem>>
      %dma_start3A = tpu.memref_slice %arg8[%mul3A_4] : memref<10240xf32, #tpu.memory_space<vmem_shared>> -> memref<640xf32, #tpu.memory_space<vmem_shared>>
      %dma_start3A_27 = tpu.memref_slice %arg8[%mul3A_4] : memref<10240xf32, #tpu.memory_space<vmem_shared>> -> memref<640xf32, #tpu.memory_space<vmem_shared>>
      tpu.enqueue_dma source(%arg13 : memref<640xf32, #tpu.memory_space<vmem>>) target(%dma_start3A_27 : memref<640xf32, #tpu.memory_space<vmem_shared>>) target_semaphore(%run_scoped3A : memref<!tpu.dma_semaphore, #tpu.memory_space<semaphore_mem>>)
      %dma_wait3A = tpu.memref_slice %arg8[%mul3A_4] : memref<10240xf32, #tpu.memory_space<vmem_shared>> -> memref<640xf32, #tpu.memory_space<vmem_shared>>
      %dma_wait3A_28 = tpu.memref_slice %arg8[%mul3A_4] : memref<10240xf32, #tpu.memory_space<vmem_shared>> -> memref<640xf32, #tpu.memory_space<vmem_shared>>
      tpu.wait_dma2 semaphore(%run_scoped3A : memref<!tpu.dma_semaphore, #tpu.memory_space<semaphore_mem>>) src(%arg13 : memref<640xf32, #tpu.memory_space<vmem>>) dst(%dma_wait3A_28 : memref<640xf32, #tpu.memory_space<vmem_shared>>)
      tpu.yield
    }) : () -> ()
    %mul3A_5 = arith.constant 640 : i32
    %mul3A_6 = arith.muli %arg1, %mul3A_5 : i32
    "tpu.region"() ({
      %run_scoped3A = tpu.sem_alloc : memref<!tpu.dma_semaphore, #tpu.memory_space<semaphore_mem>>
      %dma_start3A = tpu.memref_slice %arg9[%mul3A_6] : memref<10240xf32, #tpu.memory_space<vmem_shared>> -> memref<640xf32, #tpu.memory_space<vmem_shared>>
      %dma_start3A_27 = tpu.memref_slice %arg9[%mul3A_6] : memref<10240xf32, #tpu.memory_space<vmem_shared>> -> memref<640xf32, #tpu.memory_space<vmem_shared>>
      tpu.enqueue_dma source(%arg13 : memref<640xf32, #tpu.memory_space<vmem>>) target(%dma_start3A_27 : memref<640xf32, #tpu.memory_space<vmem_shared>>) target_semaphore(%run_scoped3A : memref<!tpu.dma_semaphore, #tpu.memory_space<semaphore_mem>>)
      %dma_wait3A = tpu.memref_slice %arg9[%mul3A_6] : memref<10240xf32, #tpu.memory_space<vmem_shared>> -> memref<640xf32, #tpu.memory_space<vmem_shared>>
      %dma_wait3A_28 = tpu.memref_slice %arg9[%mul3A_6] : memref<10240xf32, #tpu.memory_space<vmem_shared>> -> memref<640xf32, #tpu.memory_space<vmem_shared>>
      tpu.wait_dma2 semaphore(%run_scoped3A : memref<!tpu.dma_semaphore, #tpu.memory_space<semaphore_mem>>) src(%arg13 : memref<640xf32, #tpu.memory_space<vmem>>) dst(%dma_wait3A_28 : memref<640xf32, #tpu.memory_space<vmem_shared>>)
      tpu.yield
    }) : () -> ()
    %barrier3A = arith.constant 0 : index
    tpu.barrier barrier_id(%barrier3A)
    %scan3A = arith.constant 0 : i32
    %scan3A_7 = arith.constant 0 : i32
    %scan3A_8 = arith.constant 80 : i32
    %scan3A_9 = arith.addi %scan3A_7, %scan3A_8 : i32
    %scan3A_10 = arith.constant 1 : i32
    scf.for %scan3A_27 = %scan3A_7 to %scan3A_9 step %scan3A_10  : i32 {
      "tpu.region"() ({
        %run_scoped3A = tpu.sem_alloc : memref<!tpu.dma_semaphore, #tpu.memory_space<semaphore_mem>>
        %dma_start3A = arith.constant 0 : i32
        %dma_start3A_28 = tpu.memref_slice %arg11[%scan3A_27, %dma_start3A] : memref<80x128xi32, #tpu.memory_space<vmem>> -> memref<1x128xi32, #tpu.memory_space<vmem>>
        %dma_start3A_29 = tpu.memref_squeeze %dma_start3A_28 : memref<1x128xi32, #tpu.memory_space<vmem>> -> memref<128xi32, #tpu.memory_space<vmem>>
        %dma_start3A_30 = arith.constant 0 : i32
        %dma_start3A_31 = tpu.memref_slice %arg8[%dma_start3A_30] : memref<10240xf32, #tpu.memory_space<vmem_shared>> -> memref<10240xf32, #tpu.memory_space<vmem_shared>>
        tpu.enqueue_indirect_dma source(%arg12 : memref<128xf32, #tpu.memory_space<vmem>>) target(%dma_start3A_31 : memref<10240xf32, #tpu.memory_space<vmem_shared>>) offsets(%dma_start3A_29 : memref<128xi32, #tpu.memory_space<vmem>>) semaphore(%run_scoped3A : memref<!tpu.dma_semaphore, #tpu.memory_space<semaphore_mem>>) {add = true}
        %dma_wait3A = arith.constant 0 : i32
        %dma_wait3A_32 = tpu.memref_slice %arg11[%scan3A_27, %dma_wait3A] : memref<80x128xi32, #tpu.memory_space<vmem>> -> memref<1x128xi32, #tpu.memory_space<vmem>>
        %dma_wait3A_33 = tpu.memref_squeeze %dma_wait3A_32 : memref<1x128xi32, #tpu.memory_space<vmem>> -> memref<128xi32, #tpu.memory_space<vmem>>
        %dma_wait3A_34 = arith.constant 0 : i32
        %dma_wait3A_35 = tpu.memref_slice %arg8[%dma_wait3A_34] : memref<10240xf32, #tpu.memory_space<vmem_shared>> -> memref<10240xf32, #tpu.memory_space<vmem_shared>>
        tpu.wait_indirect_dma semaphore(%run_scoped3A : memref<!tpu.dma_semaphore, #tpu.memory_space<semaphore_mem>>) src(%arg12 : memref<128xf32, #tpu.memory_space<vmem>>) dst(%dma_wait3A_35 : memref<10240xf32, #tpu.memory_space<vmem_shared>>)
        tpu.yield
      }) : () -> ()
      "tpu.region"() ({
        %run_scoped3A = tpu.sem_alloc : memref<!tpu.dma_semaphore, #tpu.memory_space<semaphore_mem>>
        %dma_start3A = arith.constant 0 : i32
        %dma_start3A_28 = tpu.memref_slice %arg10[%scan3A_27, %dma_start3A] : memref<80x128xi32, #tpu.memory_space<vmem>> -> memref<1x128xi32, #tpu.memory_space<vmem>>
        %dma_start3A_29 = tpu.memref_squeeze %dma_start3A_28 : memref<1x128xi32, #tpu.memory_space<vmem>> -> memref<128xi32, #tpu.memory_space<vmem>>
        %dma_start3A_30 = arith.constant 0 : i32
        %dma_start3A_31 = tpu.memref_slice %arg9[%dma_start3A_30] : memref<10240xf32, #tpu.memory_space<vmem_shared>> -> memref<10240xf32, #tpu.memory_space<vmem_shared>>
        tpu.enqueue_indirect_dma source(%arg12 : memref<128xf32, #tpu.memory_space<vmem>>) target(%dma_start3A_31 : memref<10240xf32, #tpu.memory_space<vmem_shared>>) offsets(%dma_start3A_29 : memref<128xi32, #tpu.memory_space<vmem>>) semaphore(%run_scoped3A : memref<!tpu.dma_semaphore, #tpu.memory_space<semaphore_mem>>) {add = true}
        %dma_wait3A = arith.constant 0 : i32
        %dma_wait3A_32 = tpu.memref_slice %arg10[%scan3A_27, %dma_wait3A] : memref<80x128xi32, #tpu.memory_space<vmem>> -> memref<1x128xi32, #tpu.memory_space<vmem>>
        %dma_wait3A_33 = tpu.memref_squeeze %dma_wait3A_32 : memref<1x128xi32, #tpu.memory_space<vmem>> -> memref<128xi32, #tpu.memory_space<vmem>>
        %dma_wait3A_34 = arith.constant 0 : i32
        %dma_wait3A_35 = tpu.memref_slice %arg9[%dma_wait3A_34] : memref<10240xf32, #tpu.memory_space<vmem_shared>> -> memref<10240xf32, #tpu.memory_space<vmem_shared>>
        tpu.wait_indirect_dma semaphore(%run_scoped3A : memref<!tpu.dma_semaphore, #tpu.memory_space<semaphore_mem>>) src(%arg12 : memref<128xf32, #tpu.memory_space<vmem>>) dst(%dma_wait3A_35 : memref<10240xf32, #tpu.memory_space<vmem_shared>>)
        tpu.yield
      }) : () -> ()
    }
    %scan3A_11 = arith.constant 80 : i32
    %barrier3A_12 = arith.constant 0 : index
    tpu.barrier barrier_id(%barrier3A_12)
    %mul3A_13 = arith.constant 640 : i32
    %mul3A_14 = arith.muli %arg1, %mul3A_13 : i32
    %mul3A_15 = arith.constant 10240 : i32
    %mul3A_16 = arith.muli %arg0, %mul3A_15 : i32
    %mul3A_17 = arith.constant 640 : i32
    %mul3A_18 = arith.muli %arg1, %mul3A_17 : i32
    %add3A_19 = arith.addi %mul3A_16, %mul3A_18 : i32
    "tpu.region"() ({
      %run_scoped3A = tpu.sem_alloc : memref<!tpu.dma_semaphore, #tpu.memory_space<semaphore_mem>>
      %dma_start3A = tpu.memref_slice %arg6[%add3A_19] : memref<20480xf32, #tpu.memory_space<hbm>> -> memref<640xf32, #tpu.memory_space<hbm>>
      %dma_start3A_27 = tpu.memref_slice %arg8[%mul3A_14] : memref<10240xf32, #tpu.memory_space<vmem_shared>> -> memref<640xf32, #tpu.memory_space<vmem_shared>>
      tpu.enqueue_dma source(%dma_start3A_27 : memref<640xf32, #tpu.memory_space<vmem_shared>>) target(%dma_start3A : memref<640xf32, #tpu.memory_space<hbm>>) target_semaphore(%run_scoped3A : memref<!tpu.dma_semaphore, #tpu.memory_space<semaphore_mem>>)
      %dma_wait3A = tpu.memref_slice %arg6[%add3A_19] : memref<20480xf32, #tpu.memory_space<hbm>> -> memref<640xf32, #tpu.memory_space<hbm>>
      %dma_wait3A_28 = tpu.memref_slice %arg8[%mul3A_14] : memref<10240xf32, #tpu.memory_space<vmem_shared>> -> memref<640xf32, #tpu.memory_space<vmem_shared>>
      tpu.wait_dma2 semaphore(%run_scoped3A : memref<!tpu.dma_semaphore, #tpu.memory_space<semaphore_mem>>) src(%dma_wait3A_28 : memref<640xf32, #tpu.memory_space<vmem_shared>>) dst(%dma_wait3A : memref<640xf32, #tpu.memory_space<hbm>>)
      tpu.yield
    }) : () -> ()
    %mul3A_20 = arith.constant 640 : i32
    %mul3A_21 = arith.muli %arg1, %mul3A_20 : i32
    %mul3A_22 = arith.constant 10240 : i32
    %mul3A_23 = arith.muli %arg0, %mul3A_22 : i32
    %mul3A_24 = arith.constant 640 : i32
    %mul3A_25 = arith.muli %arg1, %mul3A_24 : i32
    %add3A_26 = arith.addi %mul3A_23, %mul3A_25 : i32
    "tpu.region"() ({
      %run_scoped3A = tpu.sem_alloc : memref<!tpu.dma_semaphore, #tpu.memory_space<semaphore_mem>>
      %dma_start3A = tpu.memref_slice %arg7[%add3A_26] : memref<20480xf32, #tpu.memory_space<hbm>> -> memref<640xf32, #tpu.memory_space<hbm>>
      %dma_start3A_27 = tpu.memref_slice %arg9[%mul3A_21] : memref<10240xf32, #tpu.memory_space<vmem_shared>> -> memref<640xf32, #tpu.memory_space<vmem_shared>>
      tpu.enqueue_dma source(%dma_start3A_27 : memref<640xf32, #tpu.memory_space<vmem_shared>>) target(%dma_start3A : memref<640xf32, #tpu.memory_space<hbm>>) target_semaphore(%run_scoped3A : memref<!tpu.dma_semaphore, #tpu.memory_space<semaphore_mem>>)
      %dma_wait3A = tpu.memref_slice %arg7[%add3A_26] : memref<20480xf32, #tpu.memory_space<hbm>> -> memref<640xf32, #tpu.memory_space<hbm>>
      %dma_wait3A_28 = tpu.memref_slice %arg9[%mul3A_21] : memref<10240xf32, #tpu.memory_space<vmem_shared>> -> memref<640xf32, #tpu.memory_space<vmem_shared>>
      tpu.wait_dma2 semaphore(%run_scoped3A : memref<!tpu.dma_semaphore, #tpu.memory_space<semaphore_mem>>) src(%dma_wait3A_28 : memref<640xf32, #tpu.memory_space<vmem_shared>>) dst(%dma_wait3A : memref<640xf32, #tpu.memory_space<hbm>>)
      tpu.yield
    }) : () -> ()
    return
  }
}

#map = affine_map<(d0, d1) -> (0, 0)>
module attributes {stable_mosaic.version = 14 : i64} {
  func.func @_sc_aggregate(%arg0: i32, %arg1: i32, %arg2: memref<10240x128xf32, #tpu.memory_space<hbm>>, %arg3: memref<10240x128xf32, #tpu.memory_space<hbm>>, %arg4: memref<2560x128xi32, #tpu.memory_space<hbm>>, %arg5: memref<2560x128xi32, #tpu.memory_space<hbm>>, %arg6: memref<128x128xf32, #tpu.memory_space<hbm>>, %arg7: memref<10240x128xf32, #tpu.memory_space<hbm>>, %arg8: memref<10240x128xf32, #tpu.memory_space<hbm>>, %arg9: memref<10240x128xf32, #tpu.memory_space<vmem_shared>>, %arg10: memref<128x128xf32, #tpu.memory_space<vmem>>, %arg11: memref<128x128xf32, #tpu.memory_space<vmem>>, %arg12: memref<20x128xi32, #tpu.memory_space<vmem>>, %arg13: memref<20x128xi32, #tpu.memory_space<vmem>>, %arg14: memref<20x128xi32, #tpu.memory_space<vmem>>, %arg15: memref<20x128xi32, #tpu.memory_space<vmem>>, %arg16: memref<!tpu.dma_semaphore, #tpu.memory_space<semaphore_mem>>, %arg17: memref<!tpu.dma_semaphore, #tpu.memory_space<semaphore_mem>>, %arg18: memref<!tpu.dma_semaphore, #tpu.memory_space<semaphore_mem>>, %arg19: memref<!tpu.dma_semaphore, #tpu.memory_space<semaphore_mem>>) attributes {dimension_semantics = [#tpu.dimension_semantics<core_parallel>, #tpu.dimension_semantics<subcore_parallel>], iteration_bounds = array<i64: 2, 16>, scalar_prefetch = 0 : i64, scratch_operands = 11 : i64, tpu.core_type = #tpu.core_type<sc_vector_subcore>, window_params = [{transform_indices = #map}, {transform_indices = #map}, {transform_indices = #map}, {transform_indices = #map}, {transform_indices = #map}, {transform_indices = #map}, {transform_indices = #map}]} {
    %mul3A = arith.constant 160 : i32
    %mul3A_0 = arith.muli %arg1, %mul3A : i32
    "tpu.region"() ({
      %run_scoped3A = tpu.sem_alloc : memref<!tpu.dma_semaphore, #tpu.memory_space<semaphore_mem>>
      tpu.enqueue_dma source(%arg6 : memref<128x128xf32, #tpu.memory_space<hbm>>) target(%arg10 : memref<128x128xf32, #tpu.memory_space<vmem>>) target_semaphore(%run_scoped3A : memref<!tpu.dma_semaphore, #tpu.memory_space<semaphore_mem>>)
      tpu.wait_dma2 semaphore(%run_scoped3A : memref<!tpu.dma_semaphore, #tpu.memory_space<semaphore_mem>>) src(%arg6 : memref<128x128xf32, #tpu.memory_space<hbm>>) dst(%arg10 : memref<128x128xf32, #tpu.memory_space<vmem>>)
      tpu.yield
    }) : () -> ()
    %scan3A = arith.constant 0 : i32
    %scan3A_1 = arith.constant 0 : i32
    %scan3A_2 = arith.constant 5 : i32
    %scan3A_3 = arith.addi %scan3A_1, %scan3A_2 : i32
    %scan3A_4 = arith.constant 1 : i32
    scf.for %scan3A_77 = %scan3A_1 to %scan3A_3 step %scan3A_4  : i32 {
      %mul3A_78 = arith.constant 640 : i32
      %mul3A_79 = arith.muli %arg1, %mul3A_78 : i32
      %mul3A_80 = arith.constant 128 : i32
      %mul3A_81 = arith.muli %scan3A_77, %mul3A_80 : i32
      %add3A_82 = arith.addi %mul3A_79, %mul3A_81 : i32
      "tpu.region"() ({
        %run_scoped3A = tpu.sem_alloc : memref<!tpu.dma_semaphore, #tpu.memory_space<semaphore_mem>>
        %dma_start3A_83 = arith.constant 0 : i32
        %dma_start3A_84 = tpu.memref_slice %arg9[%add3A_82, %dma_start3A_83] : memref<10240x128xf32, #tpu.memory_space<vmem_shared>> -> memref<128x128xf32, #tpu.memory_space<vmem_shared>>
        %dma_start3A_85 = arith.constant 0 : i32
        %dma_start3A_86 = tpu.memref_slice %arg9[%add3A_82, %dma_start3A_85] : memref<10240x128xf32, #tpu.memory_space<vmem_shared>> -> memref<128x128xf32, #tpu.memory_space<vmem_shared>>
        tpu.enqueue_dma source(%arg10 : memref<128x128xf32, #tpu.memory_space<vmem>>) target(%dma_start3A_86 : memref<128x128xf32, #tpu.memory_space<vmem_shared>>) target_semaphore(%run_scoped3A : memref<!tpu.dma_semaphore, #tpu.memory_space<semaphore_mem>>)
        %dma_wait3A_87 = arith.constant 0 : i32
        %dma_wait3A_88 = tpu.memref_slice %arg9[%add3A_82, %dma_wait3A_87] : memref<10240x128xf32, #tpu.memory_space<vmem_shared>> -> memref<128x128xf32, #tpu.memory_space<vmem_shared>>
        %dma_wait3A_89 = arith.constant 0 : i32
        %dma_wait3A_90 = tpu.memref_slice %arg9[%add3A_82, %dma_wait3A_89] : memref<10240x128xf32, #tpu.memory_space<vmem_shared>> -> memref<128x128xf32, #tpu.memory_space<vmem_shared>>
        tpu.wait_dma2 semaphore(%run_scoped3A : memref<!tpu.dma_semaphore, #tpu.memory_space<semaphore_mem>>) src(%arg10 : memref<128x128xf32, #tpu.memory_space<vmem>>) dst(%dma_wait3A_90 : memref<128x128xf32, #tpu.memory_space<vmem_shared>>)
        tpu.yield
      }) : () -> ()
    }
    %scan3A_5 = arith.constant 5 : i32
    %barrier3A = arith.constant 0 : index
    tpu.barrier barrier_id(%barrier3A)
    %add3A = arith.constant 0 : i32
    %add3A_6 = arith.addi %mul3A_0, %add3A : i32
    %dma_start3A = arith.constant 0 : i32
    %dma_start3A_7 = tpu.memref_slice %arg4[%add3A_6, %dma_start3A] : memref<2560x128xi32, #tpu.memory_space<hbm>> -> memref<20x128xi32, #tpu.memory_space<hbm>>
    %dma_start3A_8 = arith.constant 0 : i32
    %dma_start3A_9 = tpu.memref_slice %arg4[%add3A_6, %dma_start3A_8] : memref<2560x128xi32, #tpu.memory_space<hbm>> -> memref<20x128xi32, #tpu.memory_space<hbm>>
    tpu.enqueue_dma source(%dma_start3A_9 : memref<20x128xi32, #tpu.memory_space<hbm>>) target(%arg12 : memref<20x128xi32, #tpu.memory_space<vmem>>) target_semaphore(%arg18 : memref<!tpu.dma_semaphore, #tpu.memory_space<semaphore_mem>>)
    %add3A_10 = arith.constant 0 : i32
    %add3A_11 = arith.addi %mul3A_0, %add3A_10 : i32
    %dma_start3A_12 = arith.constant 0 : i32
    %dma_start3A_13 = tpu.memref_slice %arg5[%add3A_11, %dma_start3A_12] : memref<2560x128xi32, #tpu.memory_space<hbm>> -> memref<20x128xi32, #tpu.memory_space<hbm>>
    %dma_start3A_14 = arith.constant 0 : i32
    %dma_start3A_15 = tpu.memref_slice %arg5[%add3A_11, %dma_start3A_14] : memref<2560x128xi32, #tpu.memory_space<hbm>> -> memref<20x128xi32, #tpu.memory_space<hbm>>
    tpu.enqueue_dma source(%dma_start3A_15 : memref<20x128xi32, #tpu.memory_space<hbm>>) target(%arg14 : memref<20x128xi32, #tpu.memory_space<vmem>>) target_semaphore(%arg18 : memref<!tpu.dma_semaphore, #tpu.memory_space<semaphore_mem>>)
    %add3A_16 = arith.constant 20 : i32
    %add3A_17 = arith.addi %mul3A_0, %add3A_16 : i32
    %dma_start3A_18 = arith.constant 0 : i32
    %dma_start3A_19 = tpu.memref_slice %arg4[%add3A_17, %dma_start3A_18] : memref<2560x128xi32, #tpu.memory_space<hbm>> -> memref<20x128xi32, #tpu.memory_space<hbm>>
    %dma_start3A_20 = arith.constant 0 : i32
    %dma_start3A_21 = tpu.memref_slice %arg4[%add3A_17, %dma_start3A_20] : memref<2560x128xi32, #tpu.memory_space<hbm>> -> memref<20x128xi32, #tpu.memory_space<hbm>>
    tpu.enqueue_dma source(%dma_start3A_21 : memref<20x128xi32, #tpu.memory_space<hbm>>) target(%arg13 : memref<20x128xi32, #tpu.memory_space<vmem>>) target_semaphore(%arg19 : memref<!tpu.dma_semaphore, #tpu.memory_space<semaphore_mem>>)
    %add3A_22 = arith.constant 20 : i32
    %add3A_23 = arith.addi %mul3A_0, %add3A_22 : i32
    %dma_start3A_24 = arith.constant 0 : i32
    %dma_start3A_25 = tpu.memref_slice %arg5[%add3A_23, %dma_start3A_24] : memref<2560x128xi32, #tpu.memory_space<hbm>> -> memref<20x128xi32, #tpu.memory_space<hbm>>
    %dma_start3A_26 = arith.constant 0 : i32
    %dma_start3A_27 = tpu.memref_slice %arg5[%add3A_23, %dma_start3A_26] : memref<2560x128xi32, #tpu.memory_space<hbm>> -> memref<20x128xi32, #tpu.memory_space<hbm>>
    tpu.enqueue_dma source(%dma_start3A_27 : memref<20x128xi32, #tpu.memory_space<hbm>>) target(%arg15 : memref<20x128xi32, #tpu.memory_space<vmem>>) target_semaphore(%arg19 : memref<!tpu.dma_semaphore, #tpu.memory_space<semaphore_mem>>)
    %add3A_28 = arith.constant 0 : i32
    %add3A_29 = arith.addi %mul3A_0, %add3A_28 : i32
    %dma_wait3A = arith.constant 0 : i32
    %dma_wait3A_30 = tpu.memref_slice %arg4[%add3A_29, %dma_wait3A] : memref<2560x128xi32, #tpu.memory_space<hbm>> -> memref<20x128xi32, #tpu.memory_space<hbm>>
    %dma_wait3A_31 = arith.constant 0 : i32
    %dma_wait3A_32 = tpu.memref_slice %arg4[%add3A_29, %dma_wait3A_31] : memref<2560x128xi32, #tpu.memory_space<hbm>> -> memref<20x128xi32, #tpu.memory_space<hbm>>
    tpu.wait_dma2 semaphore(%arg18 : memref<!tpu.dma_semaphore, #tpu.memory_space<semaphore_mem>>) src(%dma_wait3A_32 : memref<20x128xi32, #tpu.memory_space<hbm>>) dst(%arg12 : memref<20x128xi32, #tpu.memory_space<vmem>>)
    %add3A_33 = arith.constant 0 : i32
    %add3A_34 = arith.addi %mul3A_0, %add3A_33 : i32
    %dma_wait3A_35 = arith.constant 0 : i32
    %dma_wait3A_36 = tpu.memref_slice %arg5[%add3A_34, %dma_wait3A_35] : memref<2560x128xi32, #tpu.memory_space<hbm>> -> memref<20x128xi32, #tpu.memory_space<hbm>>
    %dma_wait3A_37 = arith.constant 0 : i32
    %dma_wait3A_38 = tpu.memref_slice %arg5[%add3A_34, %dma_wait3A_37] : memref<2560x128xi32, #tpu.memory_space<hbm>> -> memref<20x128xi32, #tpu.memory_space<hbm>>
    tpu.wait_dma2 semaphore(%arg18 : memref<!tpu.dma_semaphore, #tpu.memory_space<semaphore_mem>>) src(%dma_wait3A_38 : memref<20x128xi32, #tpu.memory_space<hbm>>) dst(%arg14 : memref<20x128xi32, #tpu.memory_space<vmem>>)
    %eq3A = arith.constant 0 : i32
    %eq3A_39 = arith.cmpi eq, %arg0, %eq3A : i32
    %convert_element_type3A = arith.extui %eq3A_39 : i1 to i32
    %cond3A = arith.constant 0 : i32
    %cond3A_40 = arith.constant 0 : i32
    %cond3A_41 = arith.cmpi ne, %convert_element_type3A, %cond3A_40 : i32
    scf.if %cond3A_41 {
      %dma_start3A_77 = arith.constant 0 : i32
      %dma_start3A_78 = tpu.memref_slice %arg12[%cond3A, %dma_start3A_77] : memref<20x128xi32, #tpu.memory_space<vmem>> -> memref<1x128xi32, #tpu.memory_space<vmem>>
      %dma_start3A_79 = tpu.memref_squeeze %dma_start3A_78 : memref<1x128xi32, #tpu.memory_space<vmem>> -> memref<128xi32, #tpu.memory_space<vmem>>
      %dma_start3A_80 = arith.constant 0 : i32
      %dma_start3A_81 = arith.constant 0 : i32
      %dma_start3A_82 = tpu.memref_slice %arg2[%dma_start3A_80, %dma_start3A_81] : memref<10240x128xf32, #tpu.memory_space<hbm>> -> memref<10240x128xf32, #tpu.memory_space<hbm>>
      tpu.enqueue_indirect_dma source(%dma_start3A_82 : memref<10240x128xf32, #tpu.memory_space<hbm>>) target(%arg10 : memref<128x128xf32, #tpu.memory_space<vmem>>) offsets(%dma_start3A_79 : memref<128xi32, #tpu.memory_space<vmem>>) semaphore(%arg16 : memref<!tpu.dma_semaphore, #tpu.memory_space<semaphore_mem>>)
    } else {
    }
    %eq3A_42 = arith.constant 1 : i32
    %eq3A_43 = arith.cmpi eq, %arg0, %eq3A_42 : i32
    %convert_element_type3A_44 = arith.extui %eq3A_43 : i1 to i32
    %cond3A_45 = arith.constant 0 : i32
    %cond3A_46 = arith.constant 0 : i32
    %cond3A_47 = arith.cmpi ne, %convert_element_type3A_44, %cond3A_46 : i32
    scf.if %cond3A_47 {
      %dma_start3A_77 = arith.constant 0 : i32
      %dma_start3A_78 = tpu.memref_slice %arg12[%cond3A_45, %dma_start3A_77] : memref<20x128xi32, #tpu.memory_space<vmem>> -> memref<1x128xi32, #tpu.memory_space<vmem>>
      %dma_start3A_79 = tpu.memref_squeeze %dma_start3A_78 : memref<1x128xi32, #tpu.memory_space<vmem>> -> memref<128xi32, #tpu.memory_space<vmem>>
      %dma_start3A_80 = arith.constant 0 : i32
      %dma_start3A_81 = arith.constant 0 : i32
      %dma_start3A_82 = tpu.memref_slice %arg3[%dma_start3A_80, %dma_start3A_81] : memref<10240x128xf32, #tpu.memory_space<hbm>> -> memref<10240x128xf32, #tpu.memory_space<hbm>>
      tpu.enqueue_indirect_dma source(%dma_start3A_82 : memref<10240x128xf32, #tpu.memory_space<hbm>>) target(%arg10 : memref<128x128xf32, #tpu.memory_space<vmem>>) offsets(%dma_start3A_79 : memref<128xi32, #tpu.memory_space<vmem>>) semaphore(%arg16 : memref<!tpu.dma_semaphore, #tpu.memory_space<semaphore_mem>>)
    } else {
    }
    %eq3A_48 = arith.constant 0 : i32
    %eq3A_49 = arith.cmpi eq, %arg0, %eq3A_48 : i32
    %convert_element_type3A_50 = arith.extui %eq3A_49 : i1 to i32
    %cond3A_51 = arith.constant 1 : i32
    %cond3A_52 = arith.constant 0 : i32
    %cond3A_53 = arith.cmpi ne, %convert_element_type3A_50, %cond3A_52 : i32
    scf.if %cond3A_53 {
      %dma_start3A_77 = arith.constant 0 : i32
      %dma_start3A_78 = tpu.memref_slice %arg12[%cond3A_51, %dma_start3A_77] : memref<20x128xi32, #tpu.memory_space<vmem>> -> memref<1x128xi32, #tpu.memory_space<vmem>>
      %dma_start3A_79 = tpu.memref_squeeze %dma_start3A_78 : memref<1x128xi32, #tpu.memory_space<vmem>> -> memref<128xi32, #tpu.memory_space<vmem>>
      %dma_start3A_80 = arith.constant 0 : i32
      %dma_start3A_81 = arith.constant 0 : i32
      %dma_start3A_82 = tpu.memref_slice %arg2[%dma_start3A_80, %dma_start3A_81] : memref<10240x128xf32, #tpu.memory_space<hbm>> -> memref<10240x128xf32, #tpu.memory_space<hbm>>
      tpu.enqueue_indirect_dma source(%dma_start3A_82 : memref<10240x128xf32, #tpu.memory_space<hbm>>) target(%arg11 : memref<128x128xf32, #tpu.memory_space<vmem>>) offsets(%dma_start3A_79 : memref<128xi32, #tpu.memory_space<vmem>>) semaphore(%arg17 : memref<!tpu.dma_semaphore, #tpu.memory_space<semaphore_mem>>)
    } else {
    }
    %eq3A_54 = arith.constant 1 : i32
    %eq3A_55 = arith.cmpi eq, %arg0, %eq3A_54 : i32
    %convert_element_type3A_56 = arith.extui %eq3A_55 : i1 to i32
    %cond3A_57 = arith.constant 1 : i32
    %cond3A_58 = arith.constant 0 : i32
    %cond3A_59 = arith.cmpi ne, %convert_element_type3A_56, %cond3A_58 : i32
    scf.if %cond3A_59 {
      %dma_start3A_77 = arith.constant 0 : i32
      %dma_start3A_78 = tpu.memref_slice %arg12[%cond3A_57, %dma_start3A_77] : memref<20x128xi32, #tpu.memory_space<vmem>> -> memref<1x128xi32, #tpu.memory_space<vmem>>
      %dma_start3A_79 = tpu.memref_squeeze %dma_start3A_78 : memref<1x128xi32, #tpu.memory_space<vmem>> -> memref<128xi32, #tpu.memory_space<vmem>>
      %dma_start3A_80 = arith.constant 0 : i32
      %dma_start3A_81 = arith.constant 0 : i32
      %dma_start3A_82 = tpu.memref_slice %arg3[%dma_start3A_80, %dma_start3A_81] : memref<10240x128xf32, #tpu.memory_space<hbm>> -> memref<10240x128xf32, #tpu.memory_space<hbm>>
      tpu.enqueue_indirect_dma source(%dma_start3A_82 : memref<10240x128xf32, #tpu.memory_space<hbm>>) target(%arg11 : memref<128x128xf32, #tpu.memory_space<vmem>>) offsets(%dma_start3A_79 : memref<128xi32, #tpu.memory_space<vmem>>) semaphore(%arg17 : memref<!tpu.dma_semaphore, #tpu.memory_space<semaphore_mem>>)
    } else {
    }
    %scan3A_60 = arith.constant 0 : i32
    %scan3A_61 = arith.constant 0 : i32
    %scan3A_62 = arith.constant 4 : i32
    %scan3A_63 = arith.addi %scan3A_61, %scan3A_62 : i32
    %scan3A_64 = arith.constant 1 : i32
    scf.for %scan3A_77 = %scan3A_61 to %scan3A_63 step %scan3A_64  : i32 {
      %mul3A_78 = arith.constant 2 : i32
      %mul3A_79 = arith.muli %mul3A_78, %scan3A_77 : i32
      %add3A_80 = arith.constant 0 : i32
      %add3A_81 = arith.addi %mul3A_79, %add3A_80 : i32
      %add3A_82 = arith.constant 1 : i32
      %add3A_83 = arith.addi %add3A_81, %add3A_82 : i32
      %lt3A = arith.constant 8 : i32
      %lt3A_84 = arith.cmpi slt, %add3A_83, %lt3A : i32
      %convert_element_type3A_85 = arith.extui %lt3A_84 : i1 to i32
      %cond3A_86 = arith.constant 0 : i32
      %cond3A_87 = arith.cmpi ne, %convert_element_type3A_85, %cond3A_86 : i32
      scf.if %cond3A_87 {
        %add3A_125 = arith.constant 1 : i32
        %add3A_126 = arith.addi %add3A_81, %add3A_125 : i32
        %mul3A_127 = arith.constant 20 : i32
        %mul3A_128 = arith.muli %add3A_126, %mul3A_127 : i32
        %add3A_129 = arith.addi %mul3A_0, %mul3A_128 : i32
        %dma_wait3A_130 = arith.constant 0 : i32
        %dma_wait3A_131 = tpu.memref_slice %arg4[%add3A_129, %dma_wait3A_130] : memref<2560x128xi32, #tpu.memory_space<hbm>> -> memref<20x128xi32, #tpu.memory_space<hbm>>
        %dma_wait3A_132 = arith.constant 0 : i32
        %dma_wait3A_133 = tpu.memref_slice %arg4[%add3A_129, %dma_wait3A_132] : memref<2560x128xi32, #tpu.memory_space<hbm>> -> memref<20x128xi32, #tpu.memory_space<hbm>>
        tpu.wait_dma2 semaphore(%arg19 : memref<!tpu.dma_semaphore, #tpu.memory_space<semaphore_mem>>) src(%dma_wait3A_133 : memref<20x128xi32, #tpu.memory_space<hbm>>) dst(%arg13 : memref<20x128xi32, #tpu.memory_space<vmem>>)
        %mul3A_134 = arith.constant 20 : i32
        %mul3A_135 = arith.muli %add3A_126, %mul3A_134 : i32
        %add3A_136 = arith.addi %mul3A_0, %mul3A_135 : i32
        %dma_wait3A_137 = arith.constant 0 : i32
        %dma_wait3A_138 = tpu.memref_slice %arg5[%add3A_136, %dma_wait3A_137] : memref<2560x128xi32, #tpu.memory_space<hbm>> -> memref<20x128xi32, #tpu.memory_space<hbm>>
        %dma_wait3A_139 = arith.constant 0 : i32
        %dma_wait3A_140 = tpu.memref_slice %arg5[%add3A_136, %dma_wait3A_139] : memref<2560x128xi32, #tpu.memory_space<hbm>> -> memref<20x128xi32, #tpu.memory_space<hbm>>
        tpu.wait_dma2 semaphore(%arg19 : memref<!tpu.dma_semaphore, #tpu.memory_space<semaphore_mem>>) src(%dma_wait3A_140 : memref<20x128xi32, #tpu.memory_space<hbm>>) dst(%arg15 : memref<20x128xi32, #tpu.memory_space<vmem>>)
      } else {
      }
      %scan3A_88 = arith.constant 0 : i32
      %scan3A_89 = arith.constant 0 : i32
      %scan3A_90 = arith.constant 10 : i32
      %scan3A_91 = arith.addi %scan3A_89, %scan3A_90 : i32
      %scan3A_92 = arith.constant 1 : i32
      scf.for %scan3A_125 = %scan3A_89 to %scan3A_91 step %scan3A_92  : i32 {
        %mul3A_126 = arith.constant 2 : i32
        %mul3A_127 = arith.muli %mul3A_126, %scan3A_125 : i32
        %add3A_128 = arith.constant 0 : i32
        %add3A_129 = arith.addi %mul3A_127, %add3A_128 : i32
        %eq3A_130 = arith.constant 0 : i32
        %eq3A_131 = arith.cmpi eq, %arg0, %eq3A_130 : i32
        %convert_element_type3A_132 = arith.extui %eq3A_131 : i1 to i32
        %cond3A_133 = arith.constant 0 : i32
        %cond3A_134 = arith.cmpi ne, %convert_element_type3A_132, %cond3A_133 : i32
        scf.if %cond3A_134 {
          %dma_wait3A_190 = arith.constant 0 : i32
          %dma_wait3A_191 = tpu.memref_slice %arg12[%add3A_129, %dma_wait3A_190] : memref<20x128xi32, #tpu.memory_space<vmem>> -> memref<1x128xi32, #tpu.memory_space<vmem>>
          %dma_wait3A_192 = tpu.memref_squeeze %dma_wait3A_191 : memref<1x128xi32, #tpu.memory_space<vmem>> -> memref<128xi32, #tpu.memory_space<vmem>>
          %dma_wait3A_193 = arith.constant 0 : i32
          %dma_wait3A_194 = arith.constant 0 : i32
          %dma_wait3A_195 = tpu.memref_slice %arg2[%dma_wait3A_193, %dma_wait3A_194] : memref<10240x128xf32, #tpu.memory_space<hbm>> -> memref<10240x128xf32, #tpu.memory_space<hbm>>
          tpu.wait_indirect_dma semaphore(%arg16 : memref<!tpu.dma_semaphore, #tpu.memory_space<semaphore_mem>>) src(%dma_wait3A_195 : memref<10240x128xf32, #tpu.memory_space<hbm>>) dst(%arg10 : memref<128x128xf32, #tpu.memory_space<vmem>>)
        } else {
        }
        %eq3A_135 = arith.constant 1 : i32
        %eq3A_136 = arith.cmpi eq, %arg0, %eq3A_135 : i32
        %convert_element_type3A_137 = arith.extui %eq3A_136 : i1 to i32
        %cond3A_138 = arith.constant 0 : i32
        %cond3A_139 = arith.cmpi ne, %convert_element_type3A_137, %cond3A_138 : i32
        scf.if %cond3A_139 {
          %dma_wait3A_190 = arith.constant 0 : i32
          %dma_wait3A_191 = tpu.memref_slice %arg12[%add3A_129, %dma_wait3A_190] : memref<20x128xi32, #tpu.memory_space<vmem>> -> memref<1x128xi32, #tpu.memory_space<vmem>>
          %dma_wait3A_192 = tpu.memref_squeeze %dma_wait3A_191 : memref<1x128xi32, #tpu.memory_space<vmem>> -> memref<128xi32, #tpu.memory_space<vmem>>
          %dma_wait3A_193 = arith.constant 0 : i32
          %dma_wait3A_194 = arith.constant 0 : i32
          %dma_wait3A_195 = tpu.memref_slice %arg3[%dma_wait3A_193, %dma_wait3A_194] : memref<10240x128xf32, #tpu.memory_space<hbm>> -> memref<10240x128xf32, #tpu.memory_space<hbm>>
          tpu.wait_indirect_dma semaphore(%arg16 : memref<!tpu.dma_semaphore, #tpu.memory_space<semaphore_mem>>) src(%dma_wait3A_195 : memref<10240x128xf32, #tpu.memory_space<hbm>>) dst(%arg10 : memref<128x128xf32, #tpu.memory_space<vmem>>)
        } else {
        }
        "tpu.region"() ({
          %run_scoped3A = tpu.sem_alloc : memref<!tpu.dma_semaphore, #tpu.memory_space<semaphore_mem>>
          %dma_start3A_190 = arith.constant 0 : i32
          %dma_start3A_191 = tpu.memref_slice %arg14[%add3A_129, %dma_start3A_190] : memref<20x128xi32, #tpu.memory_space<vmem>> -> memref<1x128xi32, #tpu.memory_space<vmem>>
          %dma_start3A_192 = tpu.memref_squeeze %dma_start3A_191 : memref<1x128xi32, #tpu.memory_space<vmem>> -> memref<128xi32, #tpu.memory_space<vmem>>
          %dma_start3A_193 = arith.constant 0 : i32
          %dma_start3A_194 = arith.constant 0 : i32
          %dma_start3A_195 = tpu.memref_slice %arg9[%dma_start3A_193, %dma_start3A_194] : memref<10240x128xf32, #tpu.memory_space<vmem_shared>> -> memref<10240x128xf32, #tpu.memory_space<vmem_shared>>
          tpu.enqueue_indirect_dma source(%arg10 : memref<128x128xf32, #tpu.memory_space<vmem>>) target(%dma_start3A_195 : memref<10240x128xf32, #tpu.memory_space<vmem_shared>>) offsets(%dma_start3A_192 : memref<128xi32, #tpu.memory_space<vmem>>) semaphore(%run_scoped3A : memref<!tpu.dma_semaphore, #tpu.memory_space<semaphore_mem>>) {add = true}
          %dma_wait3A_196 = arith.constant 0 : i32
          %dma_wait3A_197 = tpu.memref_slice %arg14[%add3A_129, %dma_wait3A_196] : memref<20x128xi32, #tpu.memory_space<vmem>> -> memref<1x128xi32, #tpu.memory_space<vmem>>
          %dma_wait3A_198 = tpu.memref_squeeze %dma_wait3A_197 : memref<1x128xi32, #tpu.memory_space<vmem>> -> memref<128xi32, #tpu.memory_space<vmem>>
          %dma_wait3A_199 = arith.constant 0 : i32
          %dma_wait3A_200 = arith.constant 0 : i32
          %dma_wait3A_201 = tpu.memref_slice %arg9[%dma_wait3A_199, %dma_wait3A_200] : memref<10240x128xf32, #tpu.memory_space<vmem_shared>> -> memref<10240x128xf32, #tpu.memory_space<vmem_shared>>
          tpu.wait_indirect_dma semaphore(%run_scoped3A : memref<!tpu.dma_semaphore, #tpu.memory_space<semaphore_mem>>) src(%arg10 : memref<128x128xf32, #tpu.memory_space<vmem>>) dst(%dma_wait3A_201 : memref<10240x128xf32, #tpu.memory_space<vmem_shared>>)
          tpu.yield
        }) : () -> ()
        %add3A_140 = arith.constant 2 : i32
        %add3A_141 = arith.addi %add3A_129, %add3A_140 : i32
        %lt3A_142 = arith.constant 20 : i32
        %lt3A_143 = arith.cmpi slt, %add3A_141, %lt3A_142 : i32
        %convert_element_type3A_144 = arith.extui %lt3A_143 : i1 to i32
        %cond3A_145 = arith.constant 0 : i32
        %cond3A_146 = arith.cmpi ne, %convert_element_type3A_144, %cond3A_145 : i32
        scf.if %cond3A_146 {
          %add3A_190 = arith.constant 2 : i32
          %add3A_191 = arith.addi %add3A_129, %add3A_190 : i32
          %eq3A_192 = arith.constant 0 : i32
          %eq3A_193 = arith.cmpi eq, %arg0, %eq3A_192 : i32
          %convert_element_type3A_194 = arith.extui %eq3A_193 : i1 to i32
          %cond3A_195 = arith.constant 0 : i32
          %cond3A_196 = arith.cmpi ne, %convert_element_type3A_194, %cond3A_195 : i32
          scf.if %cond3A_196 {
            %dma_start3A_202 = arith.constant 0 : i32
            %dma_start3A_203 = tpu.memref_slice %arg12[%add3A_191, %dma_start3A_202] : memref<20x128xi32, #tpu.memory_space<vmem>> -> memref<1x128xi32, #tpu.memory_space<vmem>>
            %dma_start3A_204 = tpu.memref_squeeze %dma_start3A_203 : memref<1x128xi32, #tpu.memory_space<vmem>> -> memref<128xi32, #tpu.memory_space<vmem>>
            %dma_start3A_205 = arith.constant 0 : i32
            %dma_start3A_206 = arith.constant 0 : i32
            %dma_start3A_207 = tpu.memref_slice %arg2[%dma_start3A_205, %dma_start3A_206] : memref<10240x128xf32, #tpu.memory_space<hbm>> -> memref<10240x128xf32, #tpu.memory_space<hbm>>
            tpu.enqueue_indirect_dma source(%dma_start3A_207 : memref<10240x128xf32, #tpu.memory_space<hbm>>) target(%arg10 : memref<128x128xf32, #tpu.memory_space<vmem>>) offsets(%dma_start3A_204 : memref<128xi32, #tpu.memory_space<vmem>>) semaphore(%arg16 : memref<!tpu.dma_semaphore, #tpu.memory_space<semaphore_mem>>)
          } else {
          }
          %eq3A_197 = arith.constant 1 : i32
          %eq3A_198 = arith.cmpi eq, %arg0, %eq3A_197 : i32
          %convert_element_type3A_199 = arith.extui %eq3A_198 : i1 to i32
          %cond3A_200 = arith.constant 0 : i32
          %cond3A_201 = arith.cmpi ne, %convert_element_type3A_199, %cond3A_200 : i32
          scf.if %cond3A_201 {
            %dma_start3A_202 = arith.constant 0 : i32
            %dma_start3A_203 = tpu.memref_slice %arg12[%add3A_191, %dma_start3A_202] : memref<20x128xi32, #tpu.memory_space<vmem>> -> memref<1x128xi32, #tpu.memory_space<vmem>>
            %dma_start3A_204 = tpu.memref_squeeze %dma_start3A_203 : memref<1x128xi32, #tpu.memory_space<vmem>> -> memref<128xi32, #tpu.memory_space<vmem>>
            %dma_start3A_205 = arith.constant 0 : i32
            %dma_start3A_206 = arith.constant 0 : i32
            %dma_start3A_207 = tpu.memref_slice %arg3[%dma_start3A_205, %dma_start3A_206] : memref<10240x128xf32, #tpu.memory_space<hbm>> -> memref<10240x128xf32, #tpu.memory_space<hbm>>
            tpu.enqueue_indirect_dma source(%dma_start3A_207 : memref<10240x128xf32, #tpu.memory_space<hbm>>) target(%arg10 : memref<128x128xf32, #tpu.memory_space<vmem>>) offsets(%dma_start3A_204 : memref<128xi32, #tpu.memory_space<vmem>>) semaphore(%arg16 : memref<!tpu.dma_semaphore, #tpu.memory_space<semaphore_mem>>)
          } else {
          }
        } else {
        }
        %add3A_147 = arith.constant 2 : i32
        %add3A_148 = arith.addi %add3A_129, %add3A_147 : i32
        %ge3A = arith.constant 20 : i32
        %ge3A_149 = arith.cmpi sge, %add3A_148, %ge3A : i32
        %add3A_150 = arith.constant 1 : i32
        %add3A_151 = arith.addi %add3A_81, %add3A_150 : i32
        %lt3A_152 = arith.constant 8 : i32
        %lt3A_153 = arith.cmpi slt, %add3A_151, %lt3A_152 : i32
        %and3A = arith.andi %ge3A_149, %lt3A_153 : i1
        %convert_element_type3A_154 = arith.extui %and3A : i1 to i32
        %cond3A_155 = arith.constant 0 : i32
        %cond3A_156 = arith.cmpi ne, %convert_element_type3A_154, %cond3A_155 : i32
        scf.if %cond3A_156 {
          %add3A_190 = arith.constant 2 : i32
          %add3A_191 = arith.addi %add3A_129, %add3A_190 : i32
          %sub3A = arith.constant 20 : i32
          %sub3A_192 = arith.subi %add3A_191, %sub3A : i32
          %eq3A_193 = arith.constant 0 : i32
          %eq3A_194 = arith.cmpi eq, %arg0, %eq3A_193 : i32
          %convert_element_type3A_195 = arith.extui %eq3A_194 : i1 to i32
          %cond3A_196 = arith.constant 0 : i32
          %cond3A_197 = arith.cmpi ne, %convert_element_type3A_195, %cond3A_196 : i32
          scf.if %cond3A_197 {
            %dma_start3A_203 = arith.constant 0 : i32
            %dma_start3A_204 = tpu.memref_slice %arg13[%sub3A_192, %dma_start3A_203] : memref<20x128xi32, #tpu.memory_space<vmem>> -> memref<1x128xi32, #tpu.memory_space<vmem>>
            %dma_start3A_205 = tpu.memref_squeeze %dma_start3A_204 : memref<1x128xi32, #tpu.memory_space<vmem>> -> memref<128xi32, #tpu.memory_space<vmem>>
            %dma_start3A_206 = arith.constant 0 : i32
            %dma_start3A_207 = arith.constant 0 : i32
            %dma_start3A_208 = tpu.memref_slice %arg2[%dma_start3A_206, %dma_start3A_207] : memref<10240x128xf32, #tpu.memory_space<hbm>> -> memref<10240x128xf32, #tpu.memory_space<hbm>>
            tpu.enqueue_indirect_dma source(%dma_start3A_208 : memref<10240x128xf32, #tpu.memory_space<hbm>>) target(%arg10 : memref<128x128xf32, #tpu.memory_space<vmem>>) offsets(%dma_start3A_205 : memref<128xi32, #tpu.memory_space<vmem>>) semaphore(%arg16 : memref<!tpu.dma_semaphore, #tpu.memory_space<semaphore_mem>>)
          } else {
          }
          %eq3A_198 = arith.constant 1 : i32
          %eq3A_199 = arith.cmpi eq, %arg0, %eq3A_198 : i32
          %convert_element_type3A_200 = arith.extui %eq3A_199 : i1 to i32
          %cond3A_201 = arith.constant 0 : i32
          %cond3A_202 = arith.cmpi ne, %convert_element_type3A_200, %cond3A_201 : i32
          scf.if %cond3A_202 {
            %dma_start3A_203 = arith.constant 0 : i32
            %dma_start3A_204 = tpu.memref_slice %arg13[%sub3A_192, %dma_start3A_203] : memref<20x128xi32, #tpu.memory_space<vmem>> -> memref<1x128xi32, #tpu.memory_space<vmem>>
            %dma_start3A_205 = tpu.memref_squeeze %dma_start3A_204 : memref<1x128xi32, #tpu.memory_space<vmem>> -> memref<128xi32, #tpu.memory_space<vmem>>
            %dma_start3A_206 = arith.constant 0 : i32
            %dma_start3A_207 = arith.constant 0 : i32
            %dma_start3A_208 = tpu.memref_slice %arg3[%dma_start3A_206, %dma_start3A_207] : memref<10240x128xf32, #tpu.memory_space<hbm>> -> memref<10240x128xf32, #tpu.memory_space<hbm>>
            tpu.enqueue_indirect_dma source(%dma_start3A_208 : memref<10240x128xf32, #tpu.memory_space<hbm>>) target(%arg10 : memref<128x128xf32, #tpu.memory_space<vmem>>) offsets(%dma_start3A_205 : memref<128xi32, #tpu.memory_space<vmem>>) semaphore(%arg16 : memref<!tpu.dma_semaphore, #tpu.memory_space<semaphore_mem>>)
          } else {
          }
        } else {
        }
        %mul3A_157 = arith.constant 2 : i32
        %mul3A_158 = arith.muli %mul3A_157, %scan3A_125 : i32
        %add3A_159 = arith.constant 1 : i32
        %add3A_160 = arith.addi %mul3A_158, %add3A_159 : i32
        %eq3A_161 = arith.constant 0 : i32
        %eq3A_162 = arith.cmpi eq, %arg0, %eq3A_161 : i32
        %convert_element_type3A_163 = arith.extui %eq3A_162 : i1 to i32
        %cond3A_164 = arith.constant 0 : i32
        %cond3A_165 = arith.cmpi ne, %convert_element_type3A_163, %cond3A_164 : i32
        scf.if %cond3A_165 {
          %dma_wait3A_190 = arith.constant 0 : i32
          %dma_wait3A_191 = tpu.memref_slice %arg12[%add3A_160, %dma_wait3A_190] : memref<20x128xi32, #tpu.memory_space<vmem>> -> memref<1x128xi32, #tpu.memory_space<vmem>>
          %dma_wait3A_192 = tpu.memref_squeeze %dma_wait3A_191 : memref<1x128xi32, #tpu.memory_space<vmem>> -> memref<128xi32, #tpu.memory_space<vmem>>
          %dma_wait3A_193 = arith.constant 0 : i32
          %dma_wait3A_194 = arith.constant 0 : i32
          %dma_wait3A_195 = tpu.memref_slice %arg2[%dma_wait3A_193, %dma_wait3A_194] : memref<10240x128xf32, #tpu.memory_space<hbm>> -> memref<10240x128xf32, #tpu.memory_space<hbm>>
          tpu.wait_indirect_dma semaphore(%arg17 : memref<!tpu.dma_semaphore, #tpu.memory_space<semaphore_mem>>) src(%dma_wait3A_195 : memref<10240x128xf32, #tpu.memory_space<hbm>>) dst(%arg11 : memref<128x128xf32, #tpu.memory_space<vmem>>)
        } else {
        }
        %eq3A_166 = arith.constant 1 : i32
        %eq3A_167 = arith.cmpi eq, %arg0, %eq3A_166 : i32
        %convert_element_type3A_168 = arith.extui %eq3A_167 : i1 to i32
        %cond3A_169 = arith.constant 0 : i32
        %cond3A_170 = arith.cmpi ne, %convert_element_type3A_168, %cond3A_169 : i32
        scf.if %cond3A_170 {
          %dma_wait3A_190 = arith.constant 0 : i32
          %dma_wait3A_191 = tpu.memref_slice %arg12[%add3A_160, %dma_wait3A_190] : memref<20x128xi32, #tpu.memory_space<vmem>> -> memref<1x128xi32, #tpu.memory_space<vmem>>
          %dma_wait3A_192 = tpu.memref_squeeze %dma_wait3A_191 : memref<1x128xi32, #tpu.memory_space<vmem>> -> memref<128xi32, #tpu.memory_space<vmem>>
          %dma_wait3A_193 = arith.constant 0 : i32
          %dma_wait3A_194 = arith.constant 0 : i32
          %dma_wait3A_195 = tpu.memref_slice %arg3[%dma_wait3A_193, %dma_wait3A_194] : memref<10240x128xf32, #tpu.memory_space<hbm>> -> memref<10240x128xf32, #tpu.memory_space<hbm>>
          tpu.wait_indirect_dma semaphore(%arg17 : memref<!tpu.dma_semaphore, #tpu.memory_space<semaphore_mem>>) src(%dma_wait3A_195 : memref<10240x128xf32, #tpu.memory_space<hbm>>) dst(%arg11 : memref<128x128xf32, #tpu.memory_space<vmem>>)
        } else {
        }
        "tpu.region"() ({
          %run_scoped3A = tpu.sem_alloc : memref<!tpu.dma_semaphore, #tpu.memory_space<semaphore_mem>>
          %dma_start3A_190 = arith.constant 0 : i32
          %dma_start3A_191 = tpu.memref_slice %arg14[%add3A_160, %dma_start3A_190] : memref<20x128xi32, #tpu.memory_space<vmem>> -> memref<1x128xi32, #tpu.memory_space<vmem>>
          %dma_start3A_192 = tpu.memref_squeeze %dma_start3A_191 : memref<1x128xi32, #tpu.memory_space<vmem>> -> memref<128xi32, #tpu.memory_space<vmem>>
          %dma_start3A_193 = arith.constant 0 : i32
          %dma_start3A_194 = arith.constant 0 : i32
          %dma_start3A_195 = tpu.memref_slice %arg9[%dma_start3A_193, %dma_start3A_194] : memref<10240x128xf32, #tpu.memory_space<vmem_shared>> -> memref<10240x128xf32, #tpu.memory_space<vmem_shared>>
          tpu.enqueue_indirect_dma source(%arg11 : memref<128x128xf32, #tpu.memory_space<vmem>>) target(%dma_start3A_195 : memref<10240x128xf32, #tpu.memory_space<vmem_shared>>) offsets(%dma_start3A_192 : memref<128xi32, #tpu.memory_space<vmem>>) semaphore(%run_scoped3A : memref<!tpu.dma_semaphore, #tpu.memory_space<semaphore_mem>>) {add = true}
          %dma_wait3A_196 = arith.constant 0 : i32
          %dma_wait3A_197 = tpu.memref_slice %arg14[%add3A_160, %dma_wait3A_196] : memref<20x128xi32, #tpu.memory_space<vmem>> -> memref<1x128xi32, #tpu.memory_space<vmem>>
          %dma_wait3A_198 = tpu.memref_squeeze %dma_wait3A_197 : memref<1x128xi32, #tpu.memory_space<vmem>> -> memref<128xi32, #tpu.memory_space<vmem>>
          %dma_wait3A_199 = arith.constant 0 : i32
          %dma_wait3A_200 = arith.constant 0 : i32
          %dma_wait3A_201 = tpu.memref_slice %arg9[%dma_wait3A_199, %dma_wait3A_200] : memref<10240x128xf32, #tpu.memory_space<vmem_shared>> -> memref<10240x128xf32, #tpu.memory_space<vmem_shared>>
          tpu.wait_indirect_dma semaphore(%run_scoped3A : memref<!tpu.dma_semaphore, #tpu.memory_space<semaphore_mem>>) src(%arg11 : memref<128x128xf32, #tpu.memory_space<vmem>>) dst(%dma_wait3A_201 : memref<10240x128xf32, #tpu.memory_space<vmem_shared>>)
          tpu.yield
        }) : () -> ()
        %add3A_171 = arith.constant 2 : i32
        %add3A_172 = arith.addi %add3A_160, %add3A_171 : i32
        %lt3A_173 = arith.constant 20 : i32
        %lt3A_174 = arith.cmpi slt, %add3A_172, %lt3A_173 : i32
        %convert_element_type3A_175 = arith.extui %lt3A_174 : i1 to i32
        %cond3A_176 = arith.constant 0 : i32
        %cond3A_177 = arith.cmpi ne, %convert_element_type3A_175, %cond3A_176 : i32
        scf.if %cond3A_177 {
          %add3A_190 = arith.constant 2 : i32
          %add3A_191 = arith.addi %add3A_160, %add3A_190 : i32
          %eq3A_192 = arith.constant 0 : i32
          %eq3A_193 = arith.cmpi eq, %arg0, %eq3A_192 : i32
          %convert_element_type3A_194 = arith.extui %eq3A_193 : i1 to i32
          %cond3A_195 = arith.constant 0 : i32
          %cond3A_196 = arith.cmpi ne, %convert_element_type3A_194, %cond3A_195 : i32
          scf.if %cond3A_196 {
            %dma_start3A_202 = arith.constant 0 : i32
            %dma_start3A_203 = tpu.memref_slice %arg12[%add3A_191, %dma_start3A_202] : memref<20x128xi32, #tpu.memory_space<vmem>> -> memref<1x128xi32, #tpu.memory_space<vmem>>
            %dma_start3A_204 = tpu.memref_squeeze %dma_start3A_203 : memref<1x128xi32, #tpu.memory_space<vmem>> -> memref<128xi32, #tpu.memory_space<vmem>>
            %dma_start3A_205 = arith.constant 0 : i32
            %dma_start3A_206 = arith.constant 0 : i32
            %dma_start3A_207 = tpu.memref_slice %arg2[%dma_start3A_205, %dma_start3A_206] : memref<10240x128xf32, #tpu.memory_space<hbm>> -> memref<10240x128xf32, #tpu.memory_space<hbm>>
            tpu.enqueue_indirect_dma source(%dma_start3A_207 : memref<10240x128xf32, #tpu.memory_space<hbm>>) target(%arg11 : memref<128x128xf32, #tpu.memory_space<vmem>>) offsets(%dma_start3A_204 : memref<128xi32, #tpu.memory_space<vmem>>) semaphore(%arg17 : memref<!tpu.dma_semaphore, #tpu.memory_space<semaphore_mem>>)
          } else {
          }
          %eq3A_197 = arith.constant 1 : i32
          %eq3A_198 = arith.cmpi eq, %arg0, %eq3A_197 : i32
          %convert_element_type3A_199 = arith.extui %eq3A_198 : i1 to i32
          %cond3A_200 = arith.constant 0 : i32
          %cond3A_201 = arith.cmpi ne, %convert_element_type3A_199, %cond3A_200 : i32
          scf.if %cond3A_201 {
            %dma_start3A_202 = arith.constant 0 : i32
            %dma_start3A_203 = tpu.memref_slice %arg12[%add3A_191, %dma_start3A_202] : memref<20x128xi32, #tpu.memory_space<vmem>> -> memref<1x128xi32, #tpu.memory_space<vmem>>
            %dma_start3A_204 = tpu.memref_squeeze %dma_start3A_203 : memref<1x128xi32, #tpu.memory_space<vmem>> -> memref<128xi32, #tpu.memory_space<vmem>>
            %dma_start3A_205 = arith.constant 0 : i32
            %dma_start3A_206 = arith.constant 0 : i32
            %dma_start3A_207 = tpu.memref_slice %arg3[%dma_start3A_205, %dma_start3A_206] : memref<10240x128xf32, #tpu.memory_space<hbm>> -> memref<10240x128xf32, #tpu.memory_space<hbm>>
            tpu.enqueue_indirect_dma source(%dma_start3A_207 : memref<10240x128xf32, #tpu.memory_space<hbm>>) target(%arg11 : memref<128x128xf32, #tpu.memory_space<vmem>>) offsets(%dma_start3A_204 : memref<128xi32, #tpu.memory_space<vmem>>) semaphore(%arg17 : memref<!tpu.dma_semaphore, #tpu.memory_space<semaphore_mem>>)
          } else {
          }
        } else {
        }
        %add3A_178 = arith.constant 2 : i32
        %add3A_179 = arith.addi %add3A_160, %add3A_178 : i32
        %ge3A_180 = arith.constant 20 : i32
        %ge3A_181 = arith.cmpi sge, %add3A_179, %ge3A_180 : i32
        %add3A_182 = arith.constant 1 : i32
        %add3A_183 = arith.addi %add3A_81, %add3A_182 : i32
        %lt3A_184 = arith.constant 8 : i32
        %lt3A_185 = arith.cmpi slt, %add3A_183, %lt3A_184 : i32
        %and3A_186 = arith.andi %ge3A_181, %lt3A_185 : i1
        %convert_element_type3A_187 = arith.extui %and3A_186 : i1 to i32
        %cond3A_188 = arith.constant 0 : i32
        %cond3A_189 = arith.cmpi ne, %convert_element_type3A_187, %cond3A_188 : i32
        scf.if %cond3A_189 {
          %add3A_190 = arith.constant 2 : i32
          %add3A_191 = arith.addi %add3A_160, %add3A_190 : i32
          %sub3A = arith.constant 20 : i32
          %sub3A_192 = arith.subi %add3A_191, %sub3A : i32
          %eq3A_193 = arith.constant 0 : i32
          %eq3A_194 = arith.cmpi eq, %arg0, %eq3A_193 : i32
          %convert_element_type3A_195 = arith.extui %eq3A_194 : i1 to i32
          %cond3A_196 = arith.constant 0 : i32
          %cond3A_197 = arith.cmpi ne, %convert_element_type3A_195, %cond3A_196 : i32
          scf.if %cond3A_197 {
            %dma_start3A_203 = arith.constant 0 : i32
            %dma_start3A_204 = tpu.memref_slice %arg13[%sub3A_192, %dma_start3A_203] : memref<20x128xi32, #tpu.memory_space<vmem>> -> memref<1x128xi32, #tpu.memory_space<vmem>>
            %dma_start3A_205 = tpu.memref_squeeze %dma_start3A_204 : memref<1x128xi32, #tpu.memory_space<vmem>> -> memref<128xi32, #tpu.memory_space<vmem>>
            %dma_start3A_206 = arith.constant 0 : i32
            %dma_start3A_207 = arith.constant 0 : i32
            %dma_start3A_208 = tpu.memref_slice %arg2[%dma_start3A_206, %dma_start3A_207] : memref<10240x128xf32, #tpu.memory_space<hbm>> -> memref<10240x128xf32, #tpu.memory_space<hbm>>
            tpu.enqueue_indirect_dma source(%dma_start3A_208 : memref<10240x128xf32, #tpu.memory_space<hbm>>) target(%arg11 : memref<128x128xf32, #tpu.memory_space<vmem>>) offsets(%dma_start3A_205 : memref<128xi32, #tpu.memory_space<vmem>>) semaphore(%arg17 : memref<!tpu.dma_semaphore, #tpu.memory_space<semaphore_mem>>)
          } else {
          }
          %eq3A_198 = arith.constant 1 : i32
          %eq3A_199 = arith.cmpi eq, %arg0, %eq3A_198 : i32
          %convert_element_type3A_200 = arith.extui %eq3A_199 : i1 to i32
          %cond3A_201 = arith.constant 0 : i32
          %cond3A_202 = arith.cmpi ne, %convert_element_type3A_200, %cond3A_201 : i32
          scf.if %cond3A_202 {
            %dma_start3A_203 = arith.constant 0 : i32
            %dma_start3A_204 = tpu.memref_slice %arg13[%sub3A_192, %dma_start3A_203] : memref<20x128xi32, #tpu.memory_space<vmem>> -> memref<1x128xi32, #tpu.memory_space<vmem>>
            %dma_start3A_205 = tpu.memref_squeeze %dma_start3A_204 : memref<1x128xi32, #tpu.memory_space<vmem>> -> memref<128xi32, #tpu.memory_space<vmem>>
            %dma_start3A_206 = arith.constant 0 : i32
            %dma_start3A_207 = arith.constant 0 : i32
            %dma_start3A_208 = tpu.memref_slice %arg3[%dma_start3A_206, %dma_start3A_207] : memref<10240x128xf32, #tpu.memory_space<hbm>> -> memref<10240x128xf32, #tpu.memory_space<hbm>>
            tpu.enqueue_indirect_dma source(%dma_start3A_208 : memref<10240x128xf32, #tpu.memory_space<hbm>>) target(%arg11 : memref<128x128xf32, #tpu.memory_space<vmem>>) offsets(%dma_start3A_205 : memref<128xi32, #tpu.memory_space<vmem>>) semaphore(%arg17 : memref<!tpu.dma_semaphore, #tpu.memory_space<semaphore_mem>>)
          } else {
          }
        } else {
        }
      }
      %scan3A_93 = arith.constant 10 : i32
      %add3A_94 = arith.constant 2 : i32
      %add3A_95 = arith.addi %add3A_81, %add3A_94 : i32
      %lt3A_96 = arith.constant 8 : i32
      %lt3A_97 = arith.cmpi slt, %add3A_95, %lt3A_96 : i32
      %convert_element_type3A_98 = arith.extui %lt3A_97 : i1 to i32
      %cond3A_99 = arith.constant 0 : i32
      %cond3A_100 = arith.cmpi ne, %convert_element_type3A_98, %cond3A_99 : i32
      scf.if %cond3A_100 {
        %add3A_125 = arith.constant 2 : i32
        %add3A_126 = arith.addi %add3A_81, %add3A_125 : i32
        %mul3A_127 = arith.constant 20 : i32
        %mul3A_128 = arith.muli %add3A_126, %mul3A_127 : i32
        %add3A_129 = arith.addi %mul3A_0, %mul3A_128 : i32
        %dma_start3A_130 = arith.constant 0 : i32
        %dma_start3A_131 = tpu.memref_slice %arg4[%add3A_129, %dma_start3A_130] : memref<2560x128xi32, #tpu.memory_space<hbm>> -> memref<20x128xi32, #tpu.memory_space<hbm>>
        %dma_start3A_132 = arith.constant 0 : i32
        %dma_start3A_133 = tpu.memref_slice %arg4[%add3A_129, %dma_start3A_132] : memref<2560x128xi32, #tpu.memory_space<hbm>> -> memref<20x128xi32, #tpu.memory_space<hbm>>
        tpu.enqueue_dma source(%dma_start3A_133 : memref<20x128xi32, #tpu.memory_space<hbm>>) target(%arg12 : memref<20x128xi32, #tpu.memory_space<vmem>>) target_semaphore(%arg18 : memref<!tpu.dma_semaphore, #tpu.memory_space<semaphore_mem>>)
        %mul3A_134 = arith.constant 20 : i32
        %mul3A_135 = arith.muli %add3A_126, %mul3A_134 : i32
        %add3A_136 = arith.addi %mul3A_0, %mul3A_135 : i32
        %dma_start3A_137 = arith.constant 0 : i32
        %dma_start3A_138 = tpu.memref_slice %arg5[%add3A_136, %dma_start3A_137] : memref<2560x128xi32, #tpu.memory_space<hbm>> -> memref<20x128xi32, #tpu.memory_space<hbm>>
        %dma_start3A_139 = arith.constant 0 : i32
        %dma_start3A_140 = tpu.memref_slice %arg5[%add3A_136, %dma_start3A_139] : memref<2560x128xi32, #tpu.memory_space<hbm>> -> memref<20x128xi32, #tpu.memory_space<hbm>>
        tpu.enqueue_dma source(%dma_start3A_140 : memref<20x128xi32, #tpu.memory_space<hbm>>) target(%arg14 : memref<20x128xi32, #tpu.memory_space<vmem>>) target_semaphore(%arg18 : memref<!tpu.dma_semaphore, #tpu.memory_space<semaphore_mem>>)
      } else {
      }
      %mul3A_101 = arith.constant 2 : i32
      %mul3A_102 = arith.muli %mul3A_101, %scan3A_77 : i32
      %add3A_103 = arith.constant 1 : i32
      %add3A_104 = arith.addi %mul3A_102, %add3A_103 : i32
      %add3A_105 = arith.constant 1 : i32
      %add3A_106 = arith.addi %add3A_104, %add3A_105 : i32
      %lt3A_107 = arith.constant 8 : i32
      %lt3A_108 = arith.cmpi slt, %add3A_106, %lt3A_107 : i32
      %convert_element_type3A_109 = arith.extui %lt3A_108 : i1 to i32
      %cond3A_110 = arith.constant 0 : i32
      %cond3A_111 = arith.cmpi ne, %convert_element_type3A_109, %cond3A_110 : i32
      scf.if %cond3A_111 {
        %add3A_125 = arith.constant 1 : i32
        %add3A_126 = arith.addi %add3A_104, %add3A_125 : i32
        %mul3A_127 = arith.constant 20 : i32
        %mul3A_128 = arith.muli %add3A_126, %mul3A_127 : i32
        %add3A_129 = arith.addi %mul3A_0, %mul3A_128 : i32
        %dma_wait3A_130 = arith.constant 0 : i32
        %dma_wait3A_131 = tpu.memref_slice %arg4[%add3A_129, %dma_wait3A_130] : memref<2560x128xi32, #tpu.memory_space<hbm>> -> memref<20x128xi32, #tpu.memory_space<hbm>>
        %dma_wait3A_132 = arith.constant 0 : i32
        %dma_wait3A_133 = tpu.memref_slice %arg4[%add3A_129, %dma_wait3A_132] : memref<2560x128xi32, #tpu.memory_space<hbm>> -> memref<20x128xi32, #tpu.memory_space<hbm>>
        tpu.wait_dma2 semaphore(%arg18 : memref<!tpu.dma_semaphore, #tpu.memory_space<semaphore_mem>>) src(%dma_wait3A_133 : memref<20x128xi32, #tpu.memory_space<hbm>>) dst(%arg12 : memref<20x128xi32, #tpu.memory_space<vmem>>)
        %mul3A_134 = arith.constant 20 : i32
        %mul3A_135 = arith.muli %add3A_126, %mul3A_134 : i32
        %add3A_136 = arith.addi %mul3A_0, %mul3A_135 : i32
        %dma_wait3A_137 = arith.constant 0 : i32
        %dma_wait3A_138 = tpu.memref_slice %arg5[%add3A_136, %dma_wait3A_137] : memref<2560x128xi32, #tpu.memory_space<hbm>> -> memref<20x128xi32, #tpu.memory_space<hbm>>
        %dma_wait3A_139 = arith.constant 0 : i32
        %dma_wait3A_140 = tpu.memref_slice %arg5[%add3A_136, %dma_wait3A_139] : memref<2560x128xi32, #tpu.memory_space<hbm>> -> memref<20x128xi32, #tpu.memory_space<hbm>>
        tpu.wait_dma2 semaphore(%arg18 : memref<!tpu.dma_semaphore, #tpu.memory_space<semaphore_mem>>) src(%dma_wait3A_140 : memref<20x128xi32, #tpu.memory_space<hbm>>) dst(%arg14 : memref<20x128xi32, #tpu.memory_space<vmem>>)
      } else {
      }
      %scan3A_112 = arith.constant 0 : i32
      %scan3A_113 = arith.constant 0 : i32
      %scan3A_114 = arith.constant 10 : i32
      %scan3A_115 = arith.addi %scan3A_113, %scan3A_114 : i32
      %scan3A_116 = arith.constant 1 : i32
      scf.for %scan3A_125 = %scan3A_113 to %scan3A_115 step %scan3A_116  : i32 {
        %mul3A_126 = arith.constant 2 : i32
        %mul3A_127 = arith.muli %mul3A_126, %scan3A_125 : i32
        %add3A_128 = arith.constant 0 : i32
        %add3A_129 = arith.addi %mul3A_127, %add3A_128 : i32
        %eq3A_130 = arith.constant 0 : i32
        %eq3A_131 = arith.cmpi eq, %arg0, %eq3A_130 : i32
        %convert_element_type3A_132 = arith.extui %eq3A_131 : i1 to i32
        %cond3A_133 = arith.constant 0 : i32
        %cond3A_134 = arith.cmpi ne, %convert_element_type3A_132, %cond3A_133 : i32
        scf.if %cond3A_134 {
          %dma_wait3A_190 = arith.constant 0 : i32
          %dma_wait3A_191 = tpu.memref_slice %arg13[%add3A_129, %dma_wait3A_190] : memref<20x128xi32, #tpu.memory_space<vmem>> -> memref<1x128xi32, #tpu.memory_space<vmem>>
          %dma_wait3A_192 = tpu.memref_squeeze %dma_wait3A_191 : memref<1x128xi32, #tpu.memory_space<vmem>> -> memref<128xi32, #tpu.memory_space<vmem>>
          %dma_wait3A_193 = arith.constant 0 : i32
          %dma_wait3A_194 = arith.constant 0 : i32
          %dma_wait3A_195 = tpu.memref_slice %arg2[%dma_wait3A_193, %dma_wait3A_194] : memref<10240x128xf32, #tpu.memory_space<hbm>> -> memref<10240x128xf32, #tpu.memory_space<hbm>>
          tpu.wait_indirect_dma semaphore(%arg16 : memref<!tpu.dma_semaphore, #tpu.memory_space<semaphore_mem>>) src(%dma_wait3A_195 : memref<10240x128xf32, #tpu.memory_space<hbm>>) dst(%arg10 : memref<128x128xf32, #tpu.memory_space<vmem>>)
        } else {
        }
        %eq3A_135 = arith.constant 1 : i32
        %eq3A_136 = arith.cmpi eq, %arg0, %eq3A_135 : i32
        %convert_element_type3A_137 = arith.extui %eq3A_136 : i1 to i32
        %cond3A_138 = arith.constant 0 : i32
        %cond3A_139 = arith.cmpi ne, %convert_element_type3A_137, %cond3A_138 : i32
        scf.if %cond3A_139 {
          %dma_wait3A_190 = arith.constant 0 : i32
          %dma_wait3A_191 = tpu.memref_slice %arg13[%add3A_129, %dma_wait3A_190] : memref<20x128xi32, #tpu.memory_space<vmem>> -> memref<1x128xi32, #tpu.memory_space<vmem>>
          %dma_wait3A_192 = tpu.memref_squeeze %dma_wait3A_191 : memref<1x128xi32, #tpu.memory_space<vmem>> -> memref<128xi32, #tpu.memory_space<vmem>>
          %dma_wait3A_193 = arith.constant 0 : i32
          %dma_wait3A_194 = arith.constant 0 : i32
          %dma_wait3A_195 = tpu.memref_slice %arg3[%dma_wait3A_193, %dma_wait3A_194] : memref<10240x128xf32, #tpu.memory_space<hbm>> -> memref<10240x128xf32, #tpu.memory_space<hbm>>
          tpu.wait_indirect_dma semaphore(%arg16 : memref<!tpu.dma_semaphore, #tpu.memory_space<semaphore_mem>>) src(%dma_wait3A_195 : memref<10240x128xf32, #tpu.memory_space<hbm>>) dst(%arg10 : memref<128x128xf32, #tpu.memory_space<vmem>>)
        } else {
        }
        "tpu.region"() ({
          %run_scoped3A = tpu.sem_alloc : memref<!tpu.dma_semaphore, #tpu.memory_space<semaphore_mem>>
          %dma_start3A_190 = arith.constant 0 : i32
          %dma_start3A_191 = tpu.memref_slice %arg15[%add3A_129, %dma_start3A_190] : memref<20x128xi32, #tpu.memory_space<vmem>> -> memref<1x128xi32, #tpu.memory_space<vmem>>
          %dma_start3A_192 = tpu.memref_squeeze %dma_start3A_191 : memref<1x128xi32, #tpu.memory_space<vmem>> -> memref<128xi32, #tpu.memory_space<vmem>>
          %dma_start3A_193 = arith.constant 0 : i32
          %dma_start3A_194 = arith.constant 0 : i32
          %dma_start3A_195 = tpu.memref_slice %arg9[%dma_start3A_193, %dma_start3A_194] : memref<10240x128xf32, #tpu.memory_space<vmem_shared>> -> memref<10240x128xf32, #tpu.memory_space<vmem_shared>>
          tpu.enqueue_indirect_dma source(%arg10 : memref<128x128xf32, #tpu.memory_space<vmem>>) target(%dma_start3A_195 : memref<10240x128xf32, #tpu.memory_space<vmem_shared>>) offsets(%dma_start3A_192 : memref<128xi32, #tpu.memory_space<vmem>>) semaphore(%run_scoped3A : memref<!tpu.dma_semaphore, #tpu.memory_space<semaphore_mem>>) {add = true}
          %dma_wait3A_196 = arith.constant 0 : i32
          %dma_wait3A_197 = tpu.memref_slice %arg15[%add3A_129, %dma_wait3A_196] : memref<20x128xi32, #tpu.memory_space<vmem>> -> memref<1x128xi32, #tpu.memory_space<vmem>>
          %dma_wait3A_198 = tpu.memref_squeeze %dma_wait3A_197 : memref<1x128xi32, #tpu.memory_space<vmem>> -> memref<128xi32, #tpu.memory_space<vmem>>
          %dma_wait3A_199 = arith.constant 0 : i32
          %dma_wait3A_200 = arith.constant 0 : i32
          %dma_wait3A_201 = tpu.memref_slice %arg9[%dma_wait3A_199, %dma_wait3A_200] : memref<10240x128xf32, #tpu.memory_space<vmem_shared>> -> memref<10240x128xf32, #tpu.memory_space<vmem_shared>>
          tpu.wait_indirect_dma semaphore(%run_scoped3A : memref<!tpu.dma_semaphore, #tpu.memory_space<semaphore_mem>>) src(%arg10 : memref<128x128xf32, #tpu.memory_space<vmem>>) dst(%dma_wait3A_201 : memref<10240x128xf32, #tpu.memory_space<vmem_shared>>)
          tpu.yield
        }) : () -> ()
        %add3A_140 = arith.constant 2 : i32
        %add3A_141 = arith.addi %add3A_129, %add3A_140 : i32
        %lt3A_142 = arith.constant 20 : i32
        %lt3A_143 = arith.cmpi slt, %add3A_141, %lt3A_142 : i32
        %convert_element_type3A_144 = arith.extui %lt3A_143 : i1 to i32
        %cond3A_145 = arith.constant 0 : i32
        %cond3A_146 = arith.cmpi ne, %convert_element_type3A_144, %cond3A_145 : i32
        scf.if %cond3A_146 {
          %add3A_190 = arith.constant 2 : i32
          %add3A_191 = arith.addi %add3A_129, %add3A_190 : i32
          %eq3A_192 = arith.constant 0 : i32
          %eq3A_193 = arith.cmpi eq, %arg0, %eq3A_192 : i32
          %convert_element_type3A_194 = arith.extui %eq3A_193 : i1 to i32
          %cond3A_195 = arith.constant 0 : i32
          %cond3A_196 = arith.cmpi ne, %convert_element_type3A_194, %cond3A_195 : i32
          scf.if %cond3A_196 {
            %dma_start3A_202 = arith.constant 0 : i32
            %dma_start3A_203 = tpu.memref_slice %arg13[%add3A_191, %dma_start3A_202] : memref<20x128xi32, #tpu.memory_space<vmem>> -> memref<1x128xi32, #tpu.memory_space<vmem>>
            %dma_start3A_204 = tpu.memref_squeeze %dma_start3A_203 : memref<1x128xi32, #tpu.memory_space<vmem>> -> memref<128xi32, #tpu.memory_space<vmem>>
            %dma_start3A_205 = arith.constant 0 : i32
            %dma_start3A_206 = arith.constant 0 : i32
            %dma_start3A_207 = tpu.memref_slice %arg2[%dma_start3A_205, %dma_start3A_206] : memref<10240x128xf32, #tpu.memory_space<hbm>> -> memref<10240x128xf32, #tpu.memory_space<hbm>>
            tpu.enqueue_indirect_dma source(%dma_start3A_207 : memref<10240x128xf32, #tpu.memory_space<hbm>>) target(%arg10 : memref<128x128xf32, #tpu.memory_space<vmem>>) offsets(%dma_start3A_204 : memref<128xi32, #tpu.memory_space<vmem>>) semaphore(%arg16 : memref<!tpu.dma_semaphore, #tpu.memory_space<semaphore_mem>>)
          } else {
          }
          %eq3A_197 = arith.constant 1 : i32
          %eq3A_198 = arith.cmpi eq, %arg0, %eq3A_197 : i32
          %convert_element_type3A_199 = arith.extui %eq3A_198 : i1 to i32
          %cond3A_200 = arith.constant 0 : i32
          %cond3A_201 = arith.cmpi ne, %convert_element_type3A_199, %cond3A_200 : i32
          scf.if %cond3A_201 {
            %dma_start3A_202 = arith.constant 0 : i32
            %dma_start3A_203 = tpu.memref_slice %arg13[%add3A_191, %dma_start3A_202] : memref<20x128xi32, #tpu.memory_space<vmem>> -> memref<1x128xi32, #tpu.memory_space<vmem>>
            %dma_start3A_204 = tpu.memref_squeeze %dma_start3A_203 : memref<1x128xi32, #tpu.memory_space<vmem>> -> memref<128xi32, #tpu.memory_space<vmem>>
            %dma_start3A_205 = arith.constant 0 : i32
            %dma_start3A_206 = arith.constant 0 : i32
            %dma_start3A_207 = tpu.memref_slice %arg3[%dma_start3A_205, %dma_start3A_206] : memref<10240x128xf32, #tpu.memory_space<hbm>> -> memref<10240x128xf32, #tpu.memory_space<hbm>>
            tpu.enqueue_indirect_dma source(%dma_start3A_207 : memref<10240x128xf32, #tpu.memory_space<hbm>>) target(%arg10 : memref<128x128xf32, #tpu.memory_space<vmem>>) offsets(%dma_start3A_204 : memref<128xi32, #tpu.memory_space<vmem>>) semaphore(%arg16 : memref<!tpu.dma_semaphore, #tpu.memory_space<semaphore_mem>>)
          } else {
          }
        } else {
        }
        %add3A_147 = arith.constant 2 : i32
        %add3A_148 = arith.addi %add3A_129, %add3A_147 : i32
        %ge3A = arith.constant 20 : i32
        %ge3A_149 = arith.cmpi sge, %add3A_148, %ge3A : i32
        %add3A_150 = arith.constant 1 : i32
        %add3A_151 = arith.addi %add3A_104, %add3A_150 : i32
        %lt3A_152 = arith.constant 8 : i32
        %lt3A_153 = arith.cmpi slt, %add3A_151, %lt3A_152 : i32
        %and3A = arith.andi %ge3A_149, %lt3A_153 : i1
        %convert_element_type3A_154 = arith.extui %and3A : i1 to i32
        %cond3A_155 = arith.constant 0 : i32
        %cond3A_156 = arith.cmpi ne, %convert_element_type3A_154, %cond3A_155 : i32
        scf.if %cond3A_156 {
          %add3A_190 = arith.constant 2 : i32
          %add3A_191 = arith.addi %add3A_129, %add3A_190 : i32
          %sub3A = arith.constant 20 : i32
          %sub3A_192 = arith.subi %add3A_191, %sub3A : i32
          %eq3A_193 = arith.constant 0 : i32
          %eq3A_194 = arith.cmpi eq, %arg0, %eq3A_193 : i32
          %convert_element_type3A_195 = arith.extui %eq3A_194 : i1 to i32
          %cond3A_196 = arith.constant 0 : i32
          %cond3A_197 = arith.cmpi ne, %convert_element_type3A_195, %cond3A_196 : i32
          scf.if %cond3A_197 {
            %dma_start3A_203 = arith.constant 0 : i32
            %dma_start3A_204 = tpu.memref_slice %arg12[%sub3A_192, %dma_start3A_203] : memref<20x128xi32, #tpu.memory_space<vmem>> -> memref<1x128xi32, #tpu.memory_space<vmem>>
            %dma_start3A_205 = tpu.memref_squeeze %dma_start3A_204 : memref<1x128xi32, #tpu.memory_space<vmem>> -> memref<128xi32, #tpu.memory_space<vmem>>
            %dma_start3A_206 = arith.constant 0 : i32
            %dma_start3A_207 = arith.constant 0 : i32
            %dma_start3A_208 = tpu.memref_slice %arg2[%dma_start3A_206, %dma_start3A_207] : memref<10240x128xf32, #tpu.memory_space<hbm>> -> memref<10240x128xf32, #tpu.memory_space<hbm>>
            tpu.enqueue_indirect_dma source(%dma_start3A_208 : memref<10240x128xf32, #tpu.memory_space<hbm>>) target(%arg10 : memref<128x128xf32, #tpu.memory_space<vmem>>) offsets(%dma_start3A_205 : memref<128xi32, #tpu.memory_space<vmem>>) semaphore(%arg16 : memref<!tpu.dma_semaphore, #tpu.memory_space<semaphore_mem>>)
          } else {
          }
          %eq3A_198 = arith.constant 1 : i32
          %eq3A_199 = arith.cmpi eq, %arg0, %eq3A_198 : i32
          %convert_element_type3A_200 = arith.extui %eq3A_199 : i1 to i32
          %cond3A_201 = arith.constant 0 : i32
          %cond3A_202 = arith.cmpi ne, %convert_element_type3A_200, %cond3A_201 : i32
          scf.if %cond3A_202 {
            %dma_start3A_203 = arith.constant 0 : i32
            %dma_start3A_204 = tpu.memref_slice %arg12[%sub3A_192, %dma_start3A_203] : memref<20x128xi32, #tpu.memory_space<vmem>> -> memref<1x128xi32, #tpu.memory_space<vmem>>
            %dma_start3A_205 = tpu.memref_squeeze %dma_start3A_204 : memref<1x128xi32, #tpu.memory_space<vmem>> -> memref<128xi32, #tpu.memory_space<vmem>>
            %dma_start3A_206 = arith.constant 0 : i32
            %dma_start3A_207 = arith.constant 0 : i32
            %dma_start3A_208 = tpu.memref_slice %arg3[%dma_start3A_206, %dma_start3A_207] : memref<10240x128xf32, #tpu.memory_space<hbm>> -> memref<10240x128xf32, #tpu.memory_space<hbm>>
            tpu.enqueue_indirect_dma source(%dma_start3A_208 : memref<10240x128xf32, #tpu.memory_space<hbm>>) target(%arg10 : memref<128x128xf32, #tpu.memory_space<vmem>>) offsets(%dma_start3A_205 : memref<128xi32, #tpu.memory_space<vmem>>) semaphore(%arg16 : memref<!tpu.dma_semaphore, #tpu.memory_space<semaphore_mem>>)
          } else {
          }
        } else {
        }
        %mul3A_157 = arith.constant 2 : i32
        %mul3A_158 = arith.muli %mul3A_157, %scan3A_125 : i32
        %add3A_159 = arith.constant 1 : i32
        %add3A_160 = arith.addi %mul3A_158, %add3A_159 : i32
        %eq3A_161 = arith.constant 0 : i32
        %eq3A_162 = arith.cmpi eq, %arg0, %eq3A_161 : i32
        %convert_element_type3A_163 = arith.extui %eq3A_162 : i1 to i32
        %cond3A_164 = arith.constant 0 : i32
        %cond3A_165 = arith.cmpi ne, %convert_element_type3A_163, %cond3A_164 : i32
        scf.if %cond3A_165 {
          %dma_wait3A_190 = arith.constant 0 : i32
          %dma_wait3A_191 = tpu.memref_slice %arg13[%add3A_160, %dma_wait3A_190] : memref<20x128xi32, #tpu.memory_space<vmem>> -> memref<1x128xi32, #tpu.memory_space<vmem>>
          %dma_wait3A_192 = tpu.memref_squeeze %dma_wait3A_191 : memref<1x128xi32, #tpu.memory_space<vmem>> -> memref<128xi32, #tpu.memory_space<vmem>>
          %dma_wait3A_193 = arith.constant 0 : i32
          %dma_wait3A_194 = arith.constant 0 : i32
          %dma_wait3A_195 = tpu.memref_slice %arg2[%dma_wait3A_193, %dma_wait3A_194] : memref<10240x128xf32, #tpu.memory_space<hbm>> -> memref<10240x128xf32, #tpu.memory_space<hbm>>
          tpu.wait_indirect_dma semaphore(%arg17 : memref<!tpu.dma_semaphore, #tpu.memory_space<semaphore_mem>>) src(%dma_wait3A_195 : memref<10240x128xf32, #tpu.memory_space<hbm>>) dst(%arg11 : memref<128x128xf32, #tpu.memory_space<vmem>>)
        } else {
        }
        %eq3A_166 = arith.constant 1 : i32
        %eq3A_167 = arith.cmpi eq, %arg0, %eq3A_166 : i32
        %convert_element_type3A_168 = arith.extui %eq3A_167 : i1 to i32
        %cond3A_169 = arith.constant 0 : i32
        %cond3A_170 = arith.cmpi ne, %convert_element_type3A_168, %cond3A_169 : i32
        scf.if %cond3A_170 {
          %dma_wait3A_190 = arith.constant 0 : i32
          %dma_wait3A_191 = tpu.memref_slice %arg13[%add3A_160, %dma_wait3A_190] : memref<20x128xi32, #tpu.memory_space<vmem>> -> memref<1x128xi32, #tpu.memory_space<vmem>>
          %dma_wait3A_192 = tpu.memref_squeeze %dma_wait3A_191 : memref<1x128xi32, #tpu.memory_space<vmem>> -> memref<128xi32, #tpu.memory_space<vmem>>
          %dma_wait3A_193 = arith.constant 0 : i32
          %dma_wait3A_194 = arith.constant 0 : i32
          %dma_wait3A_195 = tpu.memref_slice %arg3[%dma_wait3A_193, %dma_wait3A_194] : memref<10240x128xf32, #tpu.memory_space<hbm>> -> memref<10240x128xf32, #tpu.memory_space<hbm>>
          tpu.wait_indirect_dma semaphore(%arg17 : memref<!tpu.dma_semaphore, #tpu.memory_space<semaphore_mem>>) src(%dma_wait3A_195 : memref<10240x128xf32, #tpu.memory_space<hbm>>) dst(%arg11 : memref<128x128xf32, #tpu.memory_space<vmem>>)
        } else {
        }
        "tpu.region"() ({
          %run_scoped3A = tpu.sem_alloc : memref<!tpu.dma_semaphore, #tpu.memory_space<semaphore_mem>>
          %dma_start3A_190 = arith.constant 0 : i32
          %dma_start3A_191 = tpu.memref_slice %arg15[%add3A_160, %dma_start3A_190] : memref<20x128xi32, #tpu.memory_space<vmem>> -> memref<1x128xi32, #tpu.memory_space<vmem>>
          %dma_start3A_192 = tpu.memref_squeeze %dma_start3A_191 : memref<1x128xi32, #tpu.memory_space<vmem>> -> memref<128xi32, #tpu.memory_space<vmem>>
          %dma_start3A_193 = arith.constant 0 : i32
          %dma_start3A_194 = arith.constant 0 : i32
          %dma_start3A_195 = tpu.memref_slice %arg9[%dma_start3A_193, %dma_start3A_194] : memref<10240x128xf32, #tpu.memory_space<vmem_shared>> -> memref<10240x128xf32, #tpu.memory_space<vmem_shared>>
          tpu.enqueue_indirect_dma source(%arg11 : memref<128x128xf32, #tpu.memory_space<vmem>>) target(%dma_start3A_195 : memref<10240x128xf32, #tpu.memory_space<vmem_shared>>) offsets(%dma_start3A_192 : memref<128xi32, #tpu.memory_space<vmem>>) semaphore(%run_scoped3A : memref<!tpu.dma_semaphore, #tpu.memory_space<semaphore_mem>>) {add = true}
          %dma_wait3A_196 = arith.constant 0 : i32
          %dma_wait3A_197 = tpu.memref_slice %arg15[%add3A_160, %dma_wait3A_196] : memref<20x128xi32, #tpu.memory_space<vmem>> -> memref<1x128xi32, #tpu.memory_space<vmem>>
          %dma_wait3A_198 = tpu.memref_squeeze %dma_wait3A_197 : memref<1x128xi32, #tpu.memory_space<vmem>> -> memref<128xi32, #tpu.memory_space<vmem>>
          %dma_wait3A_199 = arith.constant 0 : i32
          %dma_wait3A_200 = arith.constant 0 : i32
          %dma_wait3A_201 = tpu.memref_slice %arg9[%dma_wait3A_199, %dma_wait3A_200] : memref<10240x128xf32, #tpu.memory_space<vmem_shared>> -> memref<10240x128xf32, #tpu.memory_space<vmem_shared>>
          tpu.wait_indirect_dma semaphore(%run_scoped3A : memref<!tpu.dma_semaphore, #tpu.memory_space<semaphore_mem>>) src(%arg11 : memref<128x128xf32, #tpu.memory_space<vmem>>) dst(%dma_wait3A_201 : memref<10240x128xf32, #tpu.memory_space<vmem_shared>>)
          tpu.yield
        }) : () -> ()
        %add3A_171 = arith.constant 2 : i32
        %add3A_172 = arith.addi %add3A_160, %add3A_171 : i32
        %lt3A_173 = arith.constant 20 : i32
        %lt3A_174 = arith.cmpi slt, %add3A_172, %lt3A_173 : i32
        %convert_element_type3A_175 = arith.extui %lt3A_174 : i1 to i32
        %cond3A_176 = arith.constant 0 : i32
        %cond3A_177 = arith.cmpi ne, %convert_element_type3A_175, %cond3A_176 : i32
        scf.if %cond3A_177 {
          %add3A_190 = arith.constant 2 : i32
          %add3A_191 = arith.addi %add3A_160, %add3A_190 : i32
          %eq3A_192 = arith.constant 0 : i32
          %eq3A_193 = arith.cmpi eq, %arg0, %eq3A_192 : i32
          %convert_element_type3A_194 = arith.extui %eq3A_193 : i1 to i32
          %cond3A_195 = arith.constant 0 : i32
          %cond3A_196 = arith.cmpi ne, %convert_element_type3A_194, %cond3A_195 : i32
          scf.if %cond3A_196 {
            %dma_start3A_202 = arith.constant 0 : i32
            %dma_start3A_203 = tpu.memref_slice %arg13[%add3A_191, %dma_start3A_202] : memref<20x128xi32, #tpu.memory_space<vmem>> -> memref<1x128xi32, #tpu.memory_space<vmem>>
            %dma_start3A_204 = tpu.memref_squeeze %dma_start3A_203 : memref<1x128xi32, #tpu.memory_space<vmem>> -> memref<128xi32, #tpu.memory_space<vmem>>
            %dma_start3A_205 = arith.constant 0 : i32
            %dma_start3A_206 = arith.constant 0 : i32
            %dma_start3A_207 = tpu.memref_slice %arg2[%dma_start3A_205, %dma_start3A_206] : memref<10240x128xf32, #tpu.memory_space<hbm>> -> memref<10240x128xf32, #tpu.memory_space<hbm>>
            tpu.enqueue_indirect_dma source(%dma_start3A_207 : memref<10240x128xf32, #tpu.memory_space<hbm>>) target(%arg11 : memref<128x128xf32, #tpu.memory_space<vmem>>) offsets(%dma_start3A_204 : memref<128xi32, #tpu.memory_space<vmem>>) semaphore(%arg17 : memref<!tpu.dma_semaphore, #tpu.memory_space<semaphore_mem>>)
          } else {
          }
          %eq3A_197 = arith.constant 1 : i32
          %eq3A_198 = arith.cmpi eq, %arg0, %eq3A_197 : i32
          %convert_element_type3A_199 = arith.extui %eq3A_198 : i1 to i32
          %cond3A_200 = arith.constant 0 : i32
          %cond3A_201 = arith.cmpi ne, %convert_element_type3A_199, %cond3A_200 : i32
          scf.if %cond3A_201 {
            %dma_start3A_202 = arith.constant 0 : i32
            %dma_start3A_203 = tpu.memref_slice %arg13[%add3A_191, %dma_start3A_202] : memref<20x128xi32, #tpu.memory_space<vmem>> -> memref<1x128xi32, #tpu.memory_space<vmem>>
            %dma_start3A_204 = tpu.memref_squeeze %dma_start3A_203 : memref<1x128xi32, #tpu.memory_space<vmem>> -> memref<128xi32, #tpu.memory_space<vmem>>
            %dma_start3A_205 = arith.constant 0 : i32
            %dma_start3A_206 = arith.constant 0 : i32
            %dma_start3A_207 = tpu.memref_slice %arg3[%dma_start3A_205, %dma_start3A_206] : memref<10240x128xf32, #tpu.memory_space<hbm>> -> memref<10240x128xf32, #tpu.memory_space<hbm>>
            tpu.enqueue_indirect_dma source(%dma_start3A_207 : memref<10240x128xf32, #tpu.memory_space<hbm>>) target(%arg11 : memref<128x128xf32, #tpu.memory_space<vmem>>) offsets(%dma_start3A_204 : memref<128xi32, #tpu.memory_space<vmem>>) semaphore(%arg17 : memref<!tpu.dma_semaphore, #tpu.memory_space<semaphore_mem>>)
          } else {
          }
        } else {
        }
        %add3A_178 = arith.constant 2 : i32
        %add3A_179 = arith.addi %add3A_160, %add3A_178 : i32
        %ge3A_180 = arith.constant 20 : i32
        %ge3A_181 = arith.cmpi sge, %add3A_179, %ge3A_180 : i32
        %add3A_182 = arith.constant 1 : i32
        %add3A_183 = arith.addi %add3A_104, %add3A_182 : i32
        %lt3A_184 = arith.constant 8 : i32
        %lt3A_185 = arith.cmpi slt, %add3A_183, %lt3A_184 : i32
        %and3A_186 = arith.andi %ge3A_181, %lt3A_185 : i1
        %convert_element_type3A_187 = arith.extui %and3A_186 : i1 to i32
        %cond3A_188 = arith.constant 0 : i32
        %cond3A_189 = arith.cmpi ne, %convert_element_type3A_187, %cond3A_188 : i32
        scf.if %cond3A_189 {
          %add3A_190 = arith.constant 2 : i32
          %add3A_191 = arith.addi %add3A_160, %add3A_190 : i32
          %sub3A = arith.constant 20 : i32
          %sub3A_192 = arith.subi %add3A_191, %sub3A : i32
          %eq3A_193 = arith.constant 0 : i32
          %eq3A_194 = arith.cmpi eq, %arg0, %eq3A_193 : i32
          %convert_element_type3A_195 = arith.extui %eq3A_194 : i1 to i32
          %cond3A_196 = arith.constant 0 : i32
          %cond3A_197 = arith.cmpi ne, %convert_element_type3A_195, %cond3A_196 : i32
          scf.if %cond3A_197 {
            %dma_start3A_203 = arith.constant 0 : i32
            %dma_start3A_204 = tpu.memref_slice %arg12[%sub3A_192, %dma_start3A_203] : memref<20x128xi32, #tpu.memory_space<vmem>> -> memref<1x128xi32, #tpu.memory_space<vmem>>
            %dma_start3A_205 = tpu.memref_squeeze %dma_start3A_204 : memref<1x128xi32, #tpu.memory_space<vmem>> -> memref<128xi32, #tpu.memory_space<vmem>>
            %dma_start3A_206 = arith.constant 0 : i32
            %dma_start3A_207 = arith.constant 0 : i32
            %dma_start3A_208 = tpu.memref_slice %arg2[%dma_start3A_206, %dma_start3A_207] : memref<10240x128xf32, #tpu.memory_space<hbm>> -> memref<10240x128xf32, #tpu.memory_space<hbm>>
            tpu.enqueue_indirect_dma source(%dma_start3A_208 : memref<10240x128xf32, #tpu.memory_space<hbm>>) target(%arg11 : memref<128x128xf32, #tpu.memory_space<vmem>>) offsets(%dma_start3A_205 : memref<128xi32, #tpu.memory_space<vmem>>) semaphore(%arg17 : memref<!tpu.dma_semaphore, #tpu.memory_space<semaphore_mem>>)
          } else {
          }
          %eq3A_198 = arith.constant 1 : i32
          %eq3A_199 = arith.cmpi eq, %arg0, %eq3A_198 : i32
          %convert_element_type3A_200 = arith.extui %eq3A_199 : i1 to i32
          %cond3A_201 = arith.constant 0 : i32
          %cond3A_202 = arith.cmpi ne, %convert_element_type3A_200, %cond3A_201 : i32
          scf.if %cond3A_202 {
            %dma_start3A_203 = arith.constant 0 : i32
            %dma_start3A_204 = tpu.memref_slice %arg12[%sub3A_192, %dma_start3A_203] : memref<20x128xi32, #tpu.memory_space<vmem>> -> memref<1x128xi32, #tpu.memory_space<vmem>>
            %dma_start3A_205 = tpu.memref_squeeze %dma_start3A_204 : memref<1x128xi32, #tpu.memory_space<vmem>> -> memref<128xi32, #tpu.memory_space<vmem>>
            %dma_start3A_206 = arith.constant 0 : i32
            %dma_start3A_207 = arith.constant 0 : i32
            %dma_start3A_208 = tpu.memref_slice %arg3[%dma_start3A_206, %dma_start3A_207] : memref<10240x128xf32, #tpu.memory_space<hbm>> -> memref<10240x128xf32, #tpu.memory_space<hbm>>
            tpu.enqueue_indirect_dma source(%dma_start3A_208 : memref<10240x128xf32, #tpu.memory_space<hbm>>) target(%arg11 : memref<128x128xf32, #tpu.memory_space<vmem>>) offsets(%dma_start3A_205 : memref<128xi32, #tpu.memory_space<vmem>>) semaphore(%arg17 : memref<!tpu.dma_semaphore, #tpu.memory_space<semaphore_mem>>)
          } else {
          }
        } else {
        }
      }
      %scan3A_117 = arith.constant 10 : i32
      %add3A_118 = arith.constant 2 : i32
      %add3A_119 = arith.addi %add3A_104, %add3A_118 : i32
      %lt3A_120 = arith.constant 8 : i32
      %lt3A_121 = arith.cmpi slt, %add3A_119, %lt3A_120 : i32
      %convert_element_type3A_122 = arith.extui %lt3A_121 : i1 to i32
      %cond3A_123 = arith.constant 0 : i32
      %cond3A_124 = arith.cmpi ne, %convert_element_type3A_122, %cond3A_123 : i32
      scf.if %cond3A_124 {
        %add3A_125 = arith.constant 2 : i32
        %add3A_126 = arith.addi %add3A_104, %add3A_125 : i32
        %mul3A_127 = arith.constant 20 : i32
        %mul3A_128 = arith.muli %add3A_126, %mul3A_127 : i32
        %add3A_129 = arith.addi %mul3A_0, %mul3A_128 : i32
        %dma_start3A_130 = arith.constant 0 : i32
        %dma_start3A_131 = tpu.memref_slice %arg4[%add3A_129, %dma_start3A_130] : memref<2560x128xi32, #tpu.memory_space<hbm>> -> memref<20x128xi32, #tpu.memory_space<hbm>>
        %dma_start3A_132 = arith.constant 0 : i32
        %dma_start3A_133 = tpu.memref_slice %arg4[%add3A_129, %dma_start3A_132] : memref<2560x128xi32, #tpu.memory_space<hbm>> -> memref<20x128xi32, #tpu.memory_space<hbm>>
        tpu.enqueue_dma source(%dma_start3A_133 : memref<20x128xi32, #tpu.memory_space<hbm>>) target(%arg13 : memref<20x128xi32, #tpu.memory_space<vmem>>) target_semaphore(%arg19 : memref<!tpu.dma_semaphore, #tpu.memory_space<semaphore_mem>>)
        %mul3A_134 = arith.constant 20 : i32
        %mul3A_135 = arith.muli %add3A_126, %mul3A_134 : i32
        %add3A_136 = arith.addi %mul3A_0, %mul3A_135 : i32
        %dma_start3A_137 = arith.constant 0 : i32
        %dma_start3A_138 = tpu.memref_slice %arg5[%add3A_136, %dma_start3A_137] : memref<2560x128xi32, #tpu.memory_space<hbm>> -> memref<20x128xi32, #tpu.memory_space<hbm>>
        %dma_start3A_139 = arith.constant 0 : i32
        %dma_start3A_140 = tpu.memref_slice %arg5[%add3A_136, %dma_start3A_139] : memref<2560x128xi32, #tpu.memory_space<hbm>> -> memref<20x128xi32, #tpu.memory_space<hbm>>
        tpu.enqueue_dma source(%dma_start3A_140 : memref<20x128xi32, #tpu.memory_space<hbm>>) target(%arg15 : memref<20x128xi32, #tpu.memory_space<vmem>>) target_semaphore(%arg19 : memref<!tpu.dma_semaphore, #tpu.memory_space<semaphore_mem>>)
      } else {
      }
    }
    %scan3A_65 = arith.constant 4 : i32
    %barrier3A_66 = arith.constant 0 : index
    tpu.barrier barrier_id(%barrier3A_66)
    %eq3A_67 = arith.constant 0 : i32
    %eq3A_68 = arith.cmpi eq, %arg0, %eq3A_67 : i32
    %convert_element_type3A_69 = arith.extui %eq3A_68 : i1 to i32
    %cond3A_70 = arith.constant 0 : i32
    %cond3A_71 = arith.cmpi ne, %convert_element_type3A_69, %cond3A_70 : i32
    scf.if %cond3A_71 {
      %mul3A_77 = arith.constant 640 : i32
      %mul3A_78 = arith.muli %arg1, %mul3A_77 : i32
      %mul3A_79 = arith.constant 640 : i32
      %mul3A_80 = arith.muli %arg1, %mul3A_79 : i32
      "tpu.region"() ({
        %run_scoped3A = tpu.sem_alloc : memref<!tpu.dma_semaphore, #tpu.memory_space<semaphore_mem>>
        %dma_start3A_81 = arith.constant 0 : i32
        %dma_start3A_82 = tpu.memref_slice %arg7[%mul3A_80, %dma_start3A_81] : memref<10240x128xf32, #tpu.memory_space<hbm>> -> memref<640x128xf32, #tpu.memory_space<hbm>>
        %dma_start3A_83 = arith.constant 0 : i32
        %dma_start3A_84 = tpu.memref_slice %arg9[%mul3A_78, %dma_start3A_83] : memref<10240x128xf32, #tpu.memory_space<vmem_shared>> -> memref<640x128xf32, #tpu.memory_space<vmem_shared>>
        tpu.enqueue_dma source(%dma_start3A_84 : memref<640x128xf32, #tpu.memory_space<vmem_shared>>) target(%dma_start3A_82 : memref<640x128xf32, #tpu.memory_space<hbm>>) target_semaphore(%run_scoped3A : memref<!tpu.dma_semaphore, #tpu.memory_space<semaphore_mem>>)
        %dma_wait3A_85 = arith.constant 0 : i32
        %dma_wait3A_86 = tpu.memref_slice %arg7[%mul3A_80, %dma_wait3A_85] : memref<10240x128xf32, #tpu.memory_space<hbm>> -> memref<640x128xf32, #tpu.memory_space<hbm>>
        %dma_wait3A_87 = arith.constant 0 : i32
        %dma_wait3A_88 = tpu.memref_slice %arg9[%mul3A_78, %dma_wait3A_87] : memref<10240x128xf32, #tpu.memory_space<vmem_shared>> -> memref<640x128xf32, #tpu.memory_space<vmem_shared>>
        tpu.wait_dma2 semaphore(%run_scoped3A : memref<!tpu.dma_semaphore, #tpu.memory_space<semaphore_mem>>) src(%dma_wait3A_88 : memref<640x128xf32, #tpu.memory_space<vmem_shared>>) dst(%dma_wait3A_86 : memref<640x128xf32, #tpu.memory_space<hbm>>)
        tpu.yield
      }) : () -> ()
    } else {
    }
    %eq3A_72 = arith.constant 1 : i32
    %eq3A_73 = arith.cmpi eq, %arg0, %eq3A_72 : i32
    %convert_element_type3A_74 = arith.extui %eq3A_73 : i1 to i32
    %cond3A_75 = arith.constant 0 : i32
    %cond3A_76 = arith.cmpi ne, %convert_element_type3A_74, %cond3A_75 : i32
    scf.if %cond3A_76 {
      %mul3A_77 = arith.constant 640 : i32
      %mul3A_78 = arith.muli %arg1, %mul3A_77 : i32
      %mul3A_79 = arith.constant 640 : i32
      %mul3A_80 = arith.muli %arg1, %mul3A_79 : i32
      "tpu.region"() ({
        %run_scoped3A = tpu.sem_alloc : memref<!tpu.dma_semaphore, #tpu.memory_space<semaphore_mem>>
        %dma_start3A_81 = arith.constant 0 : i32
        %dma_start3A_82 = tpu.memref_slice %arg8[%mul3A_80, %dma_start3A_81] : memref<10240x128xf32, #tpu.memory_space<hbm>> -> memref<640x128xf32, #tpu.memory_space<hbm>>
        %dma_start3A_83 = arith.constant 0 : i32
        %dma_start3A_84 = tpu.memref_slice %arg9[%mul3A_78, %dma_start3A_83] : memref<10240x128xf32, #tpu.memory_space<vmem_shared>> -> memref<640x128xf32, #tpu.memory_space<vmem_shared>>
        tpu.enqueue_dma source(%dma_start3A_84 : memref<640x128xf32, #tpu.memory_space<vmem_shared>>) target(%dma_start3A_82 : memref<640x128xf32, #tpu.memory_space<hbm>>) target_semaphore(%run_scoped3A : memref<!tpu.dma_semaphore, #tpu.memory_space<semaphore_mem>>)
        %dma_wait3A_85 = arith.constant 0 : i32
        %dma_wait3A_86 = tpu.memref_slice %arg8[%mul3A_80, %dma_wait3A_85] : memref<10240x128xf32, #tpu.memory_space<hbm>> -> memref<640x128xf32, #tpu.memory_space<hbm>>
        %dma_wait3A_87 = arith.constant 0 : i32
        %dma_wait3A_88 = tpu.memref_slice %arg9[%mul3A_78, %dma_wait3A_87] : memref<10240x128xf32, #tpu.memory_space<vmem_shared>> -> memref<640x128xf32, #tpu.memory_space<vmem_shared>>
        tpu.wait_dma2 semaphore(%run_scoped3A : memref<!tpu.dma_semaphore, #tpu.memory_space<semaphore_mem>>) src(%dma_wait3A_88 : memref<640x128xf32, #tpu.memory_space<vmem_shared>>) dst(%dma_wait3A_86 : memref<640x128xf32, #tpu.memory_space<hbm>>)
        tpu.yield
      }) : () -> ()
    } else {
    }
    return
  }
}

module attributes {stable_mosaic.version = 14 : i64} {
  func.func @_mm0_body(%arg0: i32, %arg1: memref<1024x256xf32, #tpu.memory_space<vmem>>, %arg2: memref<256x256xf32, #tpu.memory_space<vmem>>, %arg3: memref<1024x256xf32, #tpu.memory_space<vmem>>) attributes {dimension_semantics = [#tpu.dimension_semantics<arbitrary>], iteration_bounds = array<i64: 10>, scalar_prefetch = 0 : i64, scratch_operands = 0 : i64, tpu.core_type = #tpu.core_type<tc>, window_params = [{transform_indices = @transform_0, window_bounds = array<i64: 1024, 256>}, {pipeline_mode = #tpu.pipeline_mode<synchronous>, transform_indices = @transform_1, window_bounds = array<i64: 256, 256>}, {transform_indices = @transform_2, window_bounds = array<i64: 1024, 256>}]} {
    %get3A = arith.constant 0 : index
    %get3A_0 = arith.constant 0 : index
    %get3A_1 = vector.load %arg1[%get3A, %get3A_0] : memref<1024x256xf32, #tpu.memory_space<vmem>>, vector<1024x256xf32>
    %get3A_2 = arith.constant 0 : index
    %get3A_3 = arith.constant 0 : index
    %get3A_4 = vector.load %arg2[%get3A_2, %get3A_3] : memref<256x256xf32, #tpu.memory_space<vmem>>, vector<256x256xf32>
    %dot_general3A = arith.constant dense<0.000000e+00> : vector<1024x256xf32>
    %dot_general3A_5 = tpu.matmul %get3A_1, %get3A_4, %dot_general3A {dimension_numbers = #tpu.dot_dimension_numbers<[1], [0], [0], [1], [0, 0, 1, 1], [], []>, transpose_lhs_hint = false} : vector<1024x256xf32>, vector<256x256xf32>, vector<1024x256xf32> -> vector<1024x256xf32>
    %swap3A = arith.constant 0 : index
    %swap3A_6 = arith.constant 0 : index
    %swap3A_7 = vector.load %arg3[%swap3A, %swap3A_6] : memref<1024x256xf32, #tpu.memory_space<vmem>>, vector<1024x256xf32>
    tpu.vector_store %arg3[%swap3A, %swap3A_6], %dot_general3A_5 {strides = array<i32>} : memref<1024x256xf32, #tpu.memory_space<vmem>>, vector<1024x256xf32>,
    return
  }
  func.func @transform_0(%arg0: i32) -> (i32, i32) {
    %c0_i32 = arith.constant 0 : i32
    %c0_i32_0 = arith.constant 0 : i32
    return %arg0, %c0_i32 : i32, i32
  }
  func.func @transform_1(%arg0: i32) -> (i32, i32) {
    %c0_i32 = arith.constant 0 : i32
    %c0_i32_0 = arith.constant 0 : i32
    %c0_i32_1 = arith.constant 0 : i32
    return %c0_i32, %c0_i32_0 : i32, i32
  }
  func.func @transform_2(%arg0: i32) -> (i32, i32) {
    %c0_i32 = arith.constant 0 : i32
    %c0_i32_0 = arith.constant 0 : i32
    return %arg0, %c0_i32 : i32, i32
  }
}

module attributes {stable_mosaic.version = 14 : i64} {
  func.func @_prescale_body(%arg0: i32, %arg1: memref<1024x256xf32, #tpu.memory_space<vmem>>, %arg2: memref<2x1024x1xf32, #tpu.memory_space<vmem>>, %arg3: memref<2x1024x1xf32, #tpu.memory_space<vmem>>, %arg4: memref<1024x128xf32, #tpu.memory_space<vmem>>, %arg5: memref<1024x128xf32, #tpu.memory_space<vmem>>, %arg6: memref<1024x128xf32, #tpu.memory_space<vmem>>, %arg7: memref<1024x128xf32, #tpu.memory_space<vmem>>) attributes {dimension_semantics = [#tpu.dimension_semantics<arbitrary>], iteration_bounds = array<i64: 10>, scalar_prefetch = 0 : i64, scratch_operands = 0 : i64, tpu.core_type = #tpu.core_type<tc>, window_params = [{transform_indices = @transform_0, window_bounds = array<i64: 1024, 256>}, {transform_indices = @transform_1, window_bounds = array<i64: 2, 1024, 1>}, {transform_indices = @transform_2, window_bounds = array<i64: 2, 1024, 1>}, {transform_indices = @transform_3, window_bounds = array<i64: 1024, 128>}, {transform_indices = @transform_4, window_bounds = array<i64: 1024, 128>}, {transform_indices = @transform_5, window_bounds = array<i64: 1024, 128>}, {transform_indices = @transform_6, window_bounds = array<i64: 1024, 128>}]} {
    %get3A = arith.constant 0 : index
    %get3A_0 = arith.constant 0 : index
    %get3A_1 = arith.constant 0 : index
    %get3A_2 = vector.load %arg2[%get3A, %get3A_0, %get3A_1] : memref<2x1024x1xf32, #tpu.memory_space<vmem>>, vector<1x1024x1xf32>
    %get3A_3 = vector.shape_cast %get3A_2 : vector<1x1024x1xf32> to vector<1024x1xf32>
    %get3A_4 = arith.constant 1 : index
    %get3A_5 = arith.constant 0 : index
    %get3A_6 = arith.constant 0 : index
    %get3A_7 = vector.load %arg2[%get3A_4, %get3A_5, %get3A_6] : memref<2x1024x1xf32, #tpu.memory_space<vmem>>, vector<1x1024x1xf32>
    %get3A_8 = vector.shape_cast %get3A_7 : vector<1x1024x1xf32> to vector<1024x1xf32>
    %add3A = arith.addf %get3A_3, %get3A_8 : vector<1024x1xf32>
    %get3A_9 = arith.constant 0 : index
    %get3A_10 = arith.constant 0 : index
    %get3A_11 = arith.constant 0 : index
    %get3A_12 = vector.load %arg3[%get3A_9, %get3A_10, %get3A_11] : memref<2x1024x1xf32, #tpu.memory_space<vmem>>, vector<1x1024x1xf32>
    %get3A_13 = vector.shape_cast %get3A_12 : vector<1x1024x1xf32> to vector<1024x1xf32>
    %get3A_14 = arith.constant 1 : index
    %get3A_15 = arith.constant 0 : index
    %get3A_16 = arith.constant 0 : index
    %get3A_17 = vector.load %arg3[%get3A_14, %get3A_15, %get3A_16] : memref<2x1024x1xf32, #tpu.memory_space<vmem>>, vector<1x1024x1xf32>
    %get3A_18 = vector.shape_cast %get3A_17 : vector<1x1024x1xf32> to vector<1024x1xf32>
    %add3A_19 = arith.addf %get3A_13, %get3A_18 : vector<1024x1xf32>
    %max3A = arith.constant 1.000000e+00 : f32
    %max3A_20 = vector.broadcast %max3A : f32 to vector<1024x1xf32>
    %max3A_21 = arith.maximumf %add3A, %max3A_20 : vector<1024x1xf32>
    %rsqrt3A = math.rsqrt %max3A_21 : vector<1024x1xf32>
    %broadcast_in_dim3A = vector.shape_cast %rsqrt3A : vector<1024x1xf32> to vector<1024x1xf32>
    %broadcast_in_dim3A_22 = vector.broadcast %broadcast_in_dim3A : vector<1024x1xf32> to vector<1024x128xf32>
    %max3A_23 = arith.constant 1.000000e+00 : f32
    %max3A_24 = vector.broadcast %max3A_23 : f32 to vector<1024x1xf32>
    %max3A_25 = arith.maximumf %add3A_19, %max3A_24 : vector<1024x1xf32>
    %rsqrt3A_26 = math.rsqrt %max3A_25 : vector<1024x1xf32>
    %broadcast_in_dim3A_27 = vector.shape_cast %rsqrt3A_26 : vector<1024x1xf32> to vector<1024x1xf32>
    %broadcast_in_dim3A_28 = vector.broadcast %broadcast_in_dim3A_27 : vector<1024x1xf32> to vector<1024x128xf32>
    %swap3A = arith.constant 0 : index
    %swap3A_29 = arith.constant 0 : index
    %swap3A_30 = vector.load %arg4[%swap3A, %swap3A_29] : memref<1024x128xf32, #tpu.memory_space<vmem>>, vector<1024x128xf32>
    tpu.vector_store %arg4[%swap3A, %swap3A_29], %broadcast_in_dim3A_22 {strides = array<i32>} : memref<1024x128xf32, #tpu.memory_space<vmem>>, vector<1024x128xf32>,
    %swap3A_31 = arith.constant 0 : index
    %swap3A_32 = arith.constant 0 : index
    %swap3A_33 = vector.load %arg5[%swap3A_31, %swap3A_32] : memref<1024x128xf32, #tpu.memory_space<vmem>>, vector<1024x128xf32>
    tpu.vector_store %arg5[%swap3A_31, %swap3A_32], %broadcast_in_dim3A_28 {strides = array<i32>} : memref<1024x128xf32, #tpu.memory_space<vmem>>, vector<1024x128xf32>,
    %get3A_34 = arith.constant 0 : index
    %get3A_35 = arith.constant 0 : index
    %get3A_36 = vector.load %arg1[%get3A_34, %get3A_35] : memref<1024x256xf32, #tpu.memory_space<vmem>>, vector<1024x256xf32>
    %slice3A = vector.extract_strided_slice %get3A_36 {offsets = [0, 0], sizes = [1024, 128], strides = [1, 1]} : vector<1024x256xf32> to vector<1024x128xf32>
    %mul3A = arith.mulf %slice3A, %broadcast_in_dim3A_28 : vector<1024x128xf32>
    %swap3A_37 = arith.constant 0 : index
    %swap3A_38 = arith.constant 0 : index
    %swap3A_39 = vector.load %arg6[%swap3A_37, %swap3A_38] : memref<1024x128xf32, #tpu.memory_space<vmem>>, vector<1024x128xf32>
    tpu.vector_store %arg6[%swap3A_37, %swap3A_38], %mul3A {strides = array<i32>} : memref<1024x128xf32, #tpu.memory_space<vmem>>, vector<1024x128xf32>,
    %slice3A_40 = vector.extract_strided_slice %get3A_36 {offsets = [0, 128], sizes = [1024, 128], strides = [1, 1]} : vector<1024x256xf32> to vector<1024x128xf32>
    %mul3A_41 = arith.mulf %slice3A_40, %broadcast_in_dim3A_28 : vector<1024x128xf32>
    %swap3A_42 = arith.constant 0 : index
    %swap3A_43 = arith.constant 0 : index
    %swap3A_44 = vector.load %arg7[%swap3A_42, %swap3A_43] : memref<1024x128xf32, #tpu.memory_space<vmem>>, vector<1024x128xf32>
    tpu.vector_store %arg7[%swap3A_42, %swap3A_43], %mul3A_41 {strides = array<i32>} : memref<1024x128xf32, #tpu.memory_space<vmem>>, vector<1024x128xf32>,
    return
  }
  func.func @transform_0(%arg0: i32) -> (i32, i32) {
    %c0_i32 = arith.constant 0 : i32
    %c0_i32_0 = arith.constant 0 : i32
    return %arg0, %c0_i32 : i32, i32
  }
  func.func @transform_1(%arg0: i32) -> (i32, i32, i32) {
    %c0_i32 = arith.constant 0 : i32
    %c0_i32_0 = arith.constant 0 : i32
    %c0_i32_1 = arith.constant 0 : i32
    return %c0_i32, %arg0, %c0_i32_0 : i32, i32, i32
  }
  func.func @transform_2(%arg0: i32) -> (i32, i32, i32) {
    %c0_i32 = arith.constant 0 : i32
    %c0_i32_0 = arith.constant 0 : i32
    %c0_i32_1 = arith.constant 0 : i32
    return %c0_i32, %arg0, %c0_i32_0 : i32, i32, i32
  }
  func.func @transform_3(%arg0: i32) -> (i32, i32) {
    %c0_i32 = arith.constant 0 : i32
    %c0_i32_0 = arith.constant 0 : i32
    return %arg0, %c0_i32 : i32, i32
  }
  func.func @transform_4(%arg0: i32) -> (i32, i32) {
    %c0_i32 = arith.constant 0 : i32
    %c0_i32_0 = arith.constant 0 : i32
    return %arg0, %c0_i32 : i32, i32
  }
  func.func @transform_5(%arg0: i32) -> (i32, i32) {
    %c0_i32 = arith.constant 0 : i32
    %c0_i32_0 = arith.constant 0 : i32
    return %arg0, %c0_i32 : i32, i32
  }
  func.func @transform_6(%arg0: i32) -> (i32, i32) {
    %c0_i32 = arith.constant 0 : i32
    %c0_i32_0 = arith.constant 0 : i32
    return %arg0, %c0_i32 : i32, i32
  }
}

module attributes {stable_mosaic.version = 14 : i64} {
  func.func @_mid_body(%arg0: i32, %arg1: memref<1024x128xf32, #tpu.memory_space<vmem>>, %arg2: memref<1024x128xf32, #tpu.memory_space<vmem>>, %arg3: memref<1024x128xf32, #tpu.memory_space<vmem>>, %arg4: memref<1024x128xf32, #tpu.memory_space<vmem>>, %arg5: memref<1x256xf32, #tpu.memory_space<vmem>>, %arg6: memref<1024x128xf32, #tpu.memory_space<vmem>>, %arg7: memref<1024x128xf32, #tpu.memory_space<vmem>>, %arg8: memref<1024x128xf32, #tpu.memory_space<vmem>>, %arg9: memref<1024x128xf32, #tpu.memory_space<vmem>>) attributes {dimension_semantics = [#tpu.dimension_semantics<arbitrary>], iteration_bounds = array<i64: 10>, scalar_prefetch = 0 : i64, scratch_operands = 0 : i64, tpu.core_type = #tpu.core_type<tc>, window_params = [{transform_indices = @transform_0, window_bounds = array<i64: 1024, 128>}, {transform_indices = @transform_1, window_bounds = array<i64: 1024, 128>}, {transform_indices = @transform_2, window_bounds = array<i64: 1024, 128>}, {transform_indices = @transform_3, window_bounds = array<i64: 1024, 128>}, {pipeline_mode = #tpu.pipeline_mode<synchronous>, transform_indices = @transform_4, window_bounds = array<i64: 1, 256>}, {transform_indices = @transform_5, window_bounds = array<i64: 1024, 128>}, {transform_indices = @transform_6, window_bounds = array<i64: 1024, 128>}, {transform_indices = @transform_7, window_bounds = array<i64: 1024, 128>}, {transform_indices = @transform_8, window_bounds = array<i64: 1024, 128>}]} {
    %get3A = arith.constant 0 : index
    %get3A_0 = arith.constant 0 : index
    %get3A_1 = vector.load %arg3[%get3A, %get3A_0] : memref<1024x128xf32, #tpu.memory_space<vmem>>, vector<1024x128xf32>
    %get3A_2 = arith.constant 0 : index
    %get3A_3 = arith.constant 0 : index
    %get3A_4 = vector.load %arg4[%get3A_2, %get3A_3] : memref<1024x128xf32, #tpu.memory_space<vmem>>, vector<1024x128xf32>
    %get3A_5 = arith.constant 0 : index
    %get3A_6 = arith.constant 0 : index
    %get3A_7 = vector.load %arg5[%get3A_5, %get3A_6] : memref<1x256xf32, #tpu.memory_space<vmem>>, vector<1x256xf32>
    %get3A_8 = arith.constant 0 : index
    %get3A_9 = arith.constant 0 : index
    %get3A_10 = vector.load %arg1[%get3A_8, %get3A_9] : memref<1024x128xf32, #tpu.memory_space<vmem>>, vector<1024x128xf32>
    %mul3A = arith.mulf %get3A_10, %get3A_1 : vector<1024x128xf32>
    %slice3A = vector.extract_strided_slice %get3A_7 {offsets = [0, 0], sizes = [1, 128], strides = [1, 1]} : vector<1x256xf32> to vector<1x128xf32>
    %add3A = vector.broadcast %slice3A : vector<1x128xf32> to vector<1024x128xf32>
    %add3A_11 = arith.addf %mul3A, %add3A : vector<1024x128xf32>
    %max3A = arith.constant 0.000000e+00 : f32
    %max3A_12 = vector.broadcast %max3A : f32 to vector<1024x128xf32>
    %max3A_13 = arith.maximumf %add3A_11, %max3A_12 : vector<1024x128xf32>
    %get3A_14 = arith.constant 0 : index
    %get3A_15 = arith.constant 0 : index
    %get3A_16 = vector.load %arg2[%get3A_14, %get3A_15] : memref<1024x128xf32, #tpu.memory_space<vmem>>, vector<1024x128xf32>
    %mul3A_17 = arith.mulf %get3A_16, %get3A_1 : vector<1024x128xf32>
    %slice3A_18 = vector.extract_strided_slice %get3A_7 {offsets = [0, 128], sizes = [1, 128], strides = [1, 1]} : vector<1x256xf32> to vector<1x128xf32>
    %add3A_19 = vector.broadcast %slice3A_18 : vector<1x128xf32> to vector<1024x128xf32>
    %add3A_20 = arith.addf %mul3A_17, %add3A_19 : vector<1024x128xf32>
    %max3A_21 = arith.constant 0.000000e+00 : f32
    %max3A_22 = vector.broadcast %max3A_21 : f32 to vector<1024x128xf32>
    %max3A_23 = arith.maximumf %add3A_20, %max3A_22 : vector<1024x128xf32>
    %swap3A = arith.constant 0 : index
    %swap3A_24 = arith.constant 0 : index
    %swap3A_25 = vector.load %arg6[%swap3A, %swap3A_24] : memref<1024x128xf32, #tpu.memory_space<vmem>>, vector<1024x128xf32>
    tpu.vector_store %arg6[%swap3A, %swap3A_24], %max3A_13 {strides = array<i32>} : memref<1024x128xf32, #tpu.memory_space<vmem>>, vector<1024x128xf32>,
    %swap3A_26 = arith.constant 0 : index
    %swap3A_27 = arith.constant 0 : index
    %swap3A_28 = vector.load %arg7[%swap3A_26, %swap3A_27] : memref<1024x128xf32, #tpu.memory_space<vmem>>, vector<1024x128xf32>
    tpu.vector_store %arg7[%swap3A_26, %swap3A_27], %max3A_23 {strides = array<i32>} : memref<1024x128xf32, #tpu.memory_space<vmem>>, vector<1024x128xf32>,
    %mul3A_29 = arith.mulf %max3A_13, %get3A_4 : vector<1024x128xf32>
    %swap3A_30 = arith.constant 0 : index
    %swap3A_31 = arith.constant 0 : index
    %swap3A_32 = vector.load %arg8[%swap3A_30, %swap3A_31] : memref<1024x128xf32, #tpu.memory_space<vmem>>, vector<1024x128xf32>
    tpu.vector_store %arg8[%swap3A_30, %swap3A_31], %mul3A_29 {strides = array<i32>} : memref<1024x128xf32, #tpu.memory_space<vmem>>, vector<1024x128xf32>,
    %mul3A_33 = arith.mulf %max3A_23, %get3A_4 : vector<1024x128xf32>
    %swap3A_34 = arith.constant 0 : index
    %swap3A_35 = arith.constant 0 : index
    %swap3A_36 = vector.load %arg9[%swap3A_34, %swap3A_35] : memref<1024x128xf32, #tpu.memory_space<vmem>>, vector<1024x128xf32>
    tpu.vector_store %arg9[%swap3A_34, %swap3A_35], %mul3A_33 {strides = array<i32>} : memref<1024x128xf32, #tpu.memory_space<vmem>>, vector<1024x128xf32>,
    return
  }
  func.func @transform_0(%arg0: i32) -> (i32, i32) {
    %c0_i32 = arith.constant 0 : i32
    %c0_i32_0 = arith.constant 0 : i32
    return %arg0, %c0_i32 : i32, i32
  }
  func.func @transform_1(%arg0: i32) -> (i32, i32) {
    %c0_i32 = arith.constant 0 : i32
    %c0_i32_0 = arith.constant 0 : i32
    return %arg0, %c0_i32 : i32, i32
  }
  func.func @transform_2(%arg0: i32) -> (i32, i32) {
    %c0_i32 = arith.constant 0 : i32
    %c0_i32_0 = arith.constant 0 : i32
    return %arg0, %c0_i32 : i32, i32
  }
  func.func @transform_3(%arg0: i32) -> (i32, i32) {
    %c0_i32 = arith.constant 0 : i32
    %c0_i32_0 = arith.constant 0 : i32
    return %arg0, %c0_i32 : i32, i32
  }
  func.func @transform_4(%arg0: i32) -> (i32, i32) {
    %c0_i32 = arith.constant 0 : i32
    %c0_i32_0 = arith.constant 0 : i32
    %c0_i32_1 = arith.constant 0 : i32
    return %c0_i32, %c0_i32_0 : i32, i32
  }
  func.func @transform_5(%arg0: i32) -> (i32, i32) {
    %c0_i32 = arith.constant 0 : i32
    %c0_i32_0 = arith.constant 0 : i32
    return %arg0, %c0_i32 : i32, i32
  }
  func.func @transform_6(%arg0: i32) -> (i32, i32) {
    %c0_i32 = arith.constant 0 : i32
    %c0_i32_0 = arith.constant 0 : i32
    return %arg0, %c0_i32 : i32, i32
  }
  func.func @transform_7(%arg0: i32) -> (i32, i32) {
    %c0_i32 = arith.constant 0 : i32
    %c0_i32_0 = arith.constant 0 : i32
    return %arg0, %c0_i32 : i32, i32
  }
  func.func @transform_8(%arg0: i32) -> (i32, i32) {
    %c0_i32 = arith.constant 0 : i32
    %c0_i32_0 = arith.constant 0 : i32
    return %arg0, %c0_i32 : i32, i32
  }
}

module attributes {stable_mosaic.version = 14 : i64} {
  func.func @_final_body(%arg0: i32, %arg1: memref<1024x128xf32, #tpu.memory_space<vmem>>, %arg2: memref<1024x128xf32, #tpu.memory_space<vmem>>, %arg3: memref<1024x128xf32, #tpu.memory_space<vmem>>, %arg4: memref<1024x128xf32, #tpu.memory_space<vmem>>, %arg5: memref<1024x128xf32, #tpu.memory_space<vmem>>, %arg6: memref<512x128xf32, #tpu.memory_space<vmem>>, %arg7: memref<1x128xf32, #tpu.memory_space<vmem>>, %arg8: memref<1024x128xf32, #tpu.memory_space<vmem>>) attributes {dimension_semantics = [#tpu.dimension_semantics<arbitrary>], iteration_bounds = array<i64: 10>, scalar_prefetch = 0 : i64, scratch_operands = 0 : i64, tpu.core_type = #tpu.core_type<tc>, window_params = [{transform_indices = @transform_0, window_bounds = array<i64: 1024, 128>}, {transform_indices = @transform_1, window_bounds = array<i64: 1024, 128>}, {transform_indices = @transform_2, window_bounds = array<i64: 1024, 128>}, {transform_indices = @transform_3, window_bounds = array<i64: 1024, 128>}, {transform_indices = @transform_4, window_bounds = array<i64: 1024, 128>}, {pipeline_mode = #tpu.pipeline_mode<synchronous>, transform_indices = @transform_5, window_bounds = array<i64: 512, 128>}, {pipeline_mode = #tpu.pipeline_mode<synchronous>, transform_indices = @transform_6, window_bounds = array<i64: 1, 128>}, {transform_indices = @transform_7, window_bounds = array<i64: 1024, 128>}]} {
    %get3A = arith.constant 0 : index
    %get3A_0 = arith.constant 0 : index
    %get3A_1 = vector.load %arg6[%get3A, %get3A_0] : memref<512x128xf32, #tpu.memory_space<vmem>>, vector<512x128xf32>
    %get3A_2 = arith.constant 0 : index
    %get3A_3 = arith.constant 0 : index
    %get3A_4 = vector.load %arg5[%get3A_2, %get3A_3] : memref<1024x128xf32, #tpu.memory_space<vmem>>, vector<1024x128xf32>
    %get3A_5 = arith.constant 0 : index
    %get3A_6 = arith.constant 0 : index
    %get3A_7 = vector.load %arg1[%get3A_5, %get3A_6] : memref<1024x128xf32, #tpu.memory_space<vmem>>, vector<1024x128xf32>
    %slice3A = vector.extract_strided_slice %get3A_1 {offsets = [0, 0], sizes = [128, 128], strides = [1, 1]} : vector<512x128xf32> to vector<128x128xf32>
    %dot_general3A = arith.constant dense<0.000000e+00> : vector<1024x128xf32>
    %dot_general3A_8 = tpu.matmul %get3A_7, %slice3A, %dot_general3A {dimension_numbers = #tpu.dot_dimension_numbers<[1], [0], [0], [1], [0, 0, 1, 1], [], []>, transpose_lhs_hint = false} : vector<1024x128xf32>, vector<128x128xf32>, vector<1024x128xf32> -> vector<1024x128xf32>
    %get3A_9 = arith.constant 0 : index
    %get3A_10 = arith.constant 0 : index
    %get3A_11 = vector.load %arg2[%get3A_9, %get3A_10] : memref<1024x128xf32, #tpu.memory_space<vmem>>, vector<1024x128xf32>
    %slice3A_12 = vector.extract_strided_slice %get3A_1 {offsets = [128, 0], sizes = [128, 128], strides = [1, 1]} : vector<512x128xf32> to vector<128x128xf32>
    %dot_general3A_13 = arith.constant dense<0.000000e+00> : vector<1024x128xf32>
    %dot_general3A_14 = tpu.matmul %get3A_11, %slice3A_12, %dot_general3A_13 {dimension_numbers = #tpu.dot_dimension_numbers<[1], [0], [0], [1], [0, 0, 1, 1], [], []>, transpose_lhs_hint = false} : vector<1024x128xf32>, vector<128x128xf32>, vector<1024x128xf32> -> vector<1024x128xf32>
    %add3A = arith.addf %dot_general3A_8, %dot_general3A_14 : vector<1024x128xf32>
    %get3A_15 = arith.constant 0 : index
    %get3A_16 = arith.constant 0 : index
    %get3A_17 = vector.load %arg3[%get3A_15, %get3A_16] : memref<1024x128xf32, #tpu.memory_space<vmem>>, vector<1024x128xf32>
    %mul3A = arith.mulf %get3A_17, %get3A_4 : vector<1024x128xf32>
    %slice3A_18 = vector.extract_strided_slice %get3A_1 {offsets = [256, 0], sizes = [128, 128], strides = [1, 1]} : vector<512x128xf32> to vector<128x128xf32>
    %dot_general3A_19 = arith.constant dense<0.000000e+00> : vector<1024x128xf32>
    %dot_general3A_20 = tpu.matmul %mul3A, %slice3A_18, %dot_general3A_19 {dimension_numbers = #tpu.dot_dimension_numbers<[1], [0], [0], [1], [0, 0, 1, 1], [], []>, transpose_lhs_hint = false} : vector<1024x128xf32>, vector<128x128xf32>, vector<1024x128xf32> -> vector<1024x128xf32>
    %add3A_21 = arith.addf %add3A, %dot_general3A_20 : vector<1024x128xf32>
    %get3A_22 = arith.constant 0 : index
    %get3A_23 = arith.constant 0 : index
    %get3A_24 = vector.load %arg4[%get3A_22, %get3A_23] : memref<1024x128xf32, #tpu.memory_space<vmem>>, vector<1024x128xf32>
    %mul3A_25 = arith.mulf %get3A_24, %get3A_4 : vector<1024x128xf32>
    %slice3A_26 = vector.extract_strided_slice %get3A_1 {offsets = [384, 0], sizes = [128, 128], strides = [1, 1]} : vector<512x128xf32> to vector<128x128xf32>
    %dot_general3A_27 = arith.constant dense<0.000000e+00> : vector<1024x128xf32>
    %dot_general3A_28 = tpu.matmul %mul3A_25, %slice3A_26, %dot_general3A_27 {dimension_numbers = #tpu.dot_dimension_numbers<[1], [0], [0], [1], [0, 0, 1, 1], [], []>, transpose_lhs_hint = false} : vector<1024x128xf32>, vector<128x128xf32>, vector<1024x128xf32> -> vector<1024x128xf32>
    %add3A_29 = arith.addf %add3A_21, %dot_general3A_28 : vector<1024x128xf32>
    %get3A_30 = arith.constant 0 : index
    %get3A_31 = arith.constant 0 : index
    %get3A_32 = vector.load %arg7[%get3A_30, %get3A_31] : memref<1x128xf32, #tpu.memory_space<vmem>>, vector<1x128xf32>
    %add3A_33 = vector.broadcast %get3A_32 : vector<1x128xf32> to vector<1024x128xf32>
    %add3A_34 = arith.addf %add3A_29, %add3A_33 : vector<1024x128xf32>
    %max3A = arith.constant 0.000000e+00 : f32
    %max3A_35 = vector.broadcast %max3A : f32 to vector<1024x128xf32>
    %max3A_36 = arith.maximumf %add3A_34, %max3A_35 : vector<1024x128xf32>
    %swap3A = arith.constant 0 : index
    %swap3A_37 = arith.constant 0 : index
    %swap3A_38 = vector.load %arg8[%swap3A, %swap3A_37] : memref<1024x128xf32, #tpu.memory_space<vmem>>, vector<1024x128xf32>
    tpu.vector_store %arg8[%swap3A, %swap3A_37], %max3A_36 {strides = array<i32>} : memref<1024x128xf32, #tpu.memory_space<vmem>>, vector<1024x128xf32>,
    return
  }
  func.func @transform_0(%arg0: i32) -> (i32, i32) {
    %c0_i32 = arith.constant 0 : i32
    %c0_i32_0 = arith.constant 0 : i32
    return %arg0, %c0_i32 : i32, i32
  }
  func.func @transform_1(%arg0: i32) -> (i32, i32) {
    %c0_i32 = arith.constant 0 : i32
    %c0_i32_0 = arith.constant 0 : i32
    return %arg0, %c0_i32 : i32, i32
  }
  func.func @transform_2(%arg0: i32) -> (i32, i32) {
    %c0_i32 = arith.constant 0 : i32
    %c0_i32_0 = arith.constant 0 : i32
    return %arg0, %c0_i32 : i32, i32
  }
  func.func @transform_3(%arg0: i32) -> (i32, i32) {
    %c0_i32 = arith.constant 0 : i32
    %c0_i32_0 = arith.constant 0 : i32
    return %arg0, %c0_i32 : i32, i32
  }
  func.func @transform_4(%arg0: i32) -> (i32, i32) {
    %c0_i32 = arith.constant 0 : i32
    %c0_i32_0 = arith.constant 0 : i32
    return %arg0, %c0_i32 : i32, i32
  }
  func.func @transform_5(%arg0: i32) -> (i32, i32) {
    %c0_i32 = arith.constant 0 : i32
    %c0_i32_0 = arith.constant 0 : i32
    %c0_i32_1 = arith.constant 0 : i32
    return %c0_i32, %c0_i32_0 : i32, i32
  }
  func.func @transform_6(%arg0: i32) -> (i32, i32) {
    %c0_i32 = arith.constant 0 : i32
    %c0_i32_0 = arith.constant 0 : i32
    %c0_i32_1 = arith.constant 0 : i32
    return %c0_i32, %c0_i32_0 : i32, i32
  }
  func.func @transform_7(%arg0: i32) -> (i32, i32) {
    %c0_i32 = arith.constant 0 : i32
    %c0_i32_0 = arith.constant 0 : i32
    return %arg0, %c0_i32 : i32, i32
  }
}

</mosaic_0001>

<sc_bundles>
// kernel: kernel.12.cloned.1.call-start
scs
__scs_entry_jumppad:
0x0: {  	(pc) =	sbr.rel $0x88, $3  }
0x1: {  	(tag) =	ssettag $0x0;
	lr =	simm.s32 $0x1  }
0x2: {  	[smem:$0x3F9B] =	sst lr;
	_ =	strace $0xD0000000  }
0x3: {  	_ = 	snop  }
0x4: {  	_ = 	snop  }
0x5: {  	_ = 	snop  }
0x6: {  	_ = 	snop  }
0x7: {  	_ = 	snop  }
__scs_overlays_trampoline_lowered:
0x8: {  	[smem:$0x3FAA] =	sst s0  }
0x9: {  	[smem:$0x3FAB] =	sst s1  }
0xa: {  	[smem:$0x3FAC] =	sst s2  }
0xb: {  	[smem:$0x3FAD] =	sst s3  }
0xc: {  	[smem:$0x3FAE] =	sst s4  }
0xd: {  	[smem:$0x3FAF] =	sst s5  }
0xe: {  	[smem:$0x3FB0] =	sst s6  }
0xf: {  	[smem:$0x3FB1] =	sst s7  }
0x10: {  	[smem:$0x3FB2] =	sst s8  }
0x11: {  	[smem:$0x3FB3] =	sst s9;
	s0 =	simm.s32 @!p0 $0x0  }
0x12: {  	s1 =	sld [smem:$0x3F99];
	s0 =	simm.s32 @p0 $0x1  }
0x13: {  	[smem:$0x3FB4] =	sst s0;
	s0 =	simm.s32 @!p1 $0x0  }
0x14: {  	s2 =	sld [smem:$0x3F98];
	s0 =	simm.s32 @p1 $0x1  }
0x15: {  	[smem:$0x3FB5] =	sst s0;
	s0 =	simm.s32 @!p2 $0x0  }
0x16: {  	s3 =	sld [smem:$0x3FDB];
	s0 =	simm.s32 @p2 $0x1  }
0x17: {  	s4 =	simm.s32 $0x1BF5;
	[smem:$0x3FB7] =	sst s0  }
0x18: {  	s0 =	sld [smem:$0x3F9A];
	_ =	swait.ge [sflag:s4], $0x0  }
0x19: {  	s7 =	sld [smem:$0x3F9B]  }
0x1a: {  	s8 =	sadd.s32 $0xFFFFE003, lr  }
0x1b: {  	s9 =	sadd.s32 $0xFFFFFEF7, lr;
	s5 =	simm.s32 $0xFFFFFFFF;
	p2 =	slt.u32 s8, $0xFFFFF086  }
0x1c: {  	p1 =	slt.u32 s9, $0xF7A;
	s5 =	simm.s32 @!p2 $0x0  }
0x1d: {  	s5 =	simm.s32 @p1 $0x1;
	p0 =	seq.s32 s7, s2  }
0x1e: {  	s7 =	smul.u32 @!p0 $0xF7A, s2;
	p2 =	seq.s32 @!p0 s5, $0x0  }
0x1f: {  	s9 =	smul.u32 $0xF7A, s1;
	s8 =	simm.s32 @!p0 $0x1BF5;
	p2 =	por !p2, p0  }
0x20: {  	[sflag:s8] =	ssyncset.s32 @!p0 $0xFFFFF086;
	s6 =	sadd.s32 @!p0 s3, s7;
	s7 =	simm.s32 @!p0 $0x108  }
0x21: {  	s3 =	sadd.s32 s3, s9;
	s6 =	sadd.s32 @!p0 $0x88, s6;
	s7 =	simm.s32 @p2 $0x1082  }
0x22: {  	[simem:s7], [sflag:s8] =	dma.local @!p0 [hbm:s6], $0xF7A  }
0x23: {  	s9 =	sor.u32 $0xD0000000, s2;
	s6 =	simm.s32 $0x108;
	_ =	swait.ge @!p0 [sflag:s8], $0x0  }
0x24: {  	s3 =	sadd.s32 $0x88, s3;
	s6 =	simm.s32 @!p1 $0x1082;
	[sflag:s4] =	ssyncset.s32 $0xFFFFF086  }
0x25: {  	[simem:s6], [sflag:s4] =	dma.local [hbm:s3], $0xF7A  }
0x26: {  	[smem:$0x3F9B] =	sst s1;
	(tag) =	ssettag s2;
	_ =	strace s9  }
0x27: {  	s1 =	sld [smem:$0x3FAB]  }
0x28: {  	s2 =	sld [smem:$0x3FAC]  }
0x29: {  	s4 =	sld [smem:$0x3FAE]  }
0x2a: {  	p0 =	seq.s32 s5, $0x0;
	s5 =	sld [smem:$0x3FAF]  }
0x2b: {  	s6 =	sld [smem:$0x3FB0]  }
0x2c: {  	s7 =	sld [smem:$0x3FB1]  }
0x2d: {  	s3 =	simm.s32 $0x108;
	s8 =	sld [smem:$0x3FB2]  }
0x2e: {  	s3 =	simm.s32 @!p0 $0x1082;
	s9 =	sld [smem:$0x3FB3]  }
0x2f: {  	lr =	sadd.s32 s0, s3;
	s0 =	sld [smem:$0x3FAA]  }
0x30: {  	s3 =	sld [smem:$0x3FAD]  }
0x31: {  	[smem:$0x3FB6] =	sst s10  }
0x32: {  	s10 =	sld [smem:$0x3FB4];
	_ =	sdelay $0x3  }
0x33: {  	p0 =	seq.s32 s10, $0x1;
	s10 =	sld [smem:$0x3FB6];
	_ =	sdelay $0x3  }
0x34: {  	[smem:$0x3FB6] =	sst s10  }
0x35: {  	s10 =	sld [smem:$0x3FB5];
	_ =	sdelay $0x3  }
0x36: {  	p1 =	seq.s32 s10, $0x1;
	s10 =	sld [smem:$0x3FB6];
	_ =	sdelay $0x3  }
0x37: {  	[smem:$0x3FB6] =	sst s10  }
0x38: {  	s10 =	sld [smem:$0x3FB7]  }
0x39: {  	_ = 	snop;
	(pc) =	sbr.ind lr, $3  }
0x3a: {  	_ = 	snop  }
0x3b: {  	_ = 	snop  }
0x3c: {  	p2 =	seq.s32 s10, $0x1;
	s10 =	sld [smem:$0x3FB6]  }
0x3d: {  	_ =	shalt  }
0x3e: {  	_ =	shalt  }
0x3f: {  	_ =	shalt  }
0x40: {  	_ =	shalt  }
0x41: {  	_ =	shalt  }
0x42: {  	_ =	shalt  }
0x43: {  	_ =	shalt  }
0x44: {  	_ =	shalt  }
0x45: {  	_ =	shalt  }
0x46: {  	_ =	shalt  }
0x47: {  	_ =	shalt  }
0x48: {  	_ =	shalt  }
0x49: {  	_ =	shalt  }
0x4a: {  	_ =	shalt  }
0x4b: {  	_ =	shalt  }
0x4c: {  	_ =	shalt  }
0x4d: {  	_ =	shalt  }
0x4e: {  	_ =	shalt  }
0x4f: {  	_ =	shalt  }
0x50: {  	_ =	shalt  }
0x51: {  	_ =	shalt  }
0x52: {  	_ =	shalt  }
0x53: {  	_ =	shalt  }
0x54: {  	_ =	shalt  }
0x55: {  	_ =	shalt  }
0x56: {  	_ =	shalt  }
0x57: {  	_ =	shalt  }
0x58: {  	_ =	shalt  }
0x59: {  	_ =	shalt  }
0x5a: {  	_ =	shalt  }
0x5b: {  	_ =	shalt  }
0x5c: {  	_ =	shalt  }
0x5d: {  	_ =	shalt  }
0x5e: {  	_ =	shalt  }
0x5f: {  	_ =	shalt  }
0x60: {  	_ =	shalt  }
0x61: {  	_ =	shalt  }
0x62: {  	_ =	shalt  }
0x63: {  	_ =	shalt  }
0x64: {  	_ =	shalt  }
0x65: {  	_ =	shalt  }
0x66: {  	_ =	shalt  }
0x67: {  	_ =	shalt  }
0x68: {  	_ =	shalt  }
0x69: {  	_ =	shalt  }
0x6a: {  	_ =	shalt  }
0x6b: {  	_ =	shalt  }
0x6c: {  	_ =	shalt  }
0x6d: {  	_ =	shalt  }
0x6e: {  	_ =	shalt  }
0x6f: {  	_ =	shalt  }
0x70: {  	_ =	shalt  }
0x71: {  	_ =	shalt  }
0x72: {  	_ =	shalt  }
0x73: {  	_ =	shalt  }
0x74: {  	_ =	shalt  }
0x75: {  	_ =	shalt  }
0x76: {  	_ =	shalt  }
0x77: {  	_ =	shalt  }
0x78: {  	_ =	shalt  }
0x79: {  	_ =	shalt  }
0x7a: {  	_ =	shalt  }
0x7b: {  	_ =	shalt  }
0x7c: {  	_ =	shalt  }
0x7d: {  	_ =	shalt  }
0x7e: {  	_ =	shalt  }
0x7f: {  	_ =	shalt  }
0x80: {  	_ =	shalt  }
0x81: {  	_ =	shalt  }
0x82: {  	_ =	shalt  }
0x83: {  	_ =	shalt  }
0x84: {  	_ =	shalt  }
0x85: {  	_ =	shalt  }
0x86: {  	_ =	shalt  }
0x87: {  	_ =	shalt  }
.Lfunc_end0:
.L_simem_size_0:
called_computation.1_lowered:
.L_overlay_start_0:
0x88: {  	s2 =	sld [smem:$0x3FD9]  }
0x89: {  	s3 =	sld [smem:$0x3FFE];
	_ =	sdelay $0x1  }
0x8a: {  	s1 =	srdreg.scid  }
0x8b: {  	s0 =	sand.u32 $0x1, s1  }
0x8c: {  	s17 =	sshll.u32 s0, $0xA;
	s2 =	sadd.s32 s3, s2  }
0x8d: {  	s2 =	sadd.s32 s2, s17  }
0x8e: {  	[smem:$0x3FC2] =	sst s2  }
0x8f: {  	_ = 	snop  }
0x90: {  	s2 =	sld [smem:$0x3FD0];
	(tm) =	ssettm $0x1  }
0x91: {  	s18 =	sld [smem:$0x3FFB];
	_ =	sdelay $0x3  }
0x92: {  	_ =	strace s18  }
0x93: {  	s3 =	sld [smem:$0x3FFC];
	_ =	sdelay $0x3  }
0x94: {  	_ =	strace s3  }
0x95: {  	s3 =	sld [smem:$0x3FFD];
	_ =	sdelay $0x3  }
0x96: {  	_ =	strace s3  }
0x97: {  	_ =	strace $0x8FFFFFFF  }
0x98: {  	s19 =	sld [smem:$0x3FDB];
	_ =	sdelay $0x1  }
0x99: {  	s4 =	simm.s32 $_scs_section_size  }
0x9a: {  	s5 =	simm.s32 $_size__tile_overlayer_lowered;
	s6 =	simm.s32 $_tile_overlayer_lowered  }
0x9b: {  	s22 =	simm.s32 $0x1BFF;
	s21 =	sshll.u32 s6, $0x1;
	s3 =	sadd.s32 s4, s19  }
0x9c: {  	s7 =	simm.s32 $0x0;
	s20 =	sshll.u32 s5, $0x1;
	s5 =	sadd.s32 s21, s3  }
0x9d: {  	[timem:s7], [sflag:s22] =	dma.local [hbm:s5], s20  }
0x9e: {  	_ =	swait.ge [sflag:s22], s20  }
0x9f: {  	s4 =	ssub.s32 $0x0, s20;
	[sflag:s22] =	ssyncset.done $0x0  }
0xa0: {  	[sflag:s22] =	ssyncadd.s32 s4;
	_ =	sdelay $0x1  }
0xa1: {  	s23 =	simm.s32 $0x1B8B  }
0xa2: {  	_ =	swait.ge [sflag:s23], $0x1  }
0xa3: {  	[sflag:s23] =	ssyncset.done $0x0  }
0xa4: {  	s25 =	simm.s32 $0x1B8E;
	s24 =	sld [smem:$0x3FFE];
	[sflag:s23] =	ssyncadd.s32 $0xFFFFFFFF  }
0xa5: {  	s26 =	simm.s32 $execute0_lowered;
	[smem:$0x3FD2] =	sst s25  }
0xa6: {  	s5 =	sshll.u32 s26, $0x1;
	_ =	strace $0x80000049;
	[dreg:$0x1] =	wrdreg $0xFFFFFFFF  }
0xa7: {  	s28 =	simm.s32 $_size_execute0_lowered;
	s3 =	sadd.s32 s3, s5;
	[dreg:$0x0] =	wrdreg $0x0  }
0xa8: {  	s5 =	sshll.u32 s28, $0x1;
	[dreg:$0x2] =	wrdreg s3  }
0xa9: {  	[dreg:$0x3] =	wrdreg s5  }
0xaa: {  	[dreg:$0x4] =	wrdreg $0xC0  }
0xab: {  	_ =	task [dreg:s7], $0x5FFFF  }
0xac: {  	[dreg:$0x1] =	wrdreg $0xFFFFFFFF  }
0xad: {  	[dreg:$0x0] =	wrdreg $0x60  }
0xae: {  	[dreg:$0x2] =	wrdreg s24  }
0xaf: {  	[dreg:$0x3] =	wrdreg s2  }
0xb0: {  	[dreg:$0x4] =	wrdreg $0x0  }
0xb1: {  	[dreg:$0x5] =	wrdreg $0x9  }
0xb2: {  	_ =	task.clear_ibuf [dreg:s7], $0x6FFFF;
	_ =	strace $0x90000049  }
0xb3: {  	s29 =	simm.s32 $0x9;
	_ =	strace $0x8000004B  }
0xb4: {  	_ =	swait.ge [sflag:s29], $0x1  }
0xb5: {  	[sflag:s29] =	ssyncadd.s32 $0xFFFFFFFF  }
0xb6: {  	_ =	strace $0x9000004B  }
0xb7: {  	_ =	sfence  }
0xb8: {  	s30 =	sld [smem:$0x0];
	_ =	sdelay $0x2  }
0xb9: {  	s31 =	sshll.u32 s1, $0xD;
	s1 =	sshrl.u32 s1, $0x2  }
0xba: {  	s3 =	sand.u32 $0x4000, s31;
	s1 =	sadd.s32 s1, s30  }
0xbb: {  	s0 =	sor.u32 s3, s0;
	s1 =	sshll.u32 s1, $0x11  }
0xbc: {  	s0 =	sor.u32 s1, s0  }
0xbd: {  	s0 =	sadd.s32 $0x8F2B, s0  }
0xbe: {  	[sflag:s0] =	ssyncadd.remote.s32 $0x1  }
0xbf: {  	_ =	sfence.sel $0xFFFF  }
0xc0: {  	[dreg:$0x0] =	wrdreg $0xFFFFFFFF;
	(pc) =	sbr.abs _section_cstart, $3  }
0xc1: {  	[dreg:$0x1] =	wrdreg $0xFFFFFFFF  }
0xc2: {  	_ =	task.clear_ibuf [dreg:s7], $0x2FFFF;
	_ =	strace $0x9FFFFFFF  }
0xc3: {  	(tm) =	ssettm $0x7FFFFFFF  }
tec
execute0_lowered:
.L_overlay_start_1:
0x0: {  	(tag) =	ssettag $0x1  }
0x1: {  	s0 =	rddreg [dreg:$0x0]  }
0x2: {  	s3 =	rddreg [dreg:$0x1]  }
0x3: {  	s1 =	rddreg [dreg:$0x2]  }
0x4: {  	s2 =	simm.s32 $0x0;
	s6 =	srdreg.scid;
	s14 =	stileid.u32  }
0x5: {  	s28 =	simm.s32 $0x18000;
	s29 =	simm.s32 $0x4;
	s30 =	simm.s32 $0x1  }
0x6: {  	s31 =	simm.s32 $0x1D200;
	[smem:$0x7FF] =	sst s2;
	s5 =	sadd.s32 $0xDA00, s0  }
0x7: {  	s4 =	sadd.s32 $0x35A00, s0;
	s9 =	sadd.s32 $0x3A00, s0;
	s8 =	smul.u32 $0x50000, s14  }
0x8: {  	s6 =	sand.u32 $0x1, s6;
	s7 =	sadd.s32 $0xADA00, s0;
	s12 =	smul.u32 $0xA00, s14  }
0x9: {  	s10 =	sadd.s32 $0xAE200, s0;
	s0 =	sadd.s32 $0xD6200, s0;
	s14 =	smul.u32 $0x14000, s14  }
0xa: {  	_ =	strace $0x8000004A;
	[dreg:$0x4] =	wrdreg s7;
	s17 =	ssub.s32 $0x2, s6  }
0xb: {  	p0 =	seq.s32 s6, $0x0;
	s6 =	simm.s32 $0x1E480;
	s11 =	sshrl.u32 s17, $0x1  }
0xc: {  	s18 =	sshrl.u32 s8, $0x2;
	s13 =	sor.u32 $0x140, s12;
	s7 =	sadd.s32 s9, s12  }
0xd: {  	s8 =	sadd.s32 s3, s12;
	s19 =	sshrl.u32 s14, $0x3;
	s20 =	sadd.s32 s14, s1  }
0xe: {  	s0 =	smov.u32 @p0 s10;
	s4 =	smov.u32 @p0 s5;
	s5 =	simm.s32 $0x1D280  }
0xf: {  	s10 =	simm.s32 $0x1E680;
	s12 =	simm.s32 $0x1E780;
	s14 =	simm.s32 $0x0  }
0x10: {  	s11 =	ssub.s32 s17, s11;
	s15 =	sadd.s32 s18, s1;
	s9 =	sadd.s32 s9, s13  }
0x11: {  	s3 =	sadd.s32 s3, s13;
	s0 =	sadd.s32 s0, s19;
	[dreg:$0x6] =	wrdreg s9  }
0x12: {  	s17 =	simm.s32 $0x14000;
	s18 =	simm.s32 $0x5;
	[dreg:$0x7] =	wrdreg s3  }
0x13: {  	s26 =	sshrl.u32 s20, $0x3;
	s19 =	simm.s32 $0x1D300;
	[dreg:$0x5] =	wrdreg s15  }
0x14: {  	s20 =	simm.s32 $0x1D380;
	s21 =	smax.u32 s11, $0x1;
	[dreg:$0xd] =	wrdreg s0  }
0x15: {  	s22 =	sadd.s32 $0x4000, s15;
	s23 =	sadd.s32 $0x8000, s15;
	[dreg:$0xe] =	wrdreg s26  }
0x16: {  	s24 =	sadd.s32 $0xC000, s15;
	s25 =	sadd.s32 $0x10000, s15;
	[dreg:$0x8] =	wrdreg s21  }
.Ltmp0:
0x17: {  	s0 =	simm.s32 $0x2;
	[dreg:$0x9] =	wrdreg s22;
	(pc) =	sbr.rel .LBB2_1-.Ltmp0, $4  }
0x18: {  	s26 =	simm.s32 $0x1E500;
	s3 =	simm.s32 $0x1E580;
	[dreg:$0xa] =	wrdreg s23  }
0x19: {  	s9 =	simm.s32 $0x1E600;
	s11 =	simm.s32 $0x1E700;
	[dreg:$0xb] =	wrdreg s24  }
0x1a: {  	[dreg:$0xc] =	wrdreg s25;
	s21 =	simm.s32 $0x1CA00;
	s22 =	simm.s32 $0x1DE00  }
0x1b: {  	s24 =	simm.s32 $0x80;
	s23 =	simm.s32 $0x1D180;
	s25 =	simm.s32 $0x1C000  }
.LBB2_4:
0x1c: {  	_ =	swait.ge [sflag:s0], $0x4000  }
0x1d: {  	[sflag:s0] =	ssyncset.done $0x0  }
0x1e: {  	[sflag:s0] =	ssyncadd.s32 $0xFFFFC000  }
0x1f: {  	[spmem:s1] =	stream.indirect.scatter.add.f32 [tilespmem:s28], [sflag:$0x5], $0x80, s12, s24, $0xb8;
	[tilespmem:$0x1E800] =	vst v63  }
0x20: {  	_ =	swait.ge [sflag:s18], $0x4000  }
0x21: {  	[sflag:s18] =	ssyncset.done $0x0  }
0x22: {  	[sflag:s18] =	ssyncadd.s32 $0xFFFFC000  }
0x23: {  	s13 =	stileid.u32;
	[bflag:$0x0] =	sbarrier.arrive $0xFFFF  }
0x24: {  	s13 =	sshll.u32 s13, $0x6;
	s14 =	rddreg [dreg:$0xd]  }
0x25: {  	s13 =	sor.u32 $0x1C05, s13;
	s15 =	rddreg [dreg:$0xe]  }
0x26: {  	[hbm:s14], [sflag:s13] =	dma.local [spmem:s15], $0x2800  }
0x27: {  	_ =	swait.ge [sflag:s18], $0x2800  }
0x28: {  	s15 =	rddreg [dreg:$0xf]  }
0x29: {  	s16 =	rddreg [dreg:$0x8];
	s14 =	sadd.s32 $0x1, s15  }
0x2a: {  	p0 =	sne.s32 s14, s16  }
.Ltmp1:
0x2b: {  	_ = 	snop;
	(pc) =	sbr.rel @!p0 .LBB2_5-.Ltmp1, $3  }
0x2c: {  	_ =	sdelay $0x1  }
0x2d: {  	[sflag:s18] =	ssyncset.done $0x0  }
0x2e: {  	[sflag:s18] =	ssyncadd.s32 $0xFFFFD800  }
.LBB2_1:
0x2f: {  	[dreg:$0xf] =	wrdreg s14  }
0x30: {  	s13 =	rddreg [dreg:$0x4]  }
0x31: {  	[tilespmem:s17], [sflag:$0x5] =	stream.linear.gather [hbm4b:s13+s2], $0x4000, $0x38;
	[tilespmem:$0x1E800] =	vst v63  }
0x32: {  	_ =	swait.ge [sflag:s18], $0x4000  }
0x33: {  	[sflag:s18] =	ssyncset.done $0x0  }
0x34: {  	s14 =	rddreg [dreg:$0x5];
	[sflag:s18] =	ssyncadd.s32 $0xFFFFC000  }
0x35: {  	[spmem:s14] =	stream.linear.scatter [tilespmem:s17], [sflag:$0x5], $0x4000, $0x38;
	[tilespmem:$0x1E800] =	vst v63  }
0x36: {  	_ =	swait.ge [sflag:s18], $0x4000  }
0x37: {  	[sflag:s18] =	ssyncset.done $0x0  }
0x38: {  	s15 =	rddreg [dreg:$0x9];
	[sflag:s18] =	ssyncadd.s32 $0xFFFFC000  }
0x39: {  	[spmem:s15] =	stream.linear.scatter [tilespmem:s17], [sflag:$0x5], $0x4000, $0x38;
	[tilespmem:$0x1E800] =	vst v63  }
0x3a: {  	_ =	swait.ge [sflag:s18], $0x4000  }
0x3b: {  	[sflag:s18] =	ssyncset.done $0x0  }
0x3c: {  	s16 =	rddreg [dreg:$0xa];
	[sflag:s18] =	ssyncadd.s32 $0xFFFFC000  }
0x3d: {  	[spmem:s16] =	stream.linear.scatter [tilespmem:s17], [sflag:$0x5], $0x4000, $0x38;
	[tilespmem:$0x1E800] =	vst v63  }
0x3e: {  	_ =	swait.ge [sflag:s18], $0x4000  }
0x3f: {  	[sflag:s18] =	ssyncset.done $0x0  }
0x40: {  	s14 =	rddreg [dreg:$0xb];
	[sflag:s18] =	ssyncadd.s32 $0xFFFFC000  }
0x41: {  	[spmem:s14] =	stream.linear.scatter [tilespmem:s17], [sflag:$0x5], $0x4000, $0x38;
	[tilespmem:$0x1E800] =	vst v63  }
0x42: {  	_ =	swait.ge [sflag:s18], $0x4000  }
0x43: {  	[sflag:s18] =	ssyncset.done $0x0  }
0x44: {  	s15 =	rddreg [dreg:$0xc];
	[sflag:s18] =	ssyncadd.s32 $0xFFFFC000  }
0x45: {  	[spmem:s15] =	stream.linear.scatter [tilespmem:s17], [sflag:$0x5], $0x4000, $0x38;
	[tilespmem:$0x1E800] =	vst v63  }
0x46: {  	_ =	swait.ge [sflag:s18], $0x4000  }
0x47: {  	[sflag:s18] =	ssyncset.done $0x0  }
0x48: {  	[sflag:s18] =	ssyncadd.s32 $0xFFFFC000  }
0x49: {  	s14 =	simm.s32 $0x1C000;
	[bflag:$0x0] =	sbarrier.arrive $0xFFFF  }
0x4a: {  	[tilespmem:s14], [sflag:$0x3] =	stream.linear.gather [hbm4b:s7+s2], $0xA00, $0x38;
	[tilespmem:$0x1E800] =	vst v63  }
0x4b: {  	s16 =	simm.s32 $0x1D400  }
0x4c: {  	[tilespmem:s16], [sflag:$0x3] =	stream.linear.gather [hbm4b:s8+s2], $0xA00, $0x38;
	[tilespmem:$0x1E800] =	vst v63  }
0x4d: {  	s15 =	rddreg [dreg:$0x6]  }
0x4e: {  	[tilespmem:s21], [sflag:$0x4] =	stream.linear.gather [hbm4b:s15+s2], $0xA00, $0x38;
	[tilespmem:$0x1E800] =	vst v63  }
0x4f: {  	s16 =	rddreg [dreg:$0x7];
	s15 =	simm.s32 $0x3  }
0x50: {  	[tilespmem:s22], [sflag:$0x4] =	stream.linear.gather [hbm4b:s16+s2], $0xA00, $0x38;
	[tilespmem:$0x1E800] =	vst v63  }
0x51: {  	_ =	swait.ge [sflag:s15], $0xA00  }
0x52: {  	[sflag:s15] =	ssyncset.done $0x0  }
0x53: {  	[sflag:s15] =	ssyncadd.s32 $0xFFFFF600  }
0x54: {  	_ =	swait.ge [sflag:s15], $0xA00  }
0x55: {  	[sflag:s15] =	ssyncset.done $0x0  }
0x56: {  	[sflag:s15] =	ssyncadd.s32 $0xFFFFF600  }
0x57: {  	[tilespmem:s17], [sflag:$0x1] =	stream.indirect.gather [hbm4b:s4+s24], $0x80, s14, s24, $0xb8;
	[tilespmem:$0x1E800] =	vst v63  }
0x58: {  	s13 =	simm.s32 $0xFFFFF880;
	s16 =	simm.s32 $0x1C080  }
0x59: {  	[tilespmem:s28], [sflag:$0x2] =	stream.indirect.gather [hbm4b:s4+s24], $0x80, s16, s24, $0xb8;
	[tilespmem:$0x1E800] =	vst v63  }
.LBB2_2:
0x5a: {  	_ =	swait.ge [sflag:s29], $0xA00  }
0x5b: {  	[sflag:s29] =	ssyncset.done $0x0  }
0x5c: {  	[sflag:s29] =	ssyncadd.s32 $0xFFFFF600  }
0x5d: {  	_ =	swait.ge [sflag:s29], $0xA00  }
0x5e: {  	[sflag:s29] =	ssyncset.done $0x0  }
0x5f: {  	[sflag:s29] =	ssyncadd.s32 $0xFFFFF600  }
0x60: {  	_ =	swait.ge [sflag:s30], $0x4000  }
0x61: {  	[sflag:s30] =	ssyncset.done $0x0  }
0x62: {  	s14 =	simm.s32 $0x1D400;
	[sflag:s30] =	ssyncadd.s32 $0xFFFFC000  }
0x63: {  	[spmem:s1] =	stream.indirect.scatter.add.f32 [tilespmem:s17], [sflag:$0x5], $0x80, s14, s24, $0xb8;
	[tilespmem:$0x1E800] =	vst v63  }
0x64: {  	_ =	swait.ge [sflag:s18], $0x4000  }
0x65: {  	[sflag:s18] =	ssyncset.done $0x0  }
0x66: {  	s16 =	simm.s32 $0x1C100;
	[sflag:s18] =	ssyncadd.s32 $0xFFFFC000  }
0x67: {  	[tilespmem:s17], [sflag:$0x1] =	stream.indirect.gather [hbm4b:s4+s24], $0x80, s16, s24, $0xb8;
	[tilespmem:$0x1E800] =	vst v63  }
0x68: {  	_ =	swait.ge [sflag:s0], $0x4000  }
0x69: {  	[sflag:s0] =	ssyncset.done $0x0  }
0x6a: {  	s15 =	simm.s32 $0x1D480;
	[sflag:s0] =	ssyncadd.s32 $0xFFFFC000  }
0x6b: {  	[spmem:s1] =	stream.indirect.scatter.add.f32 [tilespmem:s28], [sflag:$0x5], $0x80, s15, s24, $0xb8;
	[tilespmem:$0x1E800] =	vst v63  }
0x6c: {  	_ =	swait.ge [sflag:s18], $0x4000  }
0x6d: {  	[sflag:s18] =	ssyncset.done $0x0  }
0x6e: {  	s16 =	simm.s32 $0x1C180;
	[sflag:s18] =	ssyncadd.s32 $0xFFFFC000  }
0x6f: {  	[tilespmem:s28], [sflag:$0x2] =	stream.indirect.gather [hbm4b:s4+s24], $0x80, s16, s24, $0xb8;
	[tilespmem:$0x1E800] =	vst v63  }
0x70: {  	_ =	swait.ge [sflag:s30], $0x4000  }
0x71: {  	[sflag:s30] =	ssyncset.done $0x0  }
0x72: {  	s15 =	simm.s32 $0x1D500;
	[sflag:s30] =	ssyncadd.s32 $0xFFFFC000  }
0x73: {  	[spmem:s1] =	stream.indirect.scatter.add.f32 [tilespmem:s17], [sflag:$0x5], $0x80, s15, s24, $0xb8;
	[tilespmem:$0x1E800] =	vst v63  }
0x74: {  	_ =	swait.ge [sflag:s18], $0x4000  }
0x75: {  	[sflag:s18] =	ssyncset.done $0x0  }
0x76: {  	s16 =	simm.s32 $0x1C200;
	[sflag:s18] =	ssyncadd.s32 $0xFFFFC000  }
0x77: {  	[tilespmem:s17], [sflag:$0x1] =	stream.indirect.gather [hbm4b:s4+s24], $0x80, s16, s24, $0xb8;
	[tilespmem:$0x1E800] =	vst v63  }
0x78: {  	_ =	swait.ge [sflag:s0], $0x4000  }
0x79: {  	[sflag:s0] =	ssyncset.done $0x0  }
0x7a: {  	s15 =	simm.s32 $0x1D580;
	[sflag:s0] =	ssyncadd.s32 $0xFFFFC000  }
0x7b: {  	[spmem:s1] =	stream.indirect.scatter.add.f32 [tilespmem:s28], [sflag:$0x5], $0x80, s15, s24, $0xb8;
	[tilespmem:$0x1E800] =	vst v63  }
0x7c: {  	_ =	swait.ge [sflag:s18], $0x4000  }
0x7d: {  	[sflag:s18] =	ssyncset.done $0x0  }
0x7e: {  	s16 =	simm.s32 $0x1C280;
	[sflag:s18] =	ssyncadd.s32 $0xFFFFC000  }
0x7f: {  	[tilespmem:s28], [sflag:$0x2] =	stream.indirect.gather [hbm4b:s4+s24], $0x80, s16, s24, $0xb8;
	[tilespmem:$0x1E800] =	vst v63  }
0x80: {  	_ =	swait.ge [sflag:s30], $0x4000  }
0x81: {  	[sflag:s30] =	ssyncset.done $0x0  }
0x82: {  	s15 =	simm.s32 $0x1D600;
	[sflag:s30] =	ssyncadd.s32 $0xFFFFC000  }
0x83: {  	[spmem:s1] =	stream.indirect.scatter.add.f32 [tilespmem:s17], [sflag:$0x5], $0x80, s15, s24, $0xb8;
	[tilespmem:$0x1E800] =	vst v63  }
0x84: {  	_ =	swait.ge [sflag:s18], $0x4000  }
0x85: {  	[sflag:s18] =	ssyncset.done $0x0  }
0x86: {  	s16 =	simm.s32 $0x1C300;
	[sflag:s18] =	ssyncadd.s32 $0xFFFFC000  }
0x87: {  	[tilespmem:s17], [sflag:$0x1] =	stream.indirect.gather [hbm4b:s4+s24], $0x80, s16, s24, $0xb8;
	[tilespmem:$0x1E800] =	vst v63  }
0x88: {  	_ =	swait.ge [sflag:s0], $0x4000  }
0x89: {  	[sflag:s0] =	ssyncset.done $0x0  }
0x8a: {  	s15 =	simm.s32 $0x1D680;
	[sflag:s0] =	ssyncadd.s32 $0xFFFFC000  }
0x8b: {  	[spmem:s1] =	stream.indirect.scatter.add.f32 [tilespmem:s28], [sflag:$0x5], $0x80, s15, s24, $0xb8;
	[tilespmem:$0x1E800] =	vst v63  }
0x8c: {  	_ =	swait.ge [sflag:s18], $0x4000  }
0x8d: {  	[sflag:s18] =	ssyncset.done $0x0  }
0x8e: {  	s16 =	simm.s32 $0x1C380;
	[sflag:s18] =	ssyncadd.s32 $0xFFFFC000  }
0x8f: {  	[tilespmem:s28], [sflag:$0x2] =	stream.indirect.gather [hbm4b:s4+s24], $0x80, s16, s24, $0xb8;
	[tilespmem:$0x1E800] =	vst v63  }
0x90: {  	_ =	swait.ge [sflag:s30], $0x4000  }
0x91: {  	[sflag:s30] =	ssyncset.done $0x0  }
0x92: {  	s15 =	simm.s32 $0x1D700;
	[sflag:s30] =	ssyncadd.s32 $0xFFFFC000  }
0x93: {  	[spmem:s1] =	stream.indirect.scatter.add.f32 [tilespmem:s17], [sflag:$0x5], $0x80, s15, s24, $0xb8;
	[tilespmem:$0x1E800] =	vst v63  }
0x94: {  	_ =	swait.ge [sflag:s18], $0x4000  }
0x95: {  	[sflag:s18] =	ssyncset.done $0x0  }
0x96: {  	s16 =	simm.s32 $0x1C400;
	[sflag:s18] =	ssyncadd.s32 $0xFFFFC000  }
0x97: {  	[tilespmem:s17], [sflag:$0x1] =	stream.indirect.gather [hbm4b:s4+s24], $0x80, s16, s24, $0xb8;
	[tilespmem:$0x1E800] =	vst v63  }
0x98: {  	_ =	swait.ge [sflag:s0], $0x4000  }
0x99: {  	[sflag:s0] =	ssyncset.done $0x0  }
0x9a: {  	s15 =	simm.s32 $0x1D780;
	[sflag:s0] =	ssyncadd.s32 $0xFFFFC000  }
0x9b: {  	[spmem:s1] =	stream.indirect.scatter.add.f32 [tilespmem:s28], [sflag:$0x5], $0x80, s15, s24, $0xb8;
	[tilespmem:$0x1E800] =	vst v63  }
0x9c: {  	_ =	swait.ge [sflag:s18], $0x4000  }
0x9d: {  	[sflag:s18] =	ssyncset.done $0x0  }
0x9e: {  	s16 =	simm.s32 $0x1C480;
	[sflag:s18] =	ssyncadd.s32 $0xFFFFC000  }
0x9f: {  	[tilespmem:s28], [sflag:$0x2] =	stream.indirect.gather [hbm4b:s4+s24], $0x80, s16, s24, $0xb8;
	[tilespmem:$0x1E800] =	vst v63  }
0xa0: {  	_ =	swait.ge [sflag:s30], $0x4000  }
0xa1: {  	[sflag:s30] =	ssyncset.done $0x0  }
0xa2: {  	s15 =	simm.s32 $0x1D800;
	[sflag:s30] =	ssyncadd.s32 $0xFFFFC000  }
0xa3: {  	[spmem:s1] =	stream.indirect.scatter.add.f32 [tilespmem:s17], [sflag:$0x5], $0x80, s15, s24, $0xb8;
	[tilespmem:$0x1E800] =	vst v63  }
0xa4: {  	_ =	swait.ge [sflag:s18], $0x4000  }
0xa5: {  	[sflag:s18] =	ssyncset.done $0x0  }
0xa6: {  	s16 =	simm.s32 $0x1C500;
	[sflag:s18] =	ssyncadd.s32 $0xFFFFC000  }
0xa7: {  	[tilespmem:s17], [sflag:$0x1] =	stream.indirect.gather [hbm4b:s4+s24], $0x80, s16, s24, $0xb8;
	[tilespmem:$0x1E800] =	vst v63  }
0xa8: {  	_ =	swait.ge [sflag:s0], $0x4000  }
0xa9: {  	[sflag:s0] =	ssyncset.done $0x0  }
0xaa: {  	s15 =	simm.s32 $0x1D880;
	[sflag:s0] =	ssyncadd.s32 $0xFFFFC000  }
0xab: {  	[spmem:s1] =	stream.indirect.scatter.add.f32 [tilespmem:s28], [sflag:$0x5], $0x80, s15, s24, $0xb8;
	[tilespmem:$0x1E800] =	vst v63  }
0xac: {  	_ =	swait.ge [sflag:s18], $0x4000  }
0xad: {  	[sflag:s18] =	ssyncset.done $0x0  }
0xae: {  	s16 =	simm.s32 $0x1C580;
	[sflag:s18] =	ssyncadd.s32 $0xFFFFC000  }
0xaf: {  	[tilespmem:s28], [sflag:$0x2] =	stream.indirect.gather [hbm4b:s4+s24], $0x80, s16, s24, $0xb8;
	[tilespmem:$0x1E800] =	vst v63  }
0xb0: {  	_ =	swait.ge [sflag:s30], $0x4000  }
0xb1: {  	[sflag:s30] =	ssyncset.done $0x0  }
0xb2: {  	s15 =	simm.s32 $0x1D900;
	[sflag:s30] =	ssyncadd.s32 $0xFFFFC000  }
0xb3: {  	[spmem:s1] =	stream.indirect.scatter.add.f32 [tilespmem:s17], [sflag:$0x5], $0x80, s15, s24, $0xb8;
	[tilespmem:$0x1E800] =	vst v63  }
0xb4: {  	_ =	swait.ge [sflag:s18], $0x4000  }
0xb5: {  	[sflag:s18] =	ssyncset.done $0x0  }
0xb6: {  	s16 =	simm.s32 $0x1C600;
	[sflag:s18] =	ssyncadd.s32 $0xFFFFC000  }
0xb7: {  	[tilespmem:s17], [sflag:$0x1] =	stream.indirect.gather [hbm4b:s4+s24], $0x80, s16, s24, $0xb8;
	[tilespmem:$0x1E800] =	vst v63  }
0xb8: {  	_ =	swait.ge [sflag:s0], $0x4000  }
0xb9: {  	[sflag:s0] =	ssyncset.done $0x0  }
0xba: {  	s15 =	simm.s32 $0x1D980;
	[sflag:s0] =	ssyncadd.s32 $0xFFFFC000  }
0xbb: {  	[spmem:s1] =	stream.indirect.scatter.add.f32 [tilespmem:s28], [sflag:$0x5], $0x80, s15, s24, $0xb8;
	[tilespmem:$0x1E800] =	vst v63  }
0xbc: {  	_ =	swait.ge [sflag:s18], $0x4000  }
0xbd: {  	[sflag:s18] =	ssyncset.done $0x0  }
0xbe: {  	s16 =	simm.s32 $0x1C680;
	[sflag:s18] =	ssyncadd.s32 $0xFFFFC000  }
0xbf: {  	[tilespmem:s28], [sflag:$0x2] =	stream.indirect.gather [hbm4b:s4+s24], $0x80, s16, s24, $0xb8;
	[tilespmem:$0x1E800] =	vst v63  }
0xc0: {  	_ =	swait.ge [sflag:s30], $0x4000  }
0xc1: {  	[sflag:s30] =	ssyncset.done $0x0  }
0xc2: {  	s15 =	simm.s32 $0x1DA00;
	[sflag:s30] =	ssyncadd.s32 $0xFFFFC000  }
0xc3: {  	[spmem:s1] =	stream.indirect.scatter.add.f32 [tilespmem:s17], [sflag:$0x5], $0x80, s15, s24, $0xb8;
	[tilespmem:$0x1E800] =	vst v63  }
0xc4: {  	_ =	swait.ge [sflag:s18], $0x4000  }
0xc5: {  	[sflag:s18] =	ssyncset.done $0x0  }
0xc6: {  	s16 =	simm.s32 $0x1C700;
	[sflag:s18] =	ssyncadd.s32 $0xFFFFC000  }
0xc7: {  	[tilespmem:s17], [sflag:$0x1] =	stream.indirect.gather [hbm4b:s4+s24], $0x80, s16, s24, $0xb8;
	[tilespmem:$0x1E800] =	vst v63  }
0xc8: {  	_ =	swait.ge [sflag:s0], $0x4000  }
0xc9: {  	[sflag:s0] =	ssyncset.done $0x0  }
0xca: {  	s15 =	simm.s32 $0x1DA80;
	[sflag:s0] =	ssyncadd.s32 $0xFFFFC000  }
0xcb: {  	[spmem:s1] =	stream.indirect.scatter.add.f32 [tilespmem:s28], [sflag:$0x5], $0x80, s15, s24, $0xb8;
	[tilespmem:$0x1E800] =	vst v63  }
0xcc: {  	_ =	swait.ge [sflag:s18], $0x4000  }
0xcd: {  	[sflag:s18] =	ssyncset.done $0x0  }
0xce: {  	s16 =	simm.s32 $0x1C780;
	[sflag:s18] =	ssyncadd.s32 $0xFFFFC000  }
0xcf: {  	[tilespmem:s28], [sflag:$0x2] =	stream.indirect.gather [hbm4b:s4+s24], $0x80, s16, s24, $0xb8;
	[tilespmem:$0x1E800] =	vst v63  }
0xd0: {  	_ =	swait.ge [sflag:s30], $0x4000  }
0xd1: {  	[sflag:s30] =	ssyncset.done $0x0  }
0xd2: {  	s15 =	simm.s32 $0x1DB00;
	[sflag:s30] =	ssyncadd.s32 $0xFFFFC000  }
0xd3: {  	[spmem:s1] =	stream.indirect.scatter.add.f32 [tilespmem:s17], [sflag:$0x5], $0x80, s15, s24, $0xb8;
	[tilespmem:$0x1E800] =	vst v63  }
0xd4: {  	_ =	swait.ge [sflag:s18], $0x4000  }
0xd5: {  	[sflag:s18] =	ssyncset.done $0x0  }
0xd6: {  	s16 =	simm.s32 $0x1C800;
	[sflag:s18] =	ssyncadd.s32 $0xFFFFC000  }
0xd7: {  	[tilespmem:s17], [sflag:$0x1] =	stream.indirect.gather [hbm4b:s4+s24], $0x80, s16, s24, $0xb8;
	[tilespmem:$0x1E800] =	vst v63  }
0xd8: {  	_ =	swait.ge [sflag:s0], $0x4000  }
0xd9: {  	[sflag:s0] =	ssyncset.done $0x0  }
0xda: {  	s15 =	simm.s32 $0x1DB80;
	[sflag:s0] =	ssyncadd.s32 $0xFFFFC000  }
0xdb: {  	[spmem:s1] =	stream.indirect.scatter.add.f32 [tilespmem:s28], [sflag:$0x5], $0x80, s15, s24, $0xb8;
	[tilespmem:$0x1E800] =	vst v63  }
0xdc: {  	_ =	swait.ge [sflag:s18], $0x4000  }
0xdd: {  	[sflag:s18] =	ssyncset.done $0x0  }
0xde: {  	s16 =	simm.s32 $0x1C880;
	[sflag:s18] =	ssyncadd.s32 $0xFFFFC000  }
0xdf: {  	[tilespmem:s28], [sflag:$0x2] =	stream.indirect.gather [hbm4b:s4+s24], $0x80, s16, s24, $0xb8;
	[tilespmem:$0x1E800] =	vst v63  }
0xe0: {  	_ =	swait.ge [sflag:s30], $0x4000  }
0xe1: {  	[sflag:s30] =	ssyncset.done $0x0  }
0xe2: {  	s15 =	simm.s32 $0x1DC00;
	[sflag:s30] =	ssyncadd.s32 $0xFFFFC000  }
0xe3: {  	[spmem:s1] =	stream.indirect.scatter.add.f32 [tilespmem:s17], [sflag:$0x5], $0x80, s15, s24, $0xb8;
	[tilespmem:$0x1E800] =	vst v63  }
0xe4: {  	_ =	swait.ge [sflag:s18], $0x4000  }
0xe5: {  	[sflag:s18] =	ssyncset.done $0x0  }
0xe6: {  	s16 =	simm.s32 $0x1C900;
	[sflag:s18] =	ssyncadd.s32 $0xFFFFC000  }
0xe7: {  	[tilespmem:s17], [sflag:$0x1] =	stream.indirect.gather [hbm4b:s4+s24], $0x80, s16, s24, $0xb8;
	[tilespmem:$0x1E800] =	vst v63  }
0xe8: {  	_ =	swait.ge [sflag:s0], $0x4000  }
0xe9: {  	[sflag:s0] =	ssyncset.done $0x0  }
0xea: {  	s15 =	simm.s32 $0x1DC80;
	[sflag:s0] =	ssyncadd.s32 $0xFFFFC000  }
0xeb: {  	[spmem:s1] =	stream.indirect.scatter.add.f32 [tilespmem:s28], [sflag:$0x5], $0x80, s15, s24, $0xb8;
	[tilespmem:$0x1E800] =	vst v63  }
0xec: {  	_ =	swait.ge [sflag:s18], $0x4000  }
0xed: {  	[sflag:s18] =	ssyncset.done $0x0  }
0xee: {  	s16 =	simm.s32 $0x1C980;
	[sflag:s18] =	ssyncadd.s32 $0xFFFFC000  }
0xef: {  	[tilespmem:s28], [sflag:$0x2] =	stream.indirect.gather [hbm4b:s4+s24], $0x80, s16, s24, $0xb8;
	[tilespmem:$0x1E800] =	vst v63  }
0xf0: {  	_ =	swait.ge [sflag:s30], $0x4000  }
0xf1: {  	[sflag:s30] =	ssyncset.done $0x0  }
0xf2: {  	s15 =	simm.s32 $0x1DD00;
	[sflag:s30] =	ssyncadd.s32 $0xFFFFC000  }
0xf3: {  	[spmem:s1] =	stream.indirect.scatter.add.f32 [tilespmem:s17], [sflag:$0x5], $0x80, s15, s24, $0xb8;
	[tilespmem:$0x1E800] =	vst v63  }
0xf4: {  	_ =	swait.ge [sflag:s18], $0x4000  }
0xf5: {  	[sflag:s18] =	ssyncset.done $0x0  }
0xf6: {  	[sflag:s18] =	ssyncadd.s32 $0xFFFFC000  }
0xf7: {  	[tilespmem:s17], [sflag:$0x1] =	stream.indirect.gather [hbm4b:s4+s24], $0x80, s21, s24, $0xb8;
	[tilespmem:$0x1E800] =	vst v63  }
0xf8: {  	_ =	swait.ge [sflag:s0], $0x4000  }
0xf9: {  	[sflag:s0] =	ssyncset.done $0x0  }
0xfa: {  	s16 =	simm.s32 $0x1DD80;
	[sflag:s0] =	ssyncadd.s32 $0xFFFFC000  }
0xfb: {  	[spmem:s1] =	stream.indirect.scatter.add.f32 [tilespmem:s28], [sflag:$0x5], $0x80, s16, s24, $0xb8;
	[tilespmem:$0x1E800] =	vst v63  }
0xfc: {  	_ =	swait.ge [sflag:s18], $0x4000  }
0xfd: {  	p0 =	seq.s32 s13, $0x0;
	[sflag:s18] =	ssyncset.done $0x0  }
0xfe: {  	s14 =	sadd.s32 @!p0 s13, s7;
	s15 =	simm.s32 $0x1CA80;
	[sflag:s18] =	ssyncadd.s32 $0xFFFFC000  }
0xff: {  	[tilespmem:s28], [sflag:$0x2] =	stream.indirect.gather [hbm4b:s4+s24], $0x80, s15, s24, $0xb8;
	[tilespmem:$0x1E800] =	vst v63  }
0x100: {  	s14 =	sadd.s32 @!p0 $0xA00, s14;
	s16 =	simm.s32 @!p0 $0x1C000;
	s15 =	simm.s32 @!p0 $0x0  }
0x101: {  	[tilespmem:s16], [sflag:$0x3] =	stream.linear.gather @!p0 [hbm4b:s14+s15], $0xA00, $0x38;
	[tilespmem:$0x1E800] =	vst v63  }
0x102: {  	s14 =	sadd.s32 @!p0 s13, s8  }
0x103: {  	s16 =	simm.s32 @!p0 $0x1D400;
	s14 =	sadd.s32 @!p0 $0xA00, s14  }
0x104: {  	[tilespmem:s16], [sflag:$0x3] =	stream.linear.gather @!p0 [hbm4b:s14+s15], $0xA00, $0x38;
	[tilespmem:$0x1E800] =	vst v63  }
0x105: {  	s14 =	simm.s32 @!p0 $0x3  }
0x106: {  	_ =	swait.ge @!p0 [sflag:s14], $0xA00  }
0x107: {  	[sflag:s14] =	ssyncset.done @!p0 $0x0  }
0x108: {  	[sflag:s14] =	ssyncadd.s32 @!p0 $0xFFFFF600  }
0x109: {  	_ =	swait.ge @!p0 [sflag:s14], $0xA00  }
0x10a: {  	[sflag:s14] =	ssyncset.done @!p0 $0x0  }
0x10b: {  	[sflag:s14] =	ssyncadd.s32 @!p0 $0xFFFFF600  }
0x10c: {  	_ =	swait.ge [sflag:s30], $0x4000  }
0x10d: {  	[sflag:s30] =	ssyncset.done $0x0  }
0x10e: {  	[sflag:s30] =	ssyncadd.s32 $0xFFFFC000  }
0x10f: {  	[spmem:s1] =	stream.indirect.scatter.add.f32 [tilespmem:s17], [sflag:$0x5], $0x80, s22, s24, $0xb8;
	[tilespmem:$0x1E800] =	vst v63  }
0x110: {  	_ =	swait.ge [sflag:s18], $0x4000  }
0x111: {  	[sflag:s18] =	ssyncset.done $0x0  }
0x112: {  	s16 =	simm.s32 $0x1CB00;
	[sflag:s18] =	ssyncadd.s32 $0xFFFFC000  }
0x113: {  	[tilespmem:s17], [sflag:$0x1] =	stream.indirect.gather [hbm4b:s4+s24], $0x80, s16, s24, $0xb8;
	[tilespmem:$0x1E800] =	vst v63  }
0x114: {  	_ =	swait.ge [sflag:s0], $0x4000  }
0x115: {  	[sflag:s0] =	ssyncset.done $0x0  }
0x116: {  	s15 =	simm.s32 $0x1DE80;
	[sflag:s0] =	ssyncadd.s32 $0xFFFFC000  }
0x117: {  	[spmem:s1] =	stream.indirect.scatter.add.f32 [tilespmem:s28], [sflag:$0x5], $0x80, s15, s24, $0xb8;
	[tilespmem:$0x1E800] =	vst v63  }
0x118: {  	_ =	swait.ge [sflag:s18], $0x4000  }
0x119: {  	[sflag:s18] =	ssyncset.done $0x0  }
0x11a: {  	s16 =	simm.s32 $0x1CB80;
	[sflag:s18] =	ssyncadd.s32 $0xFFFFC000  }
0x11b: {  	[tilespmem:s28], [sflag:$0x2] =	stream.indirect.gather [hbm4b:s4+s24], $0x80, s16, s24, $0xb8;
	[tilespmem:$0x1E800] =	vst v63  }
0x11c: {  	_ =	swait.ge [sflag:s30], $0x4000  }
0x11d: {  	[sflag:s30] =	ssyncset.done $0x0  }
0x11e: {  	s15 =	simm.s32 $0x1DF00;
	[sflag:s30] =	ssyncadd.s32 $0xFFFFC000  }
0x11f: {  	[spmem:s1] =	stream.indirect.scatter.add.f32 [tilespmem:s17], [sflag:$0x5], $0x80, s15, s24, $0xb8;
	[tilespmem:$0x1E800] =	vst v63  }
0x120: {  	_ =	swait.ge [sflag:s18], $0x4000  }
0x121: {  	[sflag:s18] =	ssyncset.done $0x0  }
0x122: {  	s16 =	simm.s32 $0x1CC00;
	[sflag:s18] =	ssyncadd.s32 $0xFFFFC000  }
0x123: {  	[tilespmem:s17], [sflag:$0x1] =	stream.indirect.gather [hbm4b:s4+s24], $0x80, s16, s24, $0xb8;
	[tilespmem:$0x1E800] =	vst v63  }
0x124: {  	_ =	swait.ge [sflag:s0], $0x4000  }
0x125: {  	[sflag:s0] =	ssyncset.done $0x0  }
0x126: {  	s15 =	simm.s32 $0x1DF80;
	[sflag:s0] =	ssyncadd.s32 $0xFFFFC000  }
0x127: {  	[spmem:s1] =	stream.indirect.scatter.add.f32 [tilespmem:s28], [sflag:$0x5], $0x80, s15, s24, $0xb8;
	[tilespmem:$0x1E800] =	vst v63  }
0x128: {  	_ =	swait.ge [sflag:s18], $0x4000  }
0x129: {  	[sflag:s18] =	ssyncset.done $0x0  }
0x12a: {  	s16 =	simm.s32 $0x1CC80;
	[sflag:s18] =	ssyncadd.s32 $0xFFFFC000  }
0x12b: {  	[tilespmem:s28], [sflag:$0x2] =	stream.indirect.gather [hbm4b:s4+s24], $0x80, s16, s24, $0xb8;
	[tilespmem:$0x1E800] =	vst v63  }
0x12c: {  	_ =	swait.ge [sflag:s30], $0x4000  }
0x12d: {  	[sflag:s30] =	ssyncset.done $0x0  }
0x12e: {  	s15 =	simm.s32 $0x1E000;
	[sflag:s30] =	ssyncadd.s32 $0xFFFFC000  }
0x12f: {  	[spmem:s1] =	stream.indirect.scatter.add.f32 [tilespmem:s17], [sflag:$0x5], $0x80, s15, s24, $0xb8;
	[tilespmem:$0x1E800] =	vst v63  }
0x130: {  	_ =	swait.ge [sflag:s18], $0x4000  }
0x131: {  	[sflag:s18] =	ssyncset.done $0x0  }
0x132: {  	s16 =	simm.s32 $0x1CD00;
	[sflag:s18] =	ssyncadd.s32 $0xFFFFC000  }
0x133: {  	[tilespmem:s17], [sflag:$0x1] =	stream.indirect.gather [hbm4b:s4+s24], $0x80, s16, s24, $0xb8;
	[tilespmem:$0x1E800] =	vst v63  }
0x134: {  	_ =	swait.ge [sflag:s0], $0x4000  }
0x135: {  	[sflag:s0] =	ssyncset.done $0x0  }
0x136: {  	s15 =	simm.s32 $0x1E080;
	[sflag:s0] =	ssyncadd.s32 $0xFFFFC000  }
0x137: {  	[spmem:s1] =	stream.indirect.scatter.add.f32 [tilespmem:s28], [sflag:$0x5], $0x80, s15, s24, $0xb8;
	[tilespmem:$0x1E800] =	vst v63  }
0x138: {  	_ =	swait.ge [sflag:s18], $0x4000  }
0x139: {  	[sflag:s18] =	ssyncset.done $0x0  }
0x13a: {  	s16 =	simm.s32 $0x1CD80;
	[sflag:s18] =	ssyncadd.s32 $0xFFFFC000  }
0x13b: {  	[tilespmem:s28], [sflag:$0x2] =	stream.indirect.gather [hbm4b:s4+s24], $0x80, s16, s24, $0xb8;
	[tilespmem:$0x1E800] =	vst v63  }
0x13c: {  	_ =	swait.ge [sflag:s30], $0x4000  }
0x13d: {  	[sflag:s30] =	ssyncset.done $0x0  }
0x13e: {  	s15 =	simm.s32 $0x1E100;
	[sflag:s30] =	ssyncadd.s32 $0xFFFFC000  }
0x13f: {  	[spmem:s1] =	stream.indirect.scatter.add.f32 [tilespmem:s17], [sflag:$0x5], $0x80, s15, s24, $0xb8;
	[tilespmem:$0x1E800] =	vst v63  }
0x140: {  	_ =	swait.ge [sflag:s18], $0x4000  }
0x141: {  	[sflag:s18] =	ssyncset.done $0x0  }
0x142: {  	s16 =	simm.s32 $0x1CE00;
	[sflag:s18] =	ssyncadd.s32 $0xFFFFC000  }
0x143: {  	[tilespmem:s17], [sflag:$0x1] =	stream.indirect.gather [hbm4b:s4+s24], $0x80, s16, s24, $0xb8;
	[tilespmem:$0x1E800] =	vst v63  }
0x144: {  	_ =	swait.ge [sflag:s0], $0x4000  }
0x145: {  	[sflag:s0] =	ssyncset.done $0x0  }
0x146: {  	s15 =	simm.s32 $0x1E180;
	[sflag:s0] =	ssyncadd.s32 $0xFFFFC000  }
0x147: {  	[spmem:s1] =	stream.indirect.scatter.add.f32 [tilespmem:s28], [sflag:$0x5], $0x80, s15, s24, $0xb8;
	[tilespmem:$0x1E800] =	vst v63  }
0x148: {  	_ =	swait.ge [sflag:s18], $0x4000  }
0x149: {  	[sflag:s18] =	ssyncset.done $0x0  }
0x14a: {  	s16 =	simm.s32 $0x1CE80;
	[sflag:s18] =	ssyncadd.s32 $0xFFFFC000  }
0x14b: {  	[tilespmem:s28], [sflag:$0x2] =	stream.indirect.gather [hbm4b:s4+s24], $0x80, s16, s24, $0xb8;
	[tilespmem:$0x1E800] =	vst v63  }
0x14c: {  	_ =	swait.ge [sflag:s30], $0x4000  }
0x14d: {  	[sflag:s30] =	ssyncset.done $0x0  }
0x14e: {  	s15 =	simm.s32 $0x1E200;
	[sflag:s30] =	ssyncadd.s32 $0xFFFFC000  }
0x14f: {  	[spmem:s1] =	stream.indirect.scatter.add.f32 [tilespmem:s17], [sflag:$0x5], $0x80, s15, s24, $0xb8;
	[tilespmem:$0x1E800] =	vst v63  }
0x150: {  	_ =	swait.ge [sflag:s18], $0x4000  }
0x151: {  	[sflag:s18] =	ssyncset.done $0x0  }
0x152: {  	s16 =	simm.s32 $0x1CF00;
	[sflag:s18] =	ssyncadd.s32 $0xFFFFC000  }
0x153: {  	[tilespmem:s17], [sflag:$0x1] =	stream.indirect.gather [hbm4b:s4+s24], $0x80, s16, s24, $0xb8;
	[tilespmem:$0x1E800] =	vst v63  }
0x154: {  	_ =	swait.ge [sflag:s0], $0x4000  }
0x155: {  	[sflag:s0] =	ssyncset.done $0x0  }
0x156: {  	s15 =	simm.s32 $0x1E280;
	[sflag:s0] =	ssyncadd.s32 $0xFFFFC000  }
0x157: {  	[spmem:s1] =	stream.indirect.scatter.add.f32 [tilespmem:s28], [sflag:$0x5], $0x80, s15, s24, $0xb8;
	[tilespmem:$0x1E800] =	vst v63  }
0x158: {  	_ =	swait.ge [sflag:s18], $0x4000  }
0x159: {  	[sflag:s18] =	ssyncset.done $0x0  }
0x15a: {  	s16 =	simm.s32 $0x1CF80;
	[sflag:s18] =	ssyncadd.s32 $0xFFFFC000  }
0x15b: {  	[tilespmem:s28], [sflag:$0x2] =	stream.indirect.gather [hbm4b:s4+s24], $0x80, s16, s24, $0xb8;
	[tilespmem:$0x1E800] =	vst v63  }
0x15c: {  	_ =	swait.ge [sflag:s30], $0x4000  }
0x15d: {  	[sflag:s30] =	ssyncset.done $0x0  }
0x15e: {  	s15 =	simm.s32 $0x1E300;
	[sflag:s30] =	ssyncadd.s32 $0xFFFFC000  }
0x15f: {  	[spmem:s1] =	stream.indirect.scatter.add.f32 [tilespmem:s17], [sflag:$0x5], $0x80, s15, s24, $0xb8;
	[tilespmem:$0x1E800] =	vst v63  }
0x160: {  	_ =	swait.ge [sflag:s18], $0x4000  }
0x161: {  	[sflag:s18] =	ssyncset.done $0x0  }
0x162: {  	s16 =	simm.s32 $0x1D000;
	[sflag:s18] =	ssyncadd.s32 $0xFFFFC000  }
0x163: {  	[tilespmem:s17], [sflag:$0x1] =	stream.indirect.gather [hbm4b:s4+s24], $0x80, s16, s24, $0xb8;
	[tilespmem:$0x1E800] =	vst v63  }
0x164: {  	_ =	swait.ge [sflag:s0], $0x4000  }
0x165: {  	[sflag:s0] =	ssyncset.done $0x0  }
0x166: {  	s15 =	simm.s32 $0x1E380;
	[sflag:s0] =	ssyncadd.s32 $0xFFFFC000  }
0x167: {  	[spmem:s1] =	stream.indirect.scatter.add.f32 [tilespmem:s28], [sflag:$0x5], $0x80, s15, s24, $0xb8;
	[tilespmem:$0x1E800] =	vst v63  }
0x168: {  	_ =	swait.ge [sflag:s18], $0x4000  }
0x169: {  	[sflag:s18] =	ssyncset.done $0x0  }
0x16a: {  	s16 =	simm.s32 $0x1D080;
	[sflag:s18] =	ssyncadd.s32 $0xFFFFC000  }
0x16b: {  	[tilespmem:s28], [sflag:$0x2] =	stream.indirect.gather [hbm4b:s4+s24], $0x80, s16, s24, $0xb8;
	[tilespmem:$0x1E800] =	vst v63  }
0x16c: {  	_ =	swait.ge [sflag:s30], $0x4000  }
0x16d: {  	[sflag:s30] =	ssyncset.done $0x0  }
0x16e: {  	s15 =	simm.s32 $0x1E400;
	[sflag:s30] =	ssyncadd.s32 $0xFFFFC000  }
0x16f: {  	[spmem:s1] =	stream.indirect.scatter.add.f32 [tilespmem:s17], [sflag:$0x5], $0x80, s15, s24, $0xb8;
	[tilespmem:$0x1E800] =	vst v63  }
0x170: {  	_ =	swait.ge [sflag:s18], $0x4000  }
0x171: {  	[sflag:s18] =	ssyncset.done $0x0  }
0x172: {  	s16 =	simm.s32 $0x1D100;
	[sflag:s18] =	ssyncadd.s32 $0xFFFFC000  }
0x173: {  	[tilespmem:s17], [sflag:$0x1] =	stream.indirect.gather [hbm4b:s4+s24], $0x80, s16, s24, $0xb8;
	[tilespmem:$0x1E800] =	vst v63  }
0x174: {  	_ =	swait.ge [sflag:s0], $0x4000  }
0x175: {  	[sflag:s0] =	ssyncset.done $0x0  }
0x176: {  	[sflag:s0] =	ssyncadd.s32 $0xFFFFC000  }
0x177: {  	[spmem:s1] =	stream.indirect.scatter.add.f32 [tilespmem:s28], [sflag:$0x5], $0x80, s6, s24, $0xb8;
	[tilespmem:$0x1E800] =	vst v63  }
0x178: {  	_ =	swait.ge [sflag:s18], $0x4000  }
0x179: {  	[sflag:s18] =	ssyncset.done $0x0  }
0x17a: {  	[sflag:s18] =	ssyncadd.s32 $0xFFFFC000  }
0x17b: {  	[tilespmem:s28], [sflag:$0x2] =	stream.indirect.gather [hbm4b:s4+s24], $0x80, s23, s24, $0xb8;
	[tilespmem:$0x1E800] =	vst v63  }
0x17c: {  	_ =	swait.ge [sflag:s30], $0x4000  }
0x17d: {  	[sflag:s30] =	ssyncset.done $0x0  }
0x17e: {  	[sflag:s30] =	ssyncadd.s32 $0xFFFFC000  }
0x17f: {  	[spmem:s1] =	stream.indirect.scatter.add.f32 [tilespmem:s17], [sflag:$0x5], $0x80, s26, s24, $0xb8;
	[tilespmem:$0x1E800] =	vst v63  }
0x180: {  	_ =	swait.ge [sflag:s18], $0x4000  }
0x181: {  	[sflag:s18] =	ssyncset.done $0x0  }
0x182: {  	[sflag:s18] =	ssyncadd.s32 $0xFFFFC000  }
0x183: {  	[tilespmem:s17], [sflag:$0x1] =	stream.indirect.gather [hbm4b:s4+s24], $0x80, s31, s24, $0xb8;
	[tilespmem:$0x1E800] =	vst v63  }
0x184: {  	_ =	swait.ge [sflag:s0], $0x4000  }
0x185: {  	[sflag:s0] =	ssyncset.done $0x0  }
0x186: {  	[sflag:s0] =	ssyncadd.s32 $0xFFFFC000  }
0x187: {  	[spmem:s1] =	stream.indirect.scatter.add.f32 [tilespmem:s28], [sflag:$0x5], $0x80, s3, s24, $0xb8;
	[tilespmem:$0x1E800] =	vst v63  }
0x188: {  	_ =	swait.ge [sflag:s18], $0x4000  }
0x189: {  	[sflag:s18] =	ssyncset.done $0x0  }
0x18a: {  	[sflag:s18] =	ssyncadd.s32 $0xFFFFC000  }
0x18b: {  	[tilespmem:s28], [sflag:$0x2] =	stream.indirect.gather [hbm4b:s4+s24], $0x80, s5, s24, $0xb8;
	[tilespmem:$0x1E800] =	vst v63  }
0x18c: {  	_ =	swait.ge [sflag:s30], $0x4000  }
0x18d: {  	[sflag:s30] =	ssyncset.done $0x0  }
0x18e: {  	[sflag:s30] =	ssyncadd.s32 $0xFFFFC000  }
0x18f: {  	[spmem:s1] =	stream.indirect.scatter.add.f32 [tilespmem:s17], [sflag:$0x5], $0x80, s9, s24, $0xb8;
	[tilespmem:$0x1E800] =	vst v63  }
0x190: {  	_ =	swait.ge [sflag:s18], $0x4000  }
0x191: {  	[sflag:s18] =	ssyncset.done $0x0  }
0x192: {  	[sflag:s18] =	ssyncadd.s32 $0xFFFFC000  }
0x193: {  	[tilespmem:s17], [sflag:$0x1] =	stream.indirect.gather [hbm4b:s4+s24], $0x80, s19, s24, $0xb8;
	[tilespmem:$0x1E800] =	vst v63  }
0x194: {  	_ =	swait.ge [sflag:s0], $0x4000  }
0x195: {  	[sflag:s0] =	ssyncset.done $0x0  }
0x196: {  	[sflag:s0] =	ssyncadd.s32 $0xFFFFC000  }
0x197: {  	[spmem:s1] =	stream.indirect.scatter.add.f32 [tilespmem:s28], [sflag:$0x5], $0x80, s10, s24, $0xb8;
	[tilespmem:$0x1E800] =	vst v63  }
0x198: {  	_ =	swait.ge [sflag:s18], $0x4000  }
0x199: {  	[sflag:s18] =	ssyncset.done $0x0  }
0x19a: {  	[sflag:s18] =	ssyncadd.s32 $0xFFFFC000  }
0x19b: {  	[tilespmem:s28], [sflag:$0x2] =	stream.indirect.gather [hbm4b:s4+s24], $0x80, s20, s24, $0xb8;
	[tilespmem:$0x1E800] =	vst v63  }
0x19c: {  	_ =	swait.ge [sflag:s30], $0x4000  }
0x19d: {  	[sflag:s30] =	ssyncset.done $0x0  }
.Ltmp2:
0x19e: {  	[sflag:s30] =	ssyncadd.s32 $0xFFFFC000;
	(pc) =	sbr.rel @p0 .LBB2_4-.Ltmp2, $4  }
0x19f: {  	[spmem:s1] =	stream.indirect.scatter.add.f32 [tilespmem:s17], [sflag:$0x5], $0x80, s11, s24, $0xb8;
	[tilespmem:$0x1E800] =	vst v63  }
0x1a0: {  	_ =	swait.ge [sflag:s18], $0x4000  }
0x1a1: {  	[sflag:s18] =	ssyncset.done $0x0  }
0x1a2: {  	[sflag:s18] =	ssyncadd.s32 $0xFFFFC000  }
0x1a3: {  	[tilespmem:s17], [sflag:$0x1] =	stream.indirect.gather [hbm4b:s4+s24], $0x80, s25, s24, $0xb8;
	[tilespmem:$0x1E800] =	vst v63  }
0x1a4: {  	_ =	swait.ge [sflag:s0], $0x4000  }
0x1a5: {  	[sflag:s0] =	ssyncset.done $0x0  }
0x1a6: {  	[sflag:s0] =	ssyncadd.s32 $0xFFFFC000  }
0x1a7: {  	[spmem:s1] =	stream.indirect.scatter.add.f32 [tilespmem:s28], [sflag:$0x5], $0x80, s12, s24, $0xb8;
	[tilespmem:$0x1E800] =	vst v63  }
0x1a8: {  	_ =	swait.ge [sflag:s18], $0x4000  }
0x1a9: {  	[sflag:s18] =	ssyncset.done $0x0  }
0x1aa: {  	s14 =	simm.s32 $0x1C080;
	[sflag:s18] =	ssyncadd.s32 $0xFFFFC000  }
0x1ab: {  	[tilespmem:s28], [sflag:$0x2] =	stream.indirect.gather [hbm4b:s4+s24], $0x80, s14, s24, $0xb8;
	[tilespmem:$0x1E800] =	vst v63  }
.Ltmp3:
0x1ac: {  	s15 =	sadd.s32 s13, s7;
	(pc) =	sbr.rel .LBB2_2-.Ltmp3, $4  }
0x1ad: {  	s16 =	sadd.s32 s13, s8;
	s14 =	sadd.s32 $0xB40, s15  }
0x1ae: {  	[tilespmem:s21], [sflag:$0x4] =	stream.linear.gather [hbm4b:s14+s2], $0xA00, $0x38;
	[tilespmem:$0x1E800] =	vst v63  }
0x1af: {  	s13 =	sadd.s32 $0x280, s13;
	s14 =	sadd.s32 $0xB40, s16  }
0x1b0: {  	[tilespmem:s22], [sflag:$0x4] =	stream.linear.gather [hbm4b:s14+s2], $0xA00, $0x38;
	[tilespmem:$0x1E800] =	vst v63  }
.LBB2_5:
0x1b1: {  	_ =	sfence.sel $0x180000  }
0x1b2: {  	[bflag:$0x0] =	sbarrier.arrive $0xFFFF  }
0x1b3: {  	_ =	strace $0x9000004A  }
0x1b4: {  	s0 =	stileid.u32;
	[bflag:$0x2] =	sbarrier.arrive $0xFFFF  }
0x1b5: {  	p0 =	sne.s32 s0, $0x0;
	s0 =	rddreg [dreg:$0x3]  }
0x1b6: {  	s0 =	sadd.s32 @!p0 $0x100000, s0  }
0x1b7: {  	[sflag:s0] =	ssyncadd.tile.s32 @!p0 $0x1;
	_ =	shalt  }
.Lfunc_end2:
_tile_overlayer_lowered:
.L_overlay_start_2:
0x1b8: {  	(tag) =	ssettag $0x2  }
0x1b9: {  	s0 =	rddreg [dreg:$0x0];
	s2 =	stileid.u32  }
0x1ba: {  	s1 =	rddreg [dreg:$0x1];
	p0 =	sne.s32 s2, $0x0  }
0x1bb: {  	s3 =	rddreg [dreg:$0x2];
	[bflag:$0x3] =	sbarrier.arrive $0xFFFF;
	s2 =	simm.s32 @!p0 $0x1C05  }
0x1bc: {  	[timem:s3], [sflag:s2] =	dma.local @!p0 [hbm:s0], s1  }
0x1bd: {  	s0 =	simm.s32 @!p0 $0x5  }
0x1be: {  	_ =	swait.ge @!p0 [sflag:s0], s1  }
0x1bf: {  	s1 =	ssub.s32 @!p0 $0x0, s1;
	[sflag:s0] =	ssyncset.done @!p0 $0x0  }
0x1c0: {  	[sflag:s0] =	ssyncadd.s32 @!p0 s1  }
0x1c1: {  	[bflag:$0x3] =	sbarrier.arrive $0xFFFF  }
0x1c2: {  	_ =	shalt  }

// kernel: kernel.15.cloned.1.call-start
scs
__scs_entry_jumppad:
0x0: {  	(pc) =	sbr.rel $0x88, $3  }
0x1: {  	(tag) =	ssettag $0x0;
	lr =	simm.s32 $0x1  }
0x2: {  	[smem:$0x3F9B] =	sst lr;
	_ =	strace $0xD0000000  }
0x3: {  	_ = 	snop  }
0x4: {  	_ = 	snop  }
0x5: {  	_ = 	snop  }
0x6: {  	_ = 	snop  }
0x7: {  	_ = 	snop  }
__scs_overlays_trampoline_lowered:
0x8: {  	[smem:$0x3FAA] =	sst s0  }
0x9: {  	[smem:$0x3FAB] =	sst s1  }
0xa: {  	[smem:$0x3FAC] =	sst s2  }
0xb: {  	[smem:$0x3FAD] =	sst s3  }
0xc: {  	[smem:$0x3FAE] =	sst s4  }
0xd: {  	[smem:$0x3FAF] =	sst s5  }
0xe: {  	[smem:$0x3FB0] =	sst s6  }
0xf: {  	[smem:$0x3FB1] =	sst s7  }
0x10: {  	[smem:$0x3FB2] =	sst s8  }
0x11: {  	[smem:$0x3FB3] =	sst s9;
	s0 =	simm.s32 @!p0 $0x0  }
0x12: {  	s1 =	sld [smem:$0x3F99];
	s0 =	simm.s32 @p0 $0x1  }
0x13: {  	[smem:$0x3FB4] =	sst s0;
	s0 =	simm.s32 @!p1 $0x0  }
0x14: {  	s2 =	sld [smem:$0x3F98];
	s0 =	simm.s32 @p1 $0x1  }
0x15: {  	[smem:$0x3FB5] =	sst s0;
	s0 =	simm.s32 @!p2 $0x0  }
0x16: {  	s3 =	sld [smem:$0x3FDB];
	s0 =	simm.s32 @p2 $0x1  }
0x17: {  	s4 =	simm.s32 $0x1BF5;
	[smem:$0x3FB7] =	sst s0  }
0x18: {  	s0 =	sld [smem:$0x3F9A];
	_ =	swait.ge [sflag:s4], $0x0  }
0x19: {  	s7 =	sld [smem:$0x3F9B]  }
0x1a: {  	s8 =	sadd.s32 $0xFFFFE003, lr  }
0x1b: {  	s9 =	sadd.s32 $0xFFFFFEF7, lr;
	s5 =	simm.s32 $0xFFFFFFFF;
	p2 =	slt.u32 s8, $0xFFFFF086  }
0x1c: {  	p1 =	slt.u32 s9, $0xF7A;
	s5 =	simm.s32 @!p2 $0x0  }
0x1d: {  	s5 =	simm.s32 @p1 $0x1;
	p0 =	seq.s32 s7, s2  }
0x1e: {  	s7 =	smul.u32 @!p0 $0xF7A, s2;
	p2 =	seq.s32 @!p0 s5, $0x0  }
0x1f: {  	s9 =	smul.u32 $0xF7A, s1;
	s8 =	simm.s32 @!p0 $0x1BF5;
	p2 =	por !p2, p0  }
0x20: {  	[sflag:s8] =	ssyncset.s32 @!p0 $0xFFFFF086;
	s6 =	sadd.s32 @!p0 s3, s7;
	s7 =	simm.s32 @!p0 $0x108  }
0x21: {  	s3 =	sadd.s32 s3, s9;
	s6 =	sadd.s32 @!p0 $0x88, s6;
	s7 =	simm.s32 @p2 $0x1082  }
0x22: {  	[simem:s7], [sflag:s8] =	dma.local @!p0 [hbm:s6], $0xF7A  }
0x23: {  	s9 =	sor.u32 $0xD0000000, s2;
	s6 =	simm.s32 $0x108;
	_ =	swait.ge @!p0 [sflag:s8], $0x0  }
0x24: {  	s3 =	sadd.s32 $0x88, s3;
	s6 =	simm.s32 @!p1 $0x1082;
	[sflag:s4] =	ssyncset.s32 $0xFFFFF086  }
0x25: {  	[simem:s6], [sflag:s4] =	dma.local [hbm:s3], $0xF7A  }
0x26: {  	[smem:$0x3F9B] =	sst s1;
	(tag) =	ssettag s2;
	_ =	strace s9  }
0x27: {  	s1 =	sld [smem:$0x3FAB]  }
0x28: {  	s2 =	sld [smem:$0x3FAC]  }
0x29: {  	s4 =	sld [smem:$0x3FAE]  }
0x2a: {  	p0 =	seq.s32 s5, $0x0;
	s5 =	sld [smem:$0x3FAF]  }
0x2b: {  	s6 =	sld [smem:$0x3FB0]  }
0x2c: {  	s7 =	sld [smem:$0x3FB1]  }
0x2d: {  	s3 =	simm.s32 $0x108;
	s8 =	sld [smem:$0x3FB2]  }
0x2e: {  	s3 =	simm.s32 @!p0 $0x1082;
	s9 =	sld [smem:$0x3FB3]  }
0x2f: {  	lr =	sadd.s32 s0, s3;
	s0 =	sld [smem:$0x3FAA]  }
0x30: {  	s3 =	sld [smem:$0x3FAD]  }
0x31: {  	[smem:$0x3FB6] =	sst s10  }
0x32: {  	s10 =	sld [smem:$0x3FB4];
	_ =	sdelay $0x3  }
0x33: {  	p0 =	seq.s32 s10, $0x1;
	s10 =	sld [smem:$0x3FB6];
	_ =	sdelay $0x3  }
0x34: {  	[smem:$0x3FB6] =	sst s10  }
0x35: {  	s10 =	sld [smem:$0x3FB5];
	_ =	sdelay $0x3  }
0x36: {  	p1 =	seq.s32 s10, $0x1;
	s10 =	sld [smem:$0x3FB6];
	_ =	sdelay $0x3  }
0x37: {  	[smem:$0x3FB6] =	sst s10  }
0x38: {  	s10 =	sld [smem:$0x3FB7]  }
0x39: {  	_ = 	snop;
	(pc) =	sbr.ind lr, $3  }
0x3a: {  	_ = 	snop  }
0x3b: {  	_ = 	snop  }
0x3c: {  	p2 =	seq.s32 s10, $0x1;
	s10 =	sld [smem:$0x3FB6]  }
0x3d: {  	_ =	shalt  }
0x3e: {  	_ =	shalt  }
0x3f: {  	_ =	shalt  }
0x40: {  	_ =	shalt  }
0x41: {  	_ =	shalt  }
0x42: {  	_ =	shalt  }
0x43: {  	_ =	shalt  }
0x44: {  	_ =	shalt  }
0x45: {  	_ =	shalt  }
0x46: {  	_ =	shalt  }
0x47: {  	_ =	shalt  }
0x48: {  	_ =	shalt  }
0x49: {  	_ =	shalt  }
0x4a: {  	_ =	shalt  }
0x4b: {  	_ =	shalt  }
0x4c: {  	_ =	shalt  }
0x4d: {  	_ =	shalt  }
0x4e: {  	_ =	shalt  }
0x4f: {  	_ =	shalt  }
0x50: {  	_ =	shalt  }
0x51: {  	_ =	shalt  }
0x52: {  	_ =	shalt  }
0x53: {  	_ =	shalt  }
0x54: {  	_ =	shalt  }
0x55: {  	_ =	shalt  }
0x56: {  	_ =	shalt  }
0x57: {  	_ =	shalt  }
0x58: {  	_ =	shalt  }
0x59: {  	_ =	shalt  }
0x5a: {  	_ =	shalt  }
0x5b: {  	_ =	shalt  }
0x5c: {  	_ =	shalt  }
0x5d: {  	_ =	shalt  }
0x5e: {  	_ =	shalt  }
0x5f: {  	_ =	shalt  }
0x60: {  	_ =	shalt  }
0x61: {  	_ =	shalt  }
0x62: {  	_ =	shalt  }
0x63: {  	_ =	shalt  }
0x64: {  	_ =	shalt  }
0x65: {  	_ =	shalt  }
0x66: {  	_ =	shalt  }
0x67: {  	_ =	shalt  }
0x68: {  	_ =	shalt  }
0x69: {  	_ =	shalt  }
0x6a: {  	_ =	shalt  }
0x6b: {  	_ =	shalt  }
0x6c: {  	_ =	shalt  }
0x6d: {  	_ =	shalt  }
0x6e: {  	_ =	shalt  }
0x6f: {  	_ =	shalt  }
0x70: {  	_ =	shalt  }
0x71: {  	_ =	shalt  }
0x72: {  	_ =	shalt  }
0x73: {  	_ =	shalt  }
0x74: {  	_ =	shalt  }
0x75: {  	_ =	shalt  }
0x76: {  	_ =	shalt  }
0x77: {  	_ =	shalt  }
0x78: {  	_ =	shalt  }
0x79: {  	_ =	shalt  }
0x7a: {  	_ =	shalt  }
0x7b: {  	_ =	shalt  }
0x7c: {  	_ =	shalt  }
0x7d: {  	_ =	shalt  }
0x7e: {  	_ =	shalt  }
0x7f: {  	_ =	shalt  }
0x80: {  	_ =	shalt  }
0x81: {  	_ =	shalt  }
0x82: {  	_ =	shalt  }
0x83: {  	_ =	shalt  }
0x84: {  	_ =	shalt  }
0x85: {  	_ =	shalt  }
0x86: {  	_ =	shalt  }
0x87: {  	_ =	shalt  }
.Lfunc_end0:
.L_simem_size_0:
called_computation.2_lowered:
.L_overlay_start_0:
0x88: {  	s2 =	sld [smem:$0x3FD9]  }
0x89: {  	s3 =	sld [smem:$0x3FFE];
	_ =	sdelay $0x1  }
0x8a: {  	s1 =	srdreg.scid  }
0x8b: {  	s0 =	sand.u32 $0x1, s1  }
0x8c: {  	s17 =	sshll.u32 s0, $0xA;
	s2 =	sadd.s32 s3, s2  }
0x8d: {  	s2 =	sadd.s32 s2, s17  }
0x8e: {  	[smem:$0x3FC2] =	sst s2  }
0x8f: {  	_ = 	snop  }
0x90: {  	s2 =	sld [smem:$0x3FD0];
	(tm) =	ssettm $0x1  }
0x91: {  	s18 =	sld [smem:$0x3FFB];
	_ =	sdelay $0x3  }
0x92: {  	_ =	strace s18  }
0x93: {  	s3 =	sld [smem:$0x3FFC];
	_ =	sdelay $0x3  }
0x94: {  	_ =	strace s3  }
0x95: {  	s3 =	sld [smem:$0x3FFD];
	_ =	sdelay $0x3  }
0x96: {  	_ =	strace s3  }
0x97: {  	_ =	strace $0x8FFFFFFF  }
0x98: {  	s19 =	sld [smem:$0x3FDB];
	_ =	sdelay $0x1  }
0x99: {  	s4 =	simm.s32 $_scs_section_size  }
0x9a: {  	s5 =	simm.s32 $_size__tile_overlayer_lowered;
	s6 =	simm.s32 $_tile_overlayer_lowered  }
0x9b: {  	s22 =	simm.s32 $0x1BFF;
	s21 =	sshll.u32 s6, $0x1;
	s3 =	sadd.s32 s4, s19  }
0x9c: {  	s7 =	simm.s32 $0x0;
	s20 =	sshll.u32 s5, $0x1;
	s5 =	sadd.s32 s21, s3  }
0x9d: {  	[timem:s7], [sflag:s22] =	dma.local [hbm:s5], s20  }
0x9e: {  	_ =	swait.ge [sflag:s22], s20  }
0x9f: {  	s4 =	ssub.s32 $0x0, s20;
	[sflag:s22] =	ssyncset.done $0x0  }
0xa0: {  	[sflag:s22] =	ssyncadd.s32 s4;
	_ =	sdelay $0x1  }
0xa1: {  	s23 =	simm.s32 $0x1B8B  }
0xa2: {  	_ =	swait.ge [sflag:s23], $0x1  }
0xa3: {  	[sflag:s23] =	ssyncset.done $0x0  }
0xa4: {  	s25 =	simm.s32 $0x1B8E;
	s24 =	sld [smem:$0x3FFE];
	[sflag:s23] =	ssyncadd.s32 $0xFFFFFFFF  }
0xa5: {  	s26 =	simm.s32 $execute0_lowered;
	[smem:$0x3FD2] =	sst s25  }
0xa6: {  	s5 =	sshll.u32 s26, $0x1;
	_ =	strace $0x8000004C;
	[dreg:$0x1] =	wrdreg $0xFFFFFFFF  }
0xa7: {  	s28 =	simm.s32 $_size_execute0_lowered;
	s3 =	sadd.s32 s3, s5;
	[dreg:$0x0] =	wrdreg $0x0  }
0xa8: {  	s5 =	sshll.u32 s28, $0x1;
	[dreg:$0x2] =	wrdreg s3  }
0xa9: {  	[dreg:$0x3] =	wrdreg s5  }
0xaa: {  	[dreg:$0x4] =	wrdreg $0xC0  }
0xab: {  	_ =	task [dreg:s7], $0x5FFFF  }
0xac: {  	[dreg:$0x1] =	wrdreg $0xFFFFFFFF  }
0xad: {  	[dreg:$0x0] =	wrdreg $0x60  }
0xae: {  	[dreg:$0x2] =	wrdreg s24  }
0xaf: {  	[dreg:$0x3] =	wrdreg s2  }
0xb0: {  	[dreg:$0x4] =	wrdreg $0x0  }
0xb1: {  	[dreg:$0x5] =	wrdreg $0x9  }
0xb2: {  	_ =	task.clear_ibuf [dreg:s7], $0x6FFFF;
	_ =	strace $0x9000004C  }
0xb3: {  	s29 =	simm.s32 $0x9;
	_ =	strace $0x8000004E  }
0xb4: {  	_ =	swait.ge [sflag:s29], $0x1  }
0xb5: {  	[sflag:s29] =	ssyncadd.s32 $0xFFFFFFFF  }
0xb6: {  	_ =	strace $0x9000004E  }
0xb7: {  	_ =	sfence  }
0xb8: {  	s30 =	sld [smem:$0x0];
	_ =	sdelay $0x2  }
0xb9: {  	s31 =	sshll.u32 s1, $0xD;
	s1 =	sshrl.u32 s1, $0x2  }
0xba: {  	s3 =	sand.u32 $0x4000, s31;
	s1 =	sadd.s32 s1, s30  }
0xbb: {  	s0 =	sor.u32 s3, s0;
	s1 =	sshll.u32 s1, $0x11  }
0xbc: {  	s0 =	sor.u32 s1, s0  }
0xbd: {  	s0 =	sadd.s32 $0x8F2B, s0  }
0xbe: {  	[sflag:s0] =	ssyncadd.remote.s32 $0x1  }
0xbf: {  	_ =	sfence.sel $0xFFFF  }
0xc0: {  	[dreg:$0x0] =	wrdreg $0xFFFFFFFF;
	(pc) =	sbr.abs _section_cstart, $3  }
0xc1: {  	[dreg:$0x1] =	wrdreg $0xFFFFFFFF  }
0xc2: {  	_ =	task.clear_ibuf [dreg:s7], $0x2FFFF;
	_ =	strace $0x9FFFFFFF  }
0xc3: {  	(tm) =	ssettm $0x7FFFFFFF  }
tec
execute0_lowered:
.L_overlay_start_1:
0x0: {  	(tag) =	ssettag $0x1  }
0x1: {  	s0 =	rddreg [dreg:$0x0]  }
0x2: {  	s3 =	rddreg [dreg:$0x1]  }
0x3: {  	s1 =	rddreg [dreg:$0x2]  }
0x4: {  	s2 =	simm.s32 $0x0;
	s6 =	srdreg.scid;
	s14 =	stileid.u32  }
0x5: {  	s28 =	simm.s32 $0x18000;
	s29 =	simm.s32 $0x4;
	s30 =	simm.s32 $0x1  }
0x6: {  	s31 =	simm.s32 $0x1D200;
	[smem:$0x7FF] =	sst s2;
	s5 =	sadd.s32 $0x85A00, s0  }
0x7: {  	s4 =	sadd.s32 $0xDA00, s0;
	s9 =	sadd.s32 $0x3A00, s0;
	s8 =	smul.u32 $0x50000, s14  }
0x8: {  	s6 =	sand.u32 $0x1, s6;
	s7 =	sadd.s32 $0xADA00, s0;
	s12 =	smul.u32 $0xA00, s14  }
0x9: {  	s10 =	sadd.s32 $0x35A00, s0;
	s0 =	sadd.s32 $0xAE200, s0;
	s14 =	smul.u32 $0x14000, s14  }
0xa: {  	_ =	strace $0x8000004D;
	[dreg:$0x4] =	wrdreg s7;
	s17 =	ssub.s32 $0x2, s6  }
0xb: {  	p0 =	seq.s32 s6, $0x0;
	s6 =	simm.s32 $0x1E480;
	s11 =	sshrl.u32 s17, $0x1  }
0xc: {  	s18 =	sshrl.u32 s8, $0x2;
	s13 =	sor.u32 $0x140, s12;
	s7 =	sadd.s32 s9, s12  }
0xd: {  	s8 =	sadd.s32 s3, s12;
	s19 =	sshrl.u32 s14, $0x3;
	s20 =	sadd.s32 s14, s1  }
0xe: {  	s0 =	smov.u32 @p0 s10;
	s4 =	smov.u32 @p0 s5;
	s5 =	simm.s32 $0x1D280  }
0xf: {  	s10 =	simm.s32 $0x1E680;
	s12 =	simm.s32 $0x1E780;
	s14 =	simm.s32 $0x0  }
0x10: {  	s11 =	ssub.s32 s17, s11;
	s15 =	sadd.s32 s18, s1;
	s9 =	sadd.s32 s9, s13  }
0x11: {  	s3 =	sadd.s32 s3, s13;
	s0 =	sadd.s32 s0, s19;
	[dreg:$0x6] =	wrdreg s9  }
0x12: {  	s17 =	simm.s32 $0x14000;
	s18 =	simm.s32 $0x5;
	[dreg:$0x7] =	wrdreg s3  }
0x13: {  	s26 =	sshrl.u32 s20, $0x3;
	s19 =	simm.s32 $0x1D300;
	[dreg:$0x5] =	wrdreg s15  }
0x14: {  	s20 =	simm.s32 $0x1D380;
	s21 =	smax.u32 s11, $0x1;
	[dreg:$0xd] =	wrdreg s0  }
0x15: {  	s22 =	sadd.s32 $0x4000, s15;
	s23 =	sadd.s32 $0x8000, s15;
	[dreg:$0xe] =	wrdreg s26  }
0x16: {  	s24 =	sadd.s32 $0xC000, s15;
	s25 =	sadd.s32 $0x10000, s15;
	[dreg:$0x8] =	wrdreg s21  }
.Ltmp0:
0x17: {  	s0 =	simm.s32 $0x2;
	[dreg:$0x9] =	wrdreg s22;
	(pc) =	sbr.rel .LBB2_1-.Ltmp0, $4  }
0x18: {  	s26 =	simm.s32 $0x1E500;
	s3 =	simm.s32 $0x1E580;
	[dreg:$0xa] =	wrdreg s23  }
0x19: {  	s9 =	simm.s32 $0x1E600;
	s11 =	simm.s32 $0x1E700;
	[dreg:$0xb] =	wrdreg s24  }
0x1a: {  	[dreg:$0xc] =	wrdreg s25;
	s21 =	simm.s32 $0x1CA00;
	s22 =	simm.s32 $0x1DE00  }
0x1b: {  	s24 =	simm.s32 $0x80;
	s23 =	simm.s32 $0x1D180;
	s25 =	simm.s32 $0x1C000  }
.LBB2_4:
0x1c: {  	_ =	swait.ge [sflag:s0], $0x4000  }
0x1d: {  	[sflag:s0] =	ssyncset.done $0x0  }
0x1e: {  	[sflag:s0] =	ssyncadd.s32 $0xFFFFC000  }
0x1f: {  	[spmem:s1] =	stream.indirect.scatter.add.f32 [tilespmem:s28], [sflag:$0x5], $0x80, s12, s24, $0xb8;
	[tilespmem:$0x1E800] =	vst v63  }
0x20: {  	_ =	swait.ge [sflag:s18], $0x4000  }
0x21: {  	[sflag:s18] =	ssyncset.done $0x0  }
0x22: {  	[sflag:s18] =	ssyncadd.s32 $0xFFFFC000  }
0x23: {  	s13 =	stileid.u32;
	[bflag:$0x0] =	sbarrier.arrive $0xFFFF  }
0x24: {  	s13 =	sshll.u32 s13, $0x6;
	s14 =	rddreg [dreg:$0xd]  }
0x25: {  	s13 =	sor.u32 $0x1C05, s13;
	s15 =	rddreg [dreg:$0xe]  }
0x26: {  	[hbm:s14], [sflag:s13] =	dma.local [spmem:s15], $0x2800  }
0x27: {  	_ =	swait.ge [sflag:s18], $0x2800  }
0x28: {  	s15 =	rddreg [dreg:$0xf]  }
0x29: {  	s16 =	rddreg [dreg:$0x8];
	s14 =	sadd.s32 $0x1, s15  }
0x2a: {  	p0 =	sne.s32 s14, s16  }
.Ltmp1:
0x2b: {  	_ = 	snop;
	(pc) =	sbr.rel @!p0 .LBB2_5-.Ltmp1, $3  }
0x2c: {  	_ =	sdelay $0x1  }
0x2d: {  	[sflag:s18] =	ssyncset.done $0x0  }
0x2e: {  	[sflag:s18] =	ssyncadd.s32 $0xFFFFD800  }
.LBB2_1:
0x2f: {  	[dreg:$0xf] =	wrdreg s14  }
0x30: {  	s13 =	rddreg [dreg:$0x4]  }
0x31: {  	[tilespmem:s17], [sflag:$0x5] =	stream.linear.gather [hbm4b:s13+s2], $0x4000, $0x38;
	[tilespmem:$0x1E800] =	vst v63  }
0x32: {  	_ =	swait.ge [sflag:s18], $0x4000  }
0x33: {  	[sflag:s18] =	ssyncset.done $0x0  }
0x34: {  	s14 =	rddreg [dreg:$0x5];
	[sflag:s18] =	ssyncadd.s32 $0xFFFFC000  }
0x35: {  	[spmem:s14] =	stream.linear.scatter [tilespmem:s17], [sflag:$0x5], $0x4000, $0x38;
	[tilespmem:$0x1E800] =	vst v63  }
0x36: {  	_ =	swait.ge [sflag:s18], $0x4000  }
0x37: {  	[sflag:s18] =	ssyncset.done $0x0  }
0x38: {  	s15 =	rddreg [dreg:$0x9];
	[sflag:s18] =	ssyncadd.s32 $0xFFFFC000  }
0x39: {  	[spmem:s15] =	stream.linear.scatter [tilespmem:s17], [sflag:$0x5], $0x4000, $0x38;
	[tilespmem:$0x1E800] =	vst v63  }
0x3a: {  	_ =	swait.ge [sflag:s18], $0x4000  }
0x3b: {  	[sflag:s18] =	ssyncset.done $0x0  }
0x3c: {  	s16 =	rddreg [dreg:$0xa];
	[sflag:s18] =	ssyncadd.s32 $0xFFFFC000  }
0x3d: {  	[spmem:s16] =	stream.linear.scatter [tilespmem:s17], [sflag:$0x5], $0x4000, $0x38;
	[tilespmem:$0x1E800] =	vst v63  }
0x3e: {  	_ =	swait.ge [sflag:s18], $0x4000  }
0x3f: {  	[sflag:s18] =	ssyncset.done $0x0  }
0x40: {  	s14 =	rddreg [dreg:$0xb];
	[sflag:s18] =	ssyncadd.s32 $0xFFFFC000  }
0x41: {  	[spmem:s14] =	stream.linear.scatter [tilespmem:s17], [sflag:$0x5], $0x4000, $0x38;
	[tilespmem:$0x1E800] =	vst v63  }
0x42: {  	_ =	swait.ge [sflag:s18], $0x4000  }
0x43: {  	[sflag:s18] =	ssyncset.done $0x0  }
0x44: {  	s15 =	rddreg [dreg:$0xc];
	[sflag:s18] =	ssyncadd.s32 $0xFFFFC000  }
0x45: {  	[spmem:s15] =	stream.linear.scatter [tilespmem:s17], [sflag:$0x5], $0x4000, $0x38;
	[tilespmem:$0x1E800] =	vst v63  }
0x46: {  	_ =	swait.ge [sflag:s18], $0x4000  }
0x47: {  	[sflag:s18] =	ssyncset.done $0x0  }
0x48: {  	[sflag:s18] =	ssyncadd.s32 $0xFFFFC000  }
0x49: {  	s14 =	simm.s32 $0x1C000;
	[bflag:$0x0] =	sbarrier.arrive $0xFFFF  }
0x4a: {  	[tilespmem:s14], [sflag:$0x3] =	stream.linear.gather [hbm4b:s7+s2], $0xA00, $0x38;
	[tilespmem:$0x1E800] =	vst v63  }
0x4b: {  	s16 =	simm.s32 $0x1D400  }
0x4c: {  	[tilespmem:s16], [sflag:$0x3] =	stream.linear.gather [hbm4b:s8+s2], $0xA00, $0x38;
	[tilespmem:$0x1E800] =	vst v63  }
0x4d: {  	s15 =	rddreg [dreg:$0x6]  }
0x4e: {  	[tilespmem:s21], [sflag:$0x4] =	stream.linear.gather [hbm4b:s15+s2], $0xA00, $0x38;
	[tilespmem:$0x1E800] =	vst v63  }
0x4f: {  	s16 =	rddreg [dreg:$0x7];
	s15 =	simm.s32 $0x3  }
0x50: {  	[tilespmem:s22], [sflag:$0x4] =	stream.linear.gather [hbm4b:s16+s2], $0xA00, $0x38;
	[tilespmem:$0x1E800] =	vst v63  }
0x51: {  	_ =	swait.ge [sflag:s15], $0xA00  }
0x52: {  	[sflag:s15] =	ssyncset.done $0x0  }
0x53: {  	[sflag:s15] =	ssyncadd.s32 $0xFFFFF600  }
0x54: {  	_ =	swait.ge [sflag:s15], $0xA00  }
0x55: {  	[sflag:s15] =	ssyncset.done $0x0  }
0x56: {  	[sflag:s15] =	ssyncadd.s32 $0xFFFFF600  }
0x57: {  	[tilespmem:s17], [sflag:$0x1] =	stream.indirect.gather [hbm4b:s4+s24], $0x80, s14, s24, $0xb8;
	[tilespmem:$0x1E800] =	vst v63  }
0x58: {  	s13 =	simm.s32 $0xFFFFF880;
	s16 =	simm.s32 $0x1C080  }
0x59: {  	[tilespmem:s28], [sflag:$0x2] =	stream.indirect.gather [hbm4b:s4+s24], $0x80, s16, s24, $0xb8;
	[tilespmem:$0x1E800] =	vst v63  }
.LBB2_2:
0x5a: {  	_ =	swait.ge [sflag:s29], $0xA00  }
0x5b: {  	[sflag:s29] =	ssyncset.done $0x0  }
0x5c: {  	[sflag:s29] =	ssyncadd.s32 $0xFFFFF600  }
0x5d: {  	_ =	swait.ge [sflag:s29], $0xA00  }
0x5e: {  	[sflag:s29] =	ssyncset.done $0x0  }
0x5f: {  	[sflag:s29] =	ssyncadd.s32 $0xFFFFF600  }
0x60: {  	_ =	swait.ge [sflag:s30], $0x4000  }
0x61: {  	[sflag:s30] =	ssyncset.done $0x0  }
0x62: {  	s14 =	simm.s32 $0x1D400;
	[sflag:s30] =	ssyncadd.s32 $0xFFFFC000  }
0x63: {  	[spmem:s1] =	stream.indirect.scatter.add.f32 [tilespmem:s17], [sflag:$0x5], $0x80, s14, s24, $0xb8;
	[tilespmem:$0x1E800] =	vst v63  }
0x64: {  	_ =	swait.ge [sflag:s18], $0x4000  }
0x65: {  	[sflag:s18] =	ssyncset.done $0x0  }
0x66: {  	s16 =	simm.s32 $0x1C100;
	[sflag:s18] =	ssyncadd.s32 $0xFFFFC000  }
0x67: {  	[tilespmem:s17], [sflag:$0x1] =	stream.indirect.gather [hbm4b:s4+s24], $0x80, s16, s24, $0xb8;
	[tilespmem:$0x1E800] =	vst v63  }
0x68: {  	_ =	swait.ge [sflag:s0], $0x4000  }
0x69: {  	[sflag:s0] =	ssyncset.done $0x0  }
0x6a: {  	s15 =	simm.s32 $0x1D480;
	[sflag:s0] =	ssyncadd.s32 $0xFFFFC000  }
0x6b: {  	[spmem:s1] =	stream.indirect.scatter.add.f32 [tilespmem:s28], [sflag:$0x5], $0x80, s15, s24, $0xb8;
	[tilespmem:$0x1E800] =	vst v63  }
0x6c: {  	_ =	swait.ge [sflag:s18], $0x4000  }
0x6d: {  	[sflag:s18] =	ssyncset.done $0x0  }
0x6e: {  	s16 =	simm.s32 $0x1C180;
	[sflag:s18] =	ssyncadd.s32 $0xFFFFC000  }
0x6f: {  	[tilespmem:s28], [sflag:$0x2] =	stream.indirect.gather [hbm4b:s4+s24], $0x80, s16, s24, $0xb8;
	[tilespmem:$0x1E800] =	vst v63  }
0x70: {  	_ =	swait.ge [sflag:s30], $0x4000  }
0x71: {  	[sflag:s30] =	ssyncset.done $0x0  }
0x72: {  	s15 =	simm.s32 $0x1D500;
	[sflag:s30] =	ssyncadd.s32 $0xFFFFC000  }
0x73: {  	[spmem:s1] =	stream.indirect.scatter.add.f32 [tilespmem:s17], [sflag:$0x5], $0x80, s15, s24, $0xb8;
	[tilespmem:$0x1E800] =	vst v63  }
0x74: {  	_ =	swait.ge [sflag:s18], $0x4000  }
0x75: {  	[sflag:s18] =	ssyncset.done $0x0  }
0x76: {  	s16 =	simm.s32 $0x1C200;
	[sflag:s18] =	ssyncadd.s32 $0xFFFFC000  }
0x77: {  	[tilespmem:s17], [sflag:$0x1] =	stream.indirect.gather [hbm4b:s4+s24], $0x80, s16, s24, $0xb8;
	[tilespmem:$0x1E800] =	vst v63  }
0x78: {  	_ =	swait.ge [sflag:s0], $0x4000  }
0x79: {  	[sflag:s0] =	ssyncset.done $0x0  }
0x7a: {  	s15 =	simm.s32 $0x1D580;
	[sflag:s0] =	ssyncadd.s32 $0xFFFFC000  }
0x7b: {  	[spmem:s1] =	stream.indirect.scatter.add.f32 [tilespmem:s28], [sflag:$0x5], $0x80, s15, s24, $0xb8;
	[tilespmem:$0x1E800] =	vst v63  }
0x7c: {  	_ =	swait.ge [sflag:s18], $0x4000  }
0x7d: {  	[sflag:s18] =	ssyncset.done $0x0  }
0x7e: {  	s16 =	simm.s32 $0x1C280;
	[sflag:s18] =	ssyncadd.s32 $0xFFFFC000  }
0x7f: {  	[tilespmem:s28], [sflag:$0x2] =	stream.indirect.gather [hbm4b:s4+s24], $0x80, s16, s24, $0xb8;
	[tilespmem:$0x1E800] =	vst v63  }
0x80: {  	_ =	swait.ge [sflag:s30], $0x4000  }
0x81: {  	[sflag:s30] =	ssyncset.done $0x0  }
0x82: {  	s15 =	simm.s32 $0x1D600;
	[sflag:s30] =	ssyncadd.s32 $0xFFFFC000  }
0x83: {  	[spmem:s1] =	stream.indirect.scatter.add.f32 [tilespmem:s17], [sflag:$0x5], $0x80, s15, s24, $0xb8;
	[tilespmem:$0x1E800] =	vst v63  }
0x84: {  	_ =	swait.ge [sflag:s18], $0x4000  }
0x85: {  	[sflag:s18] =	ssyncset.done $0x0  }
0x86: {  	s16 =	simm.s32 $0x1C300;
	[sflag:s18] =	ssyncadd.s32 $0xFFFFC000  }
0x87: {  	[tilespmem:s17], [sflag:$0x1] =	stream.indirect.gather [hbm4b:s4+s24], $0x80, s16, s24, $0xb8;
	[tilespmem:$0x1E800] =	vst v63  }
0x88: {  	_ =	swait.ge [sflag:s0], $0x4000  }
0x89: {  	[sflag:s0] =	ssyncset.done $0x0  }
0x8a: {  	s15 =	simm.s32 $0x1D680;
	[sflag:s0] =	ssyncadd.s32 $0xFFFFC000  }
0x8b: {  	[spmem:s1] =	stream.indirect.scatter.add.f32 [tilespmem:s28], [sflag:$0x5], $0x80, s15, s24, $0xb8;
	[tilespmem:$0x1E800] =	vst v63  }
0x8c: {  	_ =	swait.ge [sflag:s18], $0x4000  }
0x8d: {  	[sflag:s18] =	ssyncset.done $0x0  }
0x8e: {  	s16 =	simm.s32 $0x1C380;
	[sflag:s18] =	ssyncadd.s32 $0xFFFFC000  }
0x8f: {  	[tilespmem:s28], [sflag:$0x2] =	stream.indirect.gather [hbm4b:s4+s24], $0x80, s16, s24, $0xb8;
	[tilespmem:$0x1E800] =	vst v63  }
0x90: {  	_ =	swait.ge [sflag:s30], $0x4000  }
0x91: {  	[sflag:s30] =	ssyncset.done $0x0  }
0x92: {  	s15 =	simm.s32 $0x1D700;
	[sflag:s30] =	ssyncadd.s32 $0xFFFFC000  }
0x93: {  	[spmem:s1] =	stream.indirect.scatter.add.f32 [tilespmem:s17], [sflag:$0x5], $0x80, s15, s24, $0xb8;
	[tilespmem:$0x1E800] =	vst v63  }
0x94: {  	_ =	swait.ge [sflag:s18], $0x4000  }
0x95: {  	[sflag:s18] =	ssyncset.done $0x0  }
0x96: {  	s16 =	simm.s32 $0x1C400;
	[sflag:s18] =	ssyncadd.s32 $0xFFFFC000  }
0x97: {  	[tilespmem:s17], [sflag:$0x1] =	stream.indirect.gather [hbm4b:s4+s24], $0x80, s16, s24, $0xb8;
	[tilespmem:$0x1E800] =	vst v63  }
0x98: {  	_ =	swait.ge [sflag:s0], $0x4000  }
0x99: {  	[sflag:s0] =	ssyncset.done $0x0  }
0x9a: {  	s15 =	simm.s32 $0x1D780;
	[sflag:s0] =	ssyncadd.s32 $0xFFFFC000  }
0x9b: {  	[spmem:s1] =	stream.indirect.scatter.add.f32 [tilespmem:s28], [sflag:$0x5], $0x80, s15, s24, $0xb8;
	[tilespmem:$0x1E800] =	vst v63  }
0x9c: {  	_ =	swait.ge [sflag:s18], $0x4000  }
0x9d: {  	[sflag:s18] =	ssyncset.done $0x0  }
0x9e: {  	s16 =	simm.s32 $0x1C480;
	[sflag:s18] =	ssyncadd.s32 $0xFFFFC000  }
0x9f: {  	[tilespmem:s28], [sflag:$0x2] =	stream.indirect.gather [hbm4b:s4+s24], $0x80, s16, s24, $0xb8;
	[tilespmem:$0x1E800] =	vst v63  }
0xa0: {  	_ =	swait.ge [sflag:s30], $0x4000  }
0xa1: {  	[sflag:s30] =	ssyncset.done $0x0  }
0xa2: {  	s15 =	simm.s32 $0x1D800;
	[sflag:s30] =	ssyncadd.s32 $0xFFFFC000  }
0xa3: {  	[spmem:s1] =	stream.indirect.scatter.add.f32 [tilespmem:s17], [sflag:$0x5], $0x80, s15, s24, $0xb8;
	[tilespmem:$0x1E800] =	vst v63  }
0xa4: {  	_ =	swait.ge [sflag:s18], $0x4000  }
0xa5: {  	[sflag:s18] =	ssyncset.done $0x0  }
0xa6: {  	s16 =	simm.s32 $0x1C500;
	[sflag:s18] =	ssyncadd.s32 $0xFFFFC000  }
0xa7: {  	[tilespmem:s17], [sflag:$0x1] =	stream.indirect.gather [hbm4b:s4+s24], $0x80, s16, s24, $0xb8;
	[tilespmem:$0x1E800] =	vst v63  }
0xa8: {  	_ =	swait.ge [sflag:s0], $0x4000  }
0xa9: {  	[sflag:s0] =	ssyncset.done $0x0  }
0xaa: {  	s15 =	simm.s32 $0x1D880;
	[sflag:s0] =	ssyncadd.s32 $0xFFFFC000  }
0xab: {  	[spmem:s1] =	stream.indirect.scatter.add.f32 [tilespmem:s28], [sflag:$0x5], $0x80, s15, s24, $0xb8;
	[tilespmem:$0x1E800] =	vst v63  }
0xac: {  	_ =	swait.ge [sflag:s18], $0x4000  }
0xad: {  	[sflag:s18] =	ssyncset.done $0x0  }
0xae: {  	s16 =	simm.s32 $0x1C580;
	[sflag:s18] =	ssyncadd.s32 $0xFFFFC000  }
0xaf: {  	[tilespmem:s28], [sflag:$0x2] =	stream.indirect.gather [hbm4b:s4+s24], $0x80, s16, s24, $0xb8;
	[tilespmem:$0x1E800] =	vst v63  }
0xb0: {  	_ =	swait.ge [sflag:s30], $0x4000  }
0xb1: {  	[sflag:s30] =	ssyncset.done $0x0  }
0xb2: {  	s15 =	simm.s32 $0x1D900;
	[sflag:s30] =	ssyncadd.s32 $0xFFFFC000  }
0xb3: {  	[spmem:s1] =	stream.indirect.scatter.add.f32 [tilespmem:s17], [sflag:$0x5], $0x80, s15, s24, $0xb8;
	[tilespmem:$0x1E800] =	vst v63  }
0xb4: {  	_ =	swait.ge [sflag:s18], $0x4000  }
0xb5: {  	[sflag:s18] =	ssyncset.done $0x0  }
0xb6: {  	s16 =	simm.s32 $0x1C600;
	[sflag:s18] =	ssyncadd.s32 $0xFFFFC000  }
0xb7: {  	[tilespmem:s17], [sflag:$0x1] =	stream.indirect.gather [hbm4b:s4+s24], $0x80, s16, s24, $0xb8;
	[tilespmem:$0x1E800] =	vst v63  }
0xb8: {  	_ =	swait.ge [sflag:s0], $0x4000  }
0xb9: {  	[sflag:s0] =	ssyncset.done $0x0  }
0xba: {  	s15 =	simm.s32 $0x1D980;
	[sflag:s0] =	ssyncadd.s32 $0xFFFFC000  }
0xbb: {  	[spmem:s1] =	stream.indirect.scatter.add.f32 [tilespmem:s28], [sflag:$0x5], $0x80, s15, s24, $0xb8;
	[tilespmem:$0x1E800] =	vst v63  }
0xbc: {  	_ =	swait.ge [sflag:s18], $0x4000  }
0xbd: {  	[sflag:s18] =	ssyncset.done $0x0  }
0xbe: {  	s16 =	simm.s32 $0x1C680;
	[sflag:s18] =	ssyncadd.s32 $0xFFFFC000  }
0xbf: {  	[tilespmem:s28], [sflag:$0x2] =	stream.indirect.gather [hbm4b:s4+s24], $0x80, s16, s24, $0xb8;
	[tilespmem:$0x1E800] =	vst v63  }
0xc0: {  	_ =	swait.ge [sflag:s30], $0x4000  }
0xc1: {  	[sflag:s30] =	ssyncset.done $0x0  }
0xc2: {  	s15 =	simm.s32 $0x1DA00;
	[sflag:s30] =	ssyncadd.s32 $0xFFFFC000  }
0xc3: {  	[spmem:s1] =	stream.indirect.scatter.add.f32 [tilespmem:s17], [sflag:$0x5], $0x80, s15, s24, $0xb8;
	[tilespmem:$0x1E800] =	vst v63  }
0xc4: {  	_ =	swait.ge [sflag:s18], $0x4000  }
0xc5: {  	[sflag:s18] =	ssyncset.done $0x0  }
0xc6: {  	s16 =	simm.s32 $0x1C700;
	[sflag:s18] =	ssyncadd.s32 $0xFFFFC000  }
0xc7: {  	[tilespmem:s17], [sflag:$0x1] =	stream.indirect.gather [hbm4b:s4+s24], $0x80, s16, s24, $0xb8;
	[tilespmem:$0x1E800] =	vst v63  }
0xc8: {  	_ =	swait.ge [sflag:s0], $0x4000  }
0xc9: {  	[sflag:s0] =	ssyncset.done $0x0  }
0xca: {  	s15 =	simm.s32 $0x1DA80;
	[sflag:s0] =	ssyncadd.s32 $0xFFFFC000  }
0xcb: {  	[spmem:s1] =	stream.indirect.scatter.add.f32 [tilespmem:s28], [sflag:$0x5], $0x80, s15, s24, $0xb8;
	[tilespmem:$0x1E800] =	vst v63  }
0xcc: {  	_ =	swait.ge [sflag:s18], $0x4000  }
0xcd: {  	[sflag:s18] =	ssyncset.done $0x0  }
0xce: {  	s16 =	simm.s32 $0x1C780;
	[sflag:s18] =	ssyncadd.s32 $0xFFFFC000  }
0xcf: {  	[tilespmem:s28], [sflag:$0x2] =	stream.indirect.gather [hbm4b:s4+s24], $0x80, s16, s24, $0xb8;
	[tilespmem:$0x1E800] =	vst v63  }
0xd0: {  	_ =	swait.ge [sflag:s30], $0x4000  }
0xd1: {  	[sflag:s30] =	ssyncset.done $0x0  }
0xd2: {  	s15 =	simm.s32 $0x1DB00;
	[sflag:s30] =	ssyncadd.s32 $0xFFFFC000  }
0xd3: {  	[spmem:s1] =	stream.indirect.scatter.add.f32 [tilespmem:s17], [sflag:$0x5], $0x80, s15, s24, $0xb8;
	[tilespmem:$0x1E800] =	vst v63  }
0xd4: {  	_ =	swait.ge [sflag:s18], $0x4000  }
0xd5: {  	[sflag:s18] =	ssyncset.done $0x0  }
0xd6: {  	s16 =	simm.s32 $0x1C800;
	[sflag:s18] =	ssyncadd.s32 $0xFFFFC000  }
0xd7: {  	[tilespmem:s17], [sflag:$0x1] =	stream.indirect.gather [hbm4b:s4+s24], $0x80, s16, s24, $0xb8;
	[tilespmem:$0x1E800] =	vst v63  }
0xd8: {  	_ =	swait.ge [sflag:s0], $0x4000  }
0xd9: {  	[sflag:s0] =	ssyncset.done $0x0  }
0xda: {  	s15 =	simm.s32 $0x1DB80;
	[sflag:s0] =	ssyncadd.s32 $0xFFFFC000  }
0xdb: {  	[spmem:s1] =	stream.indirect.scatter.add.f32 [tilespmem:s28], [sflag:$0x5], $0x80, s15, s24, $0xb8;
	[tilespmem:$0x1E800] =	vst v63  }
0xdc: {  	_ =	swait.ge [sflag:s18], $0x4000  }
0xdd: {  	[sflag:s18] =	ssyncset.done $0x0  }
0xde: {  	s16 =	simm.s32 $0x1C880;
	[sflag:s18] =	ssyncadd.s32 $0xFFFFC000  }
0xdf: {  	[tilespmem:s28], [sflag:$0x2] =	stream.indirect.gather [hbm4b:s4+s24], $0x80, s16, s24, $0xb8;
	[tilespmem:$0x1E800] =	vst v63  }
0xe0: {  	_ =	swait.ge [sflag:s30], $0x4000  }
0xe1: {  	[sflag:s30] =	ssyncset.done $0x0  }
0xe2: {  	s15 =	simm.s32 $0x1DC00;
	[sflag:s30] =	ssyncadd.s32 $0xFFFFC000  }
0xe3: {  	[spmem:s1] =	stream.indirect.scatter.add.f32 [tilespmem:s17], [sflag:$0x5], $0x80, s15, s24, $0xb8;
	[tilespmem:$0x1E800] =	vst v63  }
0xe4: {  	_ =	swait.ge [sflag:s18], $0x4000  }
0xe5: {  	[sflag:s18] =	ssyncset.done $0x0  }
0xe6: {  	s16 =	simm.s32 $0x1C900;
	[sflag:s18] =	ssyncadd.s32 $0xFFFFC000  }
0xe7: {  	[tilespmem:s17], [sflag:$0x1] =	stream.indirect.gather [hbm4b:s4+s24], $0x80, s16, s24, $0xb8;
	[tilespmem:$0x1E800] =	vst v63  }
0xe8: {  	_ =	swait.ge [sflag:s0], $0x4000  }
0xe9: {  	[sflag:s0] =	ssyncset.done $0x0  }
0xea: {  	s15 =	simm.s32 $0x1DC80;
	[sflag:s0] =	ssyncadd.s32 $0xFFFFC000  }
0xeb: {  	[spmem:s1] =	stream.indirect.scatter.add.f32 [tilespmem:s28], [sflag:$0x5], $0x80, s15, s24, $0xb8;
	[tilespmem:$0x1E800] =	vst v63  }
0xec: {  	_ =	swait.ge [sflag:s18], $0x4000  }
0xed: {  	[sflag:s18] =	ssyncset.done $0x0  }
0xee: {  	s16 =	simm.s32 $0x1C980;
	[sflag:s18] =	ssyncadd.s32 $0xFFFFC000  }
0xef: {  	[tilespmem:s28], [sflag:$0x2] =	stream.indirect.gather [hbm4b:s4+s24], $0x80, s16, s24, $0xb8;
	[tilespmem:$0x1E800] =	vst v63  }
0xf0: {  	_ =	swait.ge [sflag:s30], $0x4000  }
0xf1: {  	[sflag:s30] =	ssyncset.done $0x0  }
0xf2: {  	s15 =	simm.s32 $0x1DD00;
	[sflag:s30] =	ssyncadd.s32 $0xFFFFC000  }
0xf3: {  	[spmem:s1] =	stream.indirect.scatter.add.f32 [tilespmem:s17], [sflag:$0x5], $0x80, s15, s24, $0xb8;
	[tilespmem:$0x1E800] =	vst v63  }
0xf4: {  	_ =	swait.ge [sflag:s18], $0x4000  }
0xf5: {  	[sflag:s18] =	ssyncset.done $0x0  }
0xf6: {  	[sflag:s18] =	ssyncadd.s32 $0xFFFFC000  }
0xf7: {  	[tilespmem:s17], [sflag:$0x1] =	stream.indirect.gather [hbm4b:s4+s24], $0x80, s21, s24, $0xb8;
	[tilespmem:$0x1E800] =	vst v63  }
0xf8: {  	_ =	swait.ge [sflag:s0], $0x4000  }
0xf9: {  	[sflag:s0] =	ssyncset.done $0x0  }
0xfa: {  	s16 =	simm.s32 $0x1DD80;
	[sflag:s0] =	ssyncadd.s32 $0xFFFFC000  }
0xfb: {  	[spmem:s1] =	stream.indirect.scatter.add.f32 [tilespmem:s28], [sflag:$0x5], $0x80, s16, s24, $0xb8;
	[tilespmem:$0x1E800] =	vst v63  }
0xfc: {  	_ =	swait.ge [sflag:s18], $0x4000  }
0xfd: {  	p0 =	seq.s32 s13, $0x0;
	[sflag:s18] =	ssyncset.done $0x0  }
0xfe: {  	s14 =	sadd.s32 @!p0 s13, s7;
	s15 =	simm.s32 $0x1CA80;
	[sflag:s18] =	ssyncadd.s32 $0xFFFFC000  }
0xff: {  	[tilespmem:s28], [sflag:$0x2] =	stream.indirect.gather [hbm4b:s4+s24], $0x80, s15, s24, $0xb8;
	[tilespmem:$0x1E800] =	vst v63  }
0x100: {  	s14 =	sadd.s32 @!p0 $0xA00, s14;
	s16 =	simm.s32 @!p0 $0x1C000;
	s15 =	simm.s32 @!p0 $0x0  }
0x101: {  	[tilespmem:s16], [sflag:$0x3] =	stream.linear.gather @!p0 [hbm4b:s14+s15], $0xA00, $0x38;
	[tilespmem:$0x1E800] =	vst v63  }
0x102: {  	s14 =	sadd.s32 @!p0 s13, s8  }
0x103: {  	s16 =	simm.s32 @!p0 $0x1D400;
	s14 =	sadd.s32 @!p0 $0xA00, s14  }
0x104: {  	[tilespmem:s16], [sflag:$0x3] =	stream.linear.gather @!p0 [hbm4b:s14+s15], $0xA00, $0x38;
	[tilespmem:$0x1E800] =	vst v63  }
0x105: {  	s14 =	simm.s32 @!p0 $0x3  }
0x106: {  	_ =	swait.ge @!p0 [sflag:s14], $0xA00  }
0x107: {  	[sflag:s14] =	ssyncset.done @!p0 $0x0  }
0x108: {  	[sflag:s14] =	ssyncadd.s32 @!p0 $0xFFFFF600  }
0x109: {  	_ =	swait.ge @!p0 [sflag:s14], $0xA00  }
0x10a: {  	[sflag:s14] =	ssyncset.done @!p0 $0x0  }
0x10b: {  	[sflag:s14] =	ssyncadd.s32 @!p0 $0xFFFFF600  }
0x10c: {  	_ =	swait.ge [sflag:s30], $0x4000  }
0x10d: {  	[sflag:s30] =	ssyncset.done $0x0  }
0x10e: {  	[sflag:s30] =	ssyncadd.s32 $0xFFFFC000  }
0x10f: {  	[spmem:s1] =	stream.indirect.scatter.add.f32 [tilespmem:s17], [sflag:$0x5], $0x80, s22, s24, $0xb8;
	[tilespmem:$0x1E800] =	vst v63  }
0x110: {  	_ =	swait.ge [sflag:s18], $0x4000  }
0x111: {  	[sflag:s18] =	ssyncset.done $0x0  }
0x112: {  	s16 =	simm.s32 $0x1CB00;
	[sflag:s18] =	ssyncadd.s32 $0xFFFFC000  }
0x113: {  	[tilespmem:s17], [sflag:$0x1] =	stream.indirect.gather [hbm4b:s4+s24], $0x80, s16, s24, $0xb8;
	[tilespmem:$0x1E800] =	vst v63  }
0x114: {  	_ =	swait.ge [sflag:s0], $0x4000  }
0x115: {  	[sflag:s0] =	ssyncset.done $0x0  }
0x116: {  	s15 =	simm.s32 $0x1DE80;
	[sflag:s0] =	ssyncadd.s32 $0xFFFFC000  }
0x117: {  	[spmem:s1] =	stream.indirect.scatter.add.f32 [tilespmem:s28], [sflag:$0x5], $0x80, s15, s24, $0xb8;
	[tilespmem:$0x1E800] =	vst v63  }
0x118: {  	_ =	swait.ge [sflag:s18], $0x4000  }
0x119: {  	[sflag:s18] =	ssyncset.done $0x0  }
0x11a: {  	s16 =	simm.s32 $0x1CB80;
	[sflag:s18] =	ssyncadd.s32 $0xFFFFC000  }
0x11b: {  	[tilespmem:s28], [sflag:$0x2] =	stream.indirect.gather [hbm4b:s4+s24], $0x80, s16, s24, $0xb8;
	[tilespmem:$0x1E800] =	vst v63  }
0x11c: {  	_ =	swait.ge [sflag:s30], $0x4000  }
0x11d: {  	[sflag:s30] =	ssyncset.done $0x0  }
0x11e: {  	s15 =	simm.s32 $0x1DF00;
	[sflag:s30] =	ssyncadd.s32 $0xFFFFC000  }
0x11f: {  	[spmem:s1] =	stream.indirect.scatter.add.f32 [tilespmem:s17], [sflag:$0x5], $0x80, s15, s24, $0xb8;
	[tilespmem:$0x1E800] =	vst v63  }
0x120: {  	_ =	swait.ge [sflag:s18], $0x4000  }
0x121: {  	[sflag:s18] =	ssyncset.done $0x0  }
0x122: {  	s16 =	simm.s32 $0x1CC00;
	[sflag:s18] =	ssyncadd.s32 $0xFFFFC000  }
0x123: {  	[tilespmem:s17], [sflag:$0x1] =	stream.indirect.gather [hbm4b:s4+s24], $0x80, s16, s24, $0xb8;
	[tilespmem:$0x1E800] =	vst v63  }
0x124: {  	_ =	swait.ge [sflag:s0], $0x4000  }
0x125: {  	[sflag:s0] =	ssyncset.done $0x0  }
0x126: {  	s15 =	simm.s32 $0x1DF80;
	[sflag:s0] =	ssyncadd.s32 $0xFFFFC000  }
0x127: {  	[spmem:s1] =	stream.indirect.scatter.add.f32 [tilespmem:s28], [sflag:$0x5], $0x80, s15, s24, $0xb8;
	[tilespmem:$0x1E800] =	vst v63  }
0x128: {  	_ =	swait.ge [sflag:s18], $0x4000  }
0x129: {  	[sflag:s18] =	ssyncset.done $0x0  }
0x12a: {  	s16 =	simm.s32 $0x1CC80;
	[sflag:s18] =	ssyncadd.s32 $0xFFFFC000  }
0x12b: {  	[tilespmem:s28], [sflag:$0x2] =	stream.indirect.gather [hbm4b:s4+s24], $0x80, s16, s24, $0xb8;
	[tilespmem:$0x1E800] =	vst v63  }
0x12c: {  	_ =	swait.ge [sflag:s30], $0x4000  }
0x12d: {  	[sflag:s30] =	ssyncset.done $0x0  }
0x12e: {  	s15 =	simm.s32 $0x1E000;
	[sflag:s30] =	ssyncadd.s32 $0xFFFFC000  }
0x12f: {  	[spmem:s1] =	stream.indirect.scatter.add.f32 [tilespmem:s17], [sflag:$0x5], $0x80, s15, s24, $0xb8;
	[tilespmem:$0x1E800] =	vst v63  }
0x130: {  	_ =	swait.ge [sflag:s18], $0x4000  }
0x131: {  	[sflag:s18] =	ssyncset.done $0x0  }
0x132: {  	s16 =	simm.s32 $0x1CD00;
	[sflag:s18] =	ssyncadd.s32 $0xFFFFC000  }
0x133: {  	[tilespmem:s17], [sflag:$0x1] =	stream.indirect.gather [hbm4b:s4+s24], $0x80, s16, s24, $0xb8;
	[tilespmem:$0x1E800] =	vst v63  }
0x134: {  	_ =	swait.ge [sflag:s0], $0x4000  }
0x135: {  	[sflag:s0] =	ssyncset.done $0x0  }
0x136: {  	s15 =	simm.s32 $0x1E080;
	[sflag:s0] =	ssyncadd.s32 $0xFFFFC000  }
0x137: {  	[spmem:s1] =	stream.indirect.scatter.add.f32 [tilespmem:s28], [sflag:$0x5], $0x80, s15, s24, $0xb8;
	[tilespmem:$0x1E800] =	vst v63  }
0x138: {  	_ =	swait.ge [sflag:s18], $0x4000  }
0x139: {  	[sflag:s18] =	ssyncset.done $0x0  }
0x13a: {  	s16 =	simm.s32 $0x1CD80;
	[sflag:s18] =	ssyncadd.s32 $0xFFFFC000  }
0x13b: {  	[tilespmem:s28], [sflag:$0x2] =	stream.indirect.gather [hbm4b:s4+s24], $0x80, s16, s24, $0xb8;
	[tilespmem:$0x1E800] =	vst v63  }
0x13c: {  	_ =	swait.ge [sflag:s30], $0x4000  }
0x13d: {  	[sflag:s30] =	ssyncset.done $0x0  }
0x13e: {  	s15 =	simm.s32 $0x1E100;
	[sflag:s30] =	ssyncadd.s32 $0xFFFFC000  }
0x13f: {  	[spmem:s1] =	stream.indirect.scatter.add.f32 [tilespmem:s17], [sflag:$0x5], $0x80, s15, s24, $0xb8;
	[tilespmem:$0x1E800] =	vst v63  }
0x140: {  	_ =	swait.ge [sflag:s18], $0x4000  }
0x141: {  	[sflag:s18] =	ssyncset.done $0x0  }
0x142: {  	s16 =	simm.s32 $0x1CE00;
	[sflag:s18] =	ssyncadd.s32 $0xFFFFC000  }
0x143: {  	[tilespmem:s17], [sflag:$0x1] =	stream.indirect.gather [hbm4b:s4+s24], $0x80, s16, s24, $0xb8;
	[tilespmem:$0x1E800] =	vst v63  }
0x144: {  	_ =	swait.ge [sflag:s0], $0x4000  }
0x145: {  	[sflag:s0] =	ssyncset.done $0x0  }
0x146: {  	s15 =	simm.s32 $0x1E180;
	[sflag:s0] =	ssyncadd.s32 $0xFFFFC000  }
0x147: {  	[spmem:s1] =	stream.indirect.scatter.add.f32 [tilespmem:s28], [sflag:$0x5], $0x80, s15, s24, $0xb8;
	[tilespmem:$0x1E800] =	vst v63  }
0x148: {  	_ =	swait.ge [sflag:s18], $0x4000  }
0x149: {  	[sflag:s18] =	ssyncset.done $0x0  }
0x14a: {  	s16 =	simm.s32 $0x1CE80;
	[sflag:s18] =	ssyncadd.s32 $0xFFFFC000  }
0x14b: {  	[tilespmem:s28], [sflag:$0x2] =	stream.indirect.gather [hbm4b:s4+s24], $0x80, s16, s24, $0xb8;
	[tilespmem:$0x1E800] =	vst v63  }
0x14c: {  	_ =	swait.ge [sflag:s30], $0x4000  }
0x14d: {  	[sflag:s30] =	ssyncset.done $0x0  }
0x14e: {  	s15 =	simm.s32 $0x1E200;
	[sflag:s30] =	ssyncadd.s32 $0xFFFFC000  }
0x14f: {  	[spmem:s1] =	stream.indirect.scatter.add.f32 [tilespmem:s17], [sflag:$0x5], $0x80, s15, s24, $0xb8;
	[tilespmem:$0x1E800] =	vst v63  }
0x150: {  	_ =	swait.ge [sflag:s18], $0x4000  }
0x151: {  	[sflag:s18] =	ssyncset.done $0x0  }
0x152: {  	s16 =	simm.s32 $0x1CF00;
	[sflag:s18] =	ssyncadd.s32 $0xFFFFC000  }
0x153: {  	[tilespmem:s17], [sflag:$0x1] =	stream.indirect.gather [hbm4b:s4+s24], $0x80, s16, s24, $0xb8;
	[tilespmem:$0x1E800] =	vst v63  }
0x154: {  	_ =	swait.ge [sflag:s0], $0x4000  }
0x155: {  	[sflag:s0] =	ssyncset.done $0x0  }
0x156: {  	s15 =	simm.s32 $0x1E280;
	[sflag:s0] =	ssyncadd.s32 $0xFFFFC000  }
0x157: {  	[spmem:s1] =	stream.indirect.scatter.add.f32 [tilespmem:s28], [sflag:$0x5], $0x80, s15, s24, $0xb8;
	[tilespmem:$0x1E800] =	vst v63  }
0x158: {  	_ =	swait.ge [sflag:s18], $0x4000  }
0x159: {  	[sflag:s18] =	ssyncset.done $0x0  }
0x15a: {  	s16 =	simm.s32 $0x1CF80;
	[sflag:s18] =	ssyncadd.s32 $0xFFFFC000  }
0x15b: {  	[tilespmem:s28], [sflag:$0x2] =	stream.indirect.gather [hbm4b:s4+s24], $0x80, s16, s24, $0xb8;
	[tilespmem:$0x1E800] =	vst v63  }
0x15c: {  	_ =	swait.ge [sflag:s30], $0x4000  }
0x15d: {  	[sflag:s30] =	ssyncset.done $0x0  }
0x15e: {  	s15 =	simm.s32 $0x1E300;
	[sflag:s30] =	ssyncadd.s32 $0xFFFFC000  }
0x15f: {  	[spmem:s1] =	stream.indirect.scatter.add.f32 [tilespmem:s17], [sflag:$0x5], $0x80, s15, s24, $0xb8;
	[tilespmem:$0x1E800] =	vst v63  }
0x160: {  	_ =	swait.ge [sflag:s18], $0x4000  }
0x161: {  	[sflag:s18] =	ssyncset.done $0x0  }
0x162: {  	s16 =	simm.s32 $0x1D000;
	[sflag:s18] =	ssyncadd.s32 $0xFFFFC000  }
0x163: {  	[tilespmem:s17], [sflag:$0x1] =	stream.indirect.gather [hbm4b:s4+s24], $0x80, s16, s24, $0xb8;
	[tilespmem:$0x1E800] =	vst v63  }
0x164: {  	_ =	swait.ge [sflag:s0], $0x4000  }
0x165: {  	[sflag:s0] =	ssyncset.done $0x0  }
0x166: {  	s15 =	simm.s32 $0x1E380;
	[sflag:s0] =	ssyncadd.s32 $0xFFFFC000  }
0x167: {  	[spmem:s1] =	stream.indirect.scatter.add.f32 [tilespmem:s28], [sflag:$0x5], $0x80, s15, s24, $0xb8;
	[tilespmem:$0x1E800] =	vst v63  }
0x168: {  	_ =	swait.ge [sflag:s18], $0x4000  }
0x169: {  	[sflag:s18] =	ssyncset.done $0x0  }
0x16a: {  	s16 =	simm.s32 $0x1D080;
	[sflag:s18] =	ssyncadd.s32 $0xFFFFC000  }
0x16b: {  	[tilespmem:s28], [sflag:$0x2] =	stream.indirect.gather [hbm4b:s4+s24], $0x80, s16, s24, $0xb8;
	[tilespmem:$0x1E800] =	vst v63  }
0x16c: {  	_ =	swait.ge [sflag:s30], $0x4000  }
0x16d: {  	[sflag:s30] =	ssyncset.done $0x0  }
0x16e: {  	s15 =	simm.s32 $0x1E400;
	[sflag:s30] =	ssyncadd.s32 $0xFFFFC000  }
0x16f: {  	[spmem:s1] =	stream.indirect.scatter.add.f32 [tilespmem:s17], [sflag:$0x5], $0x80, s15, s24, $0xb8;
	[tilespmem:$0x1E800] =	vst v63  }
0x170: {  	_ =	swait.ge [sflag:s18], $0x4000  }
0x171: {  	[sflag:s18] =	ssyncset.done $0x0  }
0x172: {  	s16 =	simm.s32 $0x1D100;
	[sflag:s18] =	ssyncadd.s32 $0xFFFFC000  }
0x173: {  	[tilespmem:s17], [sflag:$0x1] =	stream.indirect.gather [hbm4b:s4+s24], $0x80, s16, s24, $0xb8;
	[tilespmem:$0x1E800] =	vst v63  }
0x174: {  	_ =	swait.ge [sflag:s0], $0x4000  }
0x175: {  	[sflag:s0] =	ssyncset.done $0x0  }
0x176: {  	[sflag:s0] =	ssyncadd.s32 $0xFFFFC000  }
0x177: {  	[spmem:s1] =	stream.indirect.scatter.add.f32 [tilespmem:s28], [sflag:$0x5], $0x80, s6, s24, $0xb8;
	[tilespmem:$0x1E800] =	vst v63  }
0x178: {  	_ =	swait.ge [sflag:s18], $0x4000  }
0x179: {  	[sflag:s18] =	ssyncset.done $0x0  }
0x17a: {  	[sflag:s18] =	ssyncadd.s32 $0xFFFFC000  }
0x17b: {  	[tilespmem:s28], [sflag:$0x2] =	stream.indirect.gather [hbm4b:s4+s24], $0x80, s23, s24, $0xb8;
	[tilespmem:$0x1E800] =	vst v63  }
0x17c: {  	_ =	swait.ge [sflag:s30], $0x4000  }
0x17d: {  	[sflag:s30] =	ssyncset.done $0x0  }
0x17e: {  	[sflag:s30] =	ssyncadd.s32 $0xFFFFC000  }
0x17f: {  	[spmem:s1] =	stream.indirect.scatter.add.f32 [tilespmem:s17], [sflag:$0x5], $0x80, s26, s24, $0xb8;
	[tilespmem:$0x1E800] =	vst v63  }
0x180: {  	_ =	swait.ge [sflag:s18], $0x4000  }
0x181: {  	[sflag:s18] =	ssyncset.done $0x0  }
0x182: {  	[sflag:s18] =	ssyncadd.s32 $0xFFFFC000  }
0x183: {  	[tilespmem:s17], [sflag:$0x1] =	stream.indirect.gather [hbm4b:s4+s24], $0x80, s31, s24, $0xb8;
	[tilespmem:$0x1E800] =	vst v63  }
0x184: {  	_ =	swait.ge [sflag:s0], $0x4000  }
0x185: {  	[sflag:s0] =	ssyncset.done $0x0  }
0x186: {  	[sflag:s0] =	ssyncadd.s32 $0xFFFFC000  }
0x187: {  	[spmem:s1] =	stream.indirect.scatter.add.f32 [tilespmem:s28], [sflag:$0x5], $0x80, s3, s24, $0xb8;
	[tilespmem:$0x1E800] =	vst v63  }
0x188: {  	_ =	swait.ge [sflag:s18], $0x4000  }
0x189: {  	[sflag:s18] =	ssyncset.done $0x0  }
0x18a: {  	[sflag:s18] =	ssyncadd.s32 $0xFFFFC000  }
0x18b: {  	[tilespmem:s28], [sflag:$0x2] =	stream.indirect.gather [hbm4b:s4+s24], $0x80, s5, s24, $0xb8;
	[tilespmem:$0x1E800] =	vst v63  }
0x18c: {  	_ =	swait.ge [sflag:s30], $0x4000  }
0x18d: {  	[sflag:s30] =	ssyncset.done $0x0  }
0x18e: {  	[sflag:s30] =	ssyncadd.s32 $0xFFFFC000  }
0x18f: {  	[spmem:s1] =	stream.indirect.scatter.add.f32 [tilespmem:s17], [sflag:$0x5], $0x80, s9, s24, $0xb8;
	[tilespmem:$0x1E800] =	vst v63  }
0x190: {  	_ =	swait.ge [sflag:s18], $0x4000  }
0x191: {  	[sflag:s18] =	ssyncset.done $0x0  }
0x192: {  	[sflag:s18] =	ssyncadd.s32 $0xFFFFC000  }
0x193: {  	[tilespmem:s17], [sflag:$0x1] =	stream.indirect.gather [hbm4b:s4+s24], $0x80, s19, s24, $0xb8;
	[tilespmem:$0x1E800] =	vst v63  }
0x194: {  	_ =	swait.ge [sflag:s0], $0x4000  }
0x195: {  	[sflag:s0] =	ssyncset.done $0x0  }
0x196: {  	[sflag:s0] =	ssyncadd.s32 $0xFFFFC000  }
0x197: {  	[spmem:s1] =	stream.indirect.scatter.add.f32 [tilespmem:s28], [sflag:$0x5], $0x80, s10, s24, $0xb8;
	[tilespmem:$0x1E800] =	vst v63  }
0x198: {  	_ =	swait.ge [sflag:s18], $0x4000  }
0x199: {  	[sflag:s18] =	ssyncset.done $0x0  }
0x19a: {  	[sflag:s18] =	ssyncadd.s32 $0xFFFFC000  }
0x19b: {  	[tilespmem:s28], [sflag:$0x2] =	stream.indirect.gather [hbm4b:s4+s24], $0x80, s20, s24, $0xb8;
	[tilespmem:$0x1E800] =	vst v63  }
0x19c: {  	_ =	swait.ge [sflag:s30], $0x4000  }
0x19d: {  	[sflag:s30] =	ssyncset.done $0x0  }
.Ltmp2:
0x19e: {  	[sflag:s30] =	ssyncadd.s32 $0xFFFFC000;
	(pc) =	sbr.rel @p0 .LBB2_4-.Ltmp2, $4  }
0x19f: {  	[spmem:s1] =	stream.indirect.scatter.add.f32 [tilespmem:s17], [sflag:$0x5], $0x80, s11, s24, $0xb8;
	[tilespmem:$0x1E800] =	vst v63  }
0x1a0: {  	_ =	swait.ge [sflag:s18], $0x4000  }
0x1a1: {  	[sflag:s18] =	ssyncset.done $0x0  }
0x1a2: {  	[sflag:s18] =	ssyncadd.s32 $0xFFFFC000  }
0x1a3: {  	[tilespmem:s17], [sflag:$0x1] =	stream.indirect.gather [hbm4b:s4+s24], $0x80, s25, s24, $0xb8;
	[tilespmem:$0x1E800] =	vst v63  }
0x1a4: {  	_ =	swait.ge [sflag:s0], $0x4000  }
0x1a5: {  	[sflag:s0] =	ssyncset.done $0x0  }
0x1a6: {  	[sflag:s0] =	ssyncadd.s32 $0xFFFFC000  }
0x1a7: {  	[spmem:s1] =	stream.indirect.scatter.add.f32 [tilespmem:s28], [sflag:$0x5], $0x80, s12, s24, $0xb8;
	[tilespmem:$0x1E800] =	vst v63  }
0x1a8: {  	_ =	swait.ge [sflag:s18], $0x4000  }
0x1a9: {  	[sflag:s18] =	ssyncset.done $0x0  }
0x1aa: {  	s14 =	simm.s32 $0x1C080;
	[sflag:s18] =	ssyncadd.s32 $0xFFFFC000  }
0x1ab: {  	[tilespmem:s28], [sflag:$0x2] =	stream.indirect.gather [hbm4b:s4+s24], $0x80, s14, s24, $0xb8;
	[tilespmem:$0x1E800] =	vst v63  }
.Ltmp3:
0x1ac: {  	s15 =	sadd.s32 s13, s7;
	(pc) =	sbr.rel .LBB2_2-.Ltmp3, $4  }
0x1ad: {  	s16 =	sadd.s32 s13, s8;
	s14 =	sadd.s32 $0xB40, s15  }
0x1ae: {  	[tilespmem:s21], [sflag:$0x4] =	stream.linear.gather [hbm4b:s14+s2], $0xA00, $0x38;
	[tilespmem:$0x1E800] =	vst v63  }
0x1af: {  	s13 =	sadd.s32 $0x280, s13;
	s14 =	sadd.s32 $0xB40, s16  }
0x1b0: {  	[tilespmem:s22], [sflag:$0x4] =	stream.linear.gather [hbm4b:s14+s2], $0xA00, $0x38;
	[tilespmem:$0x1E800] =	vst v63  }
.LBB2_5:
0x1b1: {  	_ =	sfence.sel $0x180000  }
0x1b2: {  	[bflag:$0x0] =	sbarrier.arrive $0xFFFF  }
0x1b3: {  	_ =	strace $0x9000004D  }
0x1b4: {  	s0 =	stileid.u32;
	[bflag:$0x2] =	sbarrier.arrive $0xFFFF  }
0x1b5: {  	p0 =	sne.s32 s0, $0x0;
	s0 =	rddreg [dreg:$0x3]  }
0x1b6: {  	s0 =	sadd.s32 @!p0 $0x100000, s0  }
0x1b7: {  	[sflag:s0] =	ssyncadd.tile.s32 @!p0 $0x1;
	_ =	shalt  }
.Lfunc_end2:
_tile_overlayer_lowered:
.L_overlay_start_2:
0x1b8: {  	(tag) =	ssettag $0x2  }
0x1b9: {  	s0 =	rddreg [dreg:$0x0];
	s2 =	stileid.u32  }
0x1ba: {  	s1 =	rddreg [dreg:$0x1];
	p0 =	sne.s32 s2, $0x0  }
0x1bb: {  	s3 =	rddreg [dreg:$0x2];
	[bflag:$0x3] =	sbarrier.arrive $0xFFFF;
	s2 =	simm.s32 @!p0 $0x1C05  }
0x1bc: {  	[timem:s3], [sflag:s2] =	dma.local @!p0 [hbm:s0], s1  }
0x1bd: {  	s0 =	simm.s32 @!p0 $0x5  }
0x1be: {  	_ =	swait.ge @!p0 [sflag:s0], s1  }
0x1bf: {  	s1 =	ssub.s32 @!p0 $0x0, s1;
	[sflag:s0] =	ssyncset.done @!p0 $0x0  }
0x1c0: {  	[sflag:s0] =	ssyncadd.s32 @!p0 s1  }
0x1c1: {  	[bflag:$0x3] =	sbarrier.arrive $0xFFFF  }
0x1c2: {  	_ =	shalt  }

// kernel: kernel.9.cloned.1.call-start
scs
__scs_entry_jumppad:
0x0: {  	(pc) =	sbr.rel $0x88, $3  }
0x1: {  	(tag) =	ssettag $0x0;
	lr =	simm.s32 $0x1  }
0x2: {  	[smem:$0x3F9B] =	sst lr;
	_ =	strace $0xD0000000  }
0x3: {  	_ = 	snop  }
0x4: {  	_ = 	snop  }
0x5: {  	_ = 	snop  }
0x6: {  	_ = 	snop  }
0x7: {  	_ = 	snop  }
__scs_overlays_trampoline_lowered:
0x8: {  	[smem:$0x3FAA] =	sst s0  }
0x9: {  	[smem:$0x3FAB] =	sst s1  }
0xa: {  	[smem:$0x3FAC] =	sst s2  }
0xb: {  	[smem:$0x3FAD] =	sst s3  }
0xc: {  	[smem:$0x3FAE] =	sst s4  }
0xd: {  	[smem:$0x3FAF] =	sst s5  }
0xe: {  	[smem:$0x3FB0] =	sst s6  }
0xf: {  	[smem:$0x3FB1] =	sst s7  }
0x10: {  	[smem:$0x3FB2] =	sst s8  }
0x11: {  	[smem:$0x3FB3] =	sst s9;
	s0 =	simm.s32 @!p0 $0x0  }
0x12: {  	s1 =	sld [smem:$0x3F99];
	s0 =	simm.s32 @p0 $0x1  }
0x13: {  	[smem:$0x3FB4] =	sst s0;
	s0 =	simm.s32 @!p1 $0x0  }
0x14: {  	s2 =	sld [smem:$0x3F98];
	s0 =	simm.s32 @p1 $0x1  }
0x15: {  	[smem:$0x3FB5] =	sst s0;
	s0 =	simm.s32 @!p2 $0x0  }
0x16: {  	s3 =	sld [smem:$0x3FDB];
	s0 =	simm.s32 @p2 $0x1  }
0x17: {  	s4 =	simm.s32 $0x1BF5;
	[smem:$0x3FB7] =	sst s0  }
0x18: {  	s0 =	sld [smem:$0x3F9A];
	_ =	swait.ge [sflag:s4], $0x0  }
0x19: {  	s7 =	sld [smem:$0x3F9B]  }
0x1a: {  	s8 =	sadd.s32 $0xFFFFE003, lr  }
0x1b: {  	s9 =	sadd.s32 $0xFFFFFEF7, lr;
	s5 =	simm.s32 $0xFFFFFFFF;
	p2 =	slt.u32 s8, $0xFFFFF086  }
0x1c: {  	p1 =	slt.u32 s9, $0xF7A;
	s5 =	simm.s32 @!p2 $0x0  }
0x1d: {  	s5 =	simm.s32 @p1 $0x1;
	p0 =	seq.s32 s7, s2  }
0x1e: {  	s7 =	smul.u32 @!p0 $0xF7A, s2;
	p2 =	seq.s32 @!p0 s5, $0x0  }
0x1f: {  	s9 =	smul.u32 $0xF7A, s1;
	s8 =	simm.s32 @!p0 $0x1BF5;
	p2 =	por !p2, p0  }
0x20: {  	[sflag:s8] =	ssyncset.s32 @!p0 $0xFFFFF086;
	s6 =	sadd.s32 @!p0 s3, s7;
	s7 =	simm.s32 @!p0 $0x108  }
0x21: {  	s3 =	sadd.s32 s3, s9;
	s6 =	sadd.s32 @!p0 $0x88, s6;
	s7 =	simm.s32 @p2 $0x1082  }
0x22: {  	[simem:s7], [sflag:s8] =	dma.local @!p0 [hbm:s6], $0xF7A  }
0x23: {  	s9 =	sor.u32 $0xD0000000, s2;
	s6 =	simm.s32 $0x108;
	_ =	swait.ge @!p0 [sflag:s8], $0x0  }
0x24: {  	s3 =	sadd.s32 $0x88, s3;
	s6 =	simm.s32 @!p1 $0x1082;
	[sflag:s4] =	ssyncset.s32 $0xFFFFF086  }
0x25: {  	[simem:s6], [sflag:s4] =	dma.local [hbm:s3], $0xF7A  }
0x26: {  	[smem:$0x3F9B] =	sst s1;
	(tag) =	ssettag s2;
	_ =	strace s9  }
0x27: {  	s1 =	sld [smem:$0x3FAB]  }
0x28: {  	s2 =	sld [smem:$0x3FAC]  }
0x29: {  	s4 =	sld [smem:$0x3FAE]  }
0x2a: {  	p0 =	seq.s32 s5, $0x0;
	s5 =	sld [smem:$0x3FAF]  }
0x2b: {  	s6 =	sld [smem:$0x3FB0]  }
0x2c: {  	s7 =	sld [smem:$0x3FB1]  }
0x2d: {  	s3 =	simm.s32 $0x108;
	s8 =	sld [smem:$0x3FB2]  }
0x2e: {  	s3 =	simm.s32 @!p0 $0x1082;
	s9 =	sld [smem:$0x3FB3]  }
0x2f: {  	lr =	sadd.s32 s0, s3;
	s0 =	sld [smem:$0x3FAA]  }
0x30: {  	s3 =	sld [smem:$0x3FAD]  }
0x31: {  	[smem:$0x3FB6] =	sst s10  }
0x32: {  	s10 =	sld [smem:$0x3FB4];
	_ =	sdelay $0x3  }
0x33: {  	p0 =	seq.s32 s10, $0x1;
	s10 =	sld [smem:$0x3FB6];
	_ =	sdelay $0x3  }
0x34: {  	[smem:$0x3FB6] =	sst s10  }
0x35: {  	s10 =	sld [smem:$0x3FB5];
	_ =	sdelay $0x3  }
0x36: {  	p1 =	seq.s32 s10, $0x1;
	s10 =	sld [smem:$0x3FB6];
	_ =	sdelay $0x3  }
0x37: {  	[smem:$0x3FB6] =	sst s10  }
0x38: {  	s10 =	sld [smem:$0x3FB7]  }
0x39: {  	_ = 	snop;
	(pc) =	sbr.ind lr, $3  }
0x3a: {  	_ = 	snop  }
0x3b: {  	_ = 	snop  }
0x3c: {  	p2 =	seq.s32 s10, $0x1;
	s10 =	sld [smem:$0x3FB6]  }
0x3d: {  	_ =	shalt  }
0x3e: {  	_ =	shalt  }
0x3f: {  	_ =	shalt  }
0x40: {  	_ =	shalt  }
0x41: {  	_ =	shalt  }
0x42: {  	_ =	shalt  }
0x43: {  	_ =	shalt  }
0x44: {  	_ =	shalt  }
0x45: {  	_ =	shalt  }
0x46: {  	_ =	shalt  }
0x47: {  	_ =	shalt  }
0x48: {  	_ =	shalt  }
0x49: {  	_ =	shalt  }
0x4a: {  	_ =	shalt  }
0x4b: {  	_ =	shalt  }
0x4c: {  	_ =	shalt  }
0x4d: {  	_ =	shalt  }
0x4e: {  	_ =	shalt  }
0x4f: {  	_ =	shalt  }
0x50: {  	_ =	shalt  }
0x51: {  	_ =	shalt  }
0x52: {  	_ =	shalt  }
0x53: {  	_ =	shalt  }
0x54: {  	_ =	shalt  }
0x55: {  	_ =	shalt  }
0x56: {  	_ =	shalt  }
0x57: {  	_ =	shalt  }
0x58: {  	_ =	shalt  }
0x59: {  	_ =	shalt  }
0x5a: {  	_ =	shalt  }
0x5b: {  	_ =	shalt  }
0x5c: {  	_ =	shalt  }
0x5d: {  	_ =	shalt  }
0x5e: {  	_ =	shalt  }
0x5f: {  	_ =	shalt  }
0x60: {  	_ =	shalt  }
0x61: {  	_ =	shalt  }
0x62: {  	_ =	shalt  }
0x63: {  	_ =	shalt  }
0x64: {  	_ =	shalt  }
0x65: {  	_ =	shalt  }
0x66: {  	_ =	shalt  }
0x67: {  	_ =	shalt  }
0x68: {  	_ =	shalt  }
0x69: {  	_ =	shalt  }
0x6a: {  	_ =	shalt  }
0x6b: {  	_ =	shalt  }
0x6c: {  	_ =	shalt  }
0x6d: {  	_ =	shalt  }
0x6e: {  	_ =	shalt  }
0x6f: {  	_ =	shalt  }
0x70: {  	_ =	shalt  }
0x71: {  	_ =	shalt  }
0x72: {  	_ =	shalt  }
0x73: {  	_ =	shalt  }
0x74: {  	_ =	shalt  }
0x75: {  	_ =	shalt  }
0x76: {  	_ =	shalt  }
0x77: {  	_ =	shalt  }
0x78: {  	_ =	shalt  }
0x79: {  	_ =	shalt  }
0x7a: {  	_ =	shalt  }
0x7b: {  	_ =	shalt  }
0x7c: {  	_ =	shalt  }
0x7d: {  	_ =	shalt  }
0x7e: {  	_ =	shalt  }
0x7f: {  	_ =	shalt  }
0x80: {  	_ =	shalt  }
0x81: {  	_ =	shalt  }
0x82: {  	_ =	shalt  }
0x83: {  	_ =	shalt  }
0x84: {  	_ =	shalt  }
0x85: {  	_ =	shalt  }
0x86: {  	_ =	shalt  }
0x87: {  	_ =	shalt  }
.Lfunc_end0:
.L_simem_size_0:
called_computation_lowered:
.L_overlay_start_0:
0x88: {  	s2 =	sld [smem:$0x3FD9]  }
0x89: {  	s3 =	sld [smem:$0x3FFE];
	_ =	sdelay $0x1  }
0x8a: {  	s1 =	srdreg.scid  }
0x8b: {  	s0 =	sand.u32 $0x1, s1  }
0x8c: {  	s17 =	sshll.u32 s0, $0xA;
	s2 =	sadd.s32 s3, s2  }
0x8d: {  	s2 =	sadd.s32 s2, s17  }
0x8e: {  	[smem:$0x3FC2] =	sst s2  }
0x8f: {  	_ = 	snop  }
0x90: {  	s2 =	sld [smem:$0x3FD0];
	(tm) =	ssettm $0x1  }
0x91: {  	s18 =	sld [smem:$0x3FFB];
	_ =	sdelay $0x3  }
0x92: {  	_ =	strace s18  }
0x93: {  	s3 =	sld [smem:$0x3FFC];
	_ =	sdelay $0x3  }
0x94: {  	_ =	strace s3  }
0x95: {  	s3 =	sld [smem:$0x3FFD];
	_ =	sdelay $0x3  }
0x96: {  	_ =	strace s3  }
0x97: {  	_ =	strace $0x8FFFFFFF  }
0x98: {  	s19 =	sld [smem:$0x3FDB];
	_ =	sdelay $0x1  }
0x99: {  	s4 =	simm.s32 $_scs_section_size  }
0x9a: {  	s5 =	simm.s32 $_size__tile_overlayer_lowered;
	s6 =	simm.s32 $_tile_overlayer_lowered  }
0x9b: {  	s22 =	simm.s32 $0x1BFF;
	s21 =	sshll.u32 s6, $0x1;
	s3 =	sadd.s32 s4, s19  }
0x9c: {  	s7 =	simm.s32 $0x0;
	s20 =	sshll.u32 s5, $0x1;
	s5 =	sadd.s32 s21, s3  }
0x9d: {  	[timem:s7], [sflag:s22] =	dma.local [hbm:s5], s20  }
0x9e: {  	_ =	swait.ge [sflag:s22], s20  }
0x9f: {  	s4 =	ssub.s32 $0x0, s20;
	[sflag:s22] =	ssyncset.done $0x0  }
0xa0: {  	[sflag:s22] =	ssyncadd.s32 s4;
	_ =	sdelay $0x1  }
0xa1: {  	s23 =	simm.s32 $0x1B8B  }
0xa2: {  	_ =	swait.ge [sflag:s23], $0x1  }
0xa3: {  	[sflag:s23] =	ssyncset.done $0x0  }
0xa4: {  	s25 =	simm.s32 $0x1B8E;
	s24 =	sld [smem:$0x3FFE];
	[sflag:s23] =	ssyncadd.s32 $0xFFFFFFFF  }
0xa5: {  	s26 =	simm.s32 $execute0_lowered;
	[smem:$0x3FD2] =	sst s25  }
0xa6: {  	s5 =	sshll.u32 s26, $0x1;
	_ =	strace $0x80000046;
	[dreg:$0x1] =	wrdreg $0xFFFFFFFF  }
0xa7: {  	s28 =	simm.s32 $_size_execute0_lowered;
	s3 =	sadd.s32 s3, s5;
	[dreg:$0x0] =	wrdreg $0x0  }
0xa8: {  	s5 =	sshll.u32 s28, $0x1;
	[dreg:$0x2] =	wrdreg s3  }
0xa9: {  	[dreg:$0x3] =	wrdreg s5  }
0xaa: {  	[dreg:$0x4] =	wrdreg $0xC0  }
0xab: {  	_ =	task [dreg:s7], $0x5FFFF  }
0xac: {  	[dreg:$0x1] =	wrdreg $0xFFFFFFFF  }
0xad: {  	[dreg:$0x0] =	wrdreg $0x60  }
0xae: {  	[dreg:$0x2] =	wrdreg s24  }
0xaf: {  	[dreg:$0x3] =	wrdreg s2  }
0xb0: {  	[dreg:$0x4] =	wrdreg $0x0  }
0xb1: {  	[dreg:$0x5] =	wrdreg $0x2800  }
0xb2: {  	[dreg:$0x6] =	wrdreg $0x9  }
0xb3: {  	_ =	task.clear_ibuf [dreg:s7], $0x7FFFF;
	_ =	strace $0x90000046  }
0xb4: {  	s29 =	simm.s32 $0x9;
	_ =	strace $0x80000048  }
0xb5: {  	_ =	swait.ge [sflag:s29], $0x1  }
0xb6: {  	[sflag:s29] =	ssyncadd.s32 $0xFFFFFFFF  }
0xb7: {  	_ =	strace $0x90000048  }
0xb8: {  	_ =	sfence  }
0xb9: {  	s30 =	sld [smem:$0x0];
	_ =	sdelay $0x2  }
0xba: {  	s31 =	sshll.u32 s1, $0xD;
	s1 =	sshrl.u32 s1, $0x2  }
0xbb: {  	s3 =	sand.u32 $0x4000, s31;
	s1 =	sadd.s32 s1, s30  }
0xbc: {  	s0 =	sor.u32 s3, s0;
	s1 =	sshll.u32 s1, $0x11  }
0xbd: {  	s0 =	sor.u32 s1, s0  }
0xbe: {  	s0 =	sadd.s32 $0x8F2B, s0  }
0xbf: {  	[sflag:s0] =	ssyncadd.remote.s32 $0x1  }
0xc0: {  	_ =	sfence.sel $0xFFFF  }
0xc1: {  	[dreg:$0x0] =	wrdreg $0xFFFFFFFF;
	(pc) =	sbr.abs _section_cstart, $3  }
0xc2: {  	[dreg:$0x1] =	wrdreg $0xFFFFFFFF  }
0xc3: {  	_ =	task.clear_ibuf [dreg:s7], $0x2FFFF;
	_ =	strace $0x9FFFFFFF  }
0xc4: {  	(tm) =	ssettm $0x7FFFFFFF  }
0xc5: {  	_ =	shalt  }
tec
execute0_lowered:
.L_overlay_start_1:
0x0: {  	(tag) =	ssettag $0x1  }
0x1: {  	s7 =	rddreg [dreg:$0x0]  }
0x2: {  	s8 =	rddreg [dreg:$0x1]  }
0x3: {  	s2 =	rddreg [dreg:$0x2]  }
0x4: {  	s0 =	srdreg.scid;
	s3 =	rddreg [dreg:$0x3]  }
0x5: {  	s1 =	rddreg [dreg:$0x4];
	s4 =	simm.s32 $0x0;
	s5 =	sand.u32 $0x1, s0  }
0x6: {  	s15 =	simm.s32 $0x1;
	s0 =	stileid.u32;
	s6 =	smul.u32 $0x500, s5  }
0x7: {  	s16 =	simm.s32 $0x5580;
	s17 =	simm.s32 $0x500;
	s9 =	smul.u32 $0x50, s0  }
0x8: {  	s18 =	simm.s32 $0x2D00;
	s19 =	simm.s32 $0x80;
	s10 =	smul.u32 $0x280, s0  }
0x9: {  	s23 =	simm.s32 $0x0;
	[smem:$0x7FF] =	sst s4;
	s29 =	smul.u32 $0x2800, s5  }
0xa: {  	_ =	strace $0x80000047;
	s31 =	ssub.s32 $0x2, s5;
	s20 =	sshll.u32 s0, $0x6  }
0xb: {  	s5 =	sadd.s32 $0xDC00, s7;
	s14 =	sshrl.u32 s31, $0x1;
	s20 =	sor.u32 $0x1C01, s20  }
0xc: {  	s6 =	sadd.s32 s9, s6;
	s30 =	sadd.s32 s10, s29;
	s14 =	ssub.s32 s31, s14  }
0xd: {  	s9 =	sadd.s32 s10, s2;
	s10 =	sadd.s32 s10, s3;
	s11 =	sshll.u32 s6, $0x4  }
0xe: {  	s13 =	sshrl.u32 s30, $0x3;
	s6 =	sadd.s32 $0xDA00, s7;
	s21 =	sshrl.u32 s9, $0x3  }
0xf: {  	s22 =	sshrl.u32 s10, $0x3;
	s12 =	sadd.s32 s11, s7;
	s13 =	sadd.s32 s13, s7  }
0x10: {  	s8 =	sadd.s32 s8, s11;
	s7 =	sadd.s32 $0x3A00, s12;
	s11 =	sadd.s32 $0xDE00, s13  }
0x11: {  	s12 =	sadd.s32 $0xE800, s13;
	s13 =	smax.u32 s14, $0x1;
	s14 =	simm.s32 $0x5500  }
.LBB2_1:
0x12: {  	[tilespmem:s14], [sflag:$0x1] =	stream.linear.gather [hbm4b:s5+s4], $0x80, $0x38;
	[tilespmem:$0x5800] =	vst v63  }
0x13: {  	_ =	swait.ge [sflag:s15], $0x80  }
0x14: {  	[sflag:s15] =	ssyncset.done $0x0  }
0x15: {  	[sflag:s15] =	ssyncadd.s32 $0xFFFFFF80  }
0x16: {  	[tilespmem:s16], [sflag:$0x1] =	stream.linear.gather [hbm4b:s6+s4], $0x280, $0x38;
	[tilespmem:$0x5800] =	vst v63  }
0x17: {  	_ =	swait.ge [sflag:s15], $0x280  }
0x18: {  	[sflag:s15] =	ssyncset.done $0x0  }
0x19: {  	[sflag:s15] =	ssyncadd.s32 $0xFFFFFD80  }
0x1a: {  	[tilespmem:s17], [sflag:$0x1] =	stream.linear.gather [hbm4b:s7+s4], $0x2800, $0x38;
	[tilespmem:$0x5800] =	vst v63  }
0x1b: {  	_ =	swait.ge [sflag:s15], $0x2800  }
0x1c: {  	[sflag:s15] =	ssyncset.done $0x0  }
0x1d: {  	[sflag:s15] =	ssyncadd.s32 $0xFFFFD800  }
0x1e: {  	[tilespmem:s18], [sflag:$0x1] =	stream.linear.gather [hbm4b:s8+s4], $0x2800, $0x38;
	[tilespmem:$0x5800] =	vst v63  }
0x1f: {  	_ =	swait.ge [sflag:s15], $0x2800  }
0x20: {  	[sflag:s15] =	ssyncset.done $0x0  }
0x21: {  	[sflag:s15] =	ssyncadd.s32 $0xFFFFD800  }
0x22: {  	[spmem:s9] =	stream.linear.scatter [tilespmem:s16], [sflag:$0x1], $0x280, $0x38;
	[tilespmem:$0x5800] =	vst v63  }
0x23: {  	_ =	swait.ge [sflag:s15], $0x280  }
0x24: {  	[sflag:s15] =	ssyncset.done $0x0  }
0x25: {  	[sflag:s15] =	ssyncadd.s32 $0xFFFFFD80  }
0x26: {  	[spmem:s10] =	stream.linear.scatter [tilespmem:s16], [sflag:$0x1], $0x280, $0x38;
	[tilespmem:$0x5800] =	vst v63  }
0x27: {  	_ =	swait.ge [sflag:s15], $0x280  }
0x28: {  	[sflag:s15] =	ssyncset.done $0x0  }
0x29: {  	[sflag:s15] =	ssyncadd.s32 $0xFFFFFD80  }
0x2a: {  	s24 =	simm.s32 $0x2D00;
	[bflag:$0x0] =	sbarrier.arrive $0xFFFF  }
0x2b: {  	[spmem:s2] =	stream.indirect.scatter.add.f32 [tilespmem:s14], [sflag:$0x1], $0x1, s24, s19, $0xb8;
	[tilespmem:$0x5800] =	vst v63  }
0x2c: {  	_ =	swait.ge [sflag:s15], $0x80  }
0x2d: {  	[sflag:s15] =	ssyncset.done $0x0  }
0x2e: {  	s31 =	simm.s32 $0x500;
	[sflag:s15] =	ssyncadd.s32 $0xFFFFFF80  }
0x2f: {  	[spmem:s3] =	stream.indirect.scatter.add.f32 [tilespmem:s14], [sflag:$0x1], $0x1, s31, s19, $0xb8;
	[tilespmem:$0x5800] =	vst v63  }
0x30: {  	_ =	swait.ge [sflag:s15], $0x80  }
0x31: {  	s25 =	simm.s32 $0x400;
	s24 =	simm.s32 $0x80;
	[sflag:s15] =	ssyncset.done $0x0  }
.LBB2_2:
0x32: {  	s26 =	sadd.s32 $0x2D00, s24  }
0x33: {  	[sflag:s15] =	ssyncadd.s32 $0xFFFFFF80;
	s28 =	smov.u32 s25;
	s29 =	sadd.s32 $0x200, s25  }
0x34: {  	[spmem:s2] =	stream.indirect.scatter.add.f32 [tilespmem:s14], [sflag:$0x1], $0x1, s26, s19, $0xb8;
	[tilespmem:$0x5800] =	vst v63  }
0x35: {  	p0 =	sne.s32 s25, $0x9E00;
	_ =	swait.ge [sflag:s15], $0x80  }
.Ltmp0:
0x36: {  	[sflag:s15] =	ssyncset.done $0x0;
	(pc) =	sbr.rel @p0 .LBB2_2-.Ltmp0, $4  }
0x37: {  	s24 =	sadd.s32 $0x500, s24;
	[sflag:s15] =	ssyncadd.s32 $0xFFFFFF80  }
0x38: {  	[spmem:s3] =	stream.indirect.scatter.add.f32 [tilespmem:s14], [sflag:$0x1], $0x1, s24, s19, $0xb8;
	[tilespmem:$0x5800] =	vst v63  }
0x39: {  	_ =	swait.ge [sflag:s15], $0x80  }
0x3a: {  	s25 =	smov.u32 s29;
	s24 =	sshra.s32 s28, $0x2;
	[sflag:s15] =	ssyncset.done $0x0  }
0x3b: {  	s25 =	sadd.s32 $0x2D00, s24;
	[sflag:s15] =	ssyncadd.s32 $0xFFFFFF80  }
0x3c: {  	[spmem:s2] =	stream.indirect.scatter.add.f32 [tilespmem:s14], [sflag:$0x1], $0x1, s25, s19, $0xb8;
	[tilespmem:$0x5800] =	vst v63  }
0x3d: {  	_ =	swait.ge [sflag:s15], $0x80  }
0x3e: {  	[sflag:s15] =	ssyncset.done $0x0  }
0x3f: {  	s31 =	sadd.s32 $0x500, s24;
	[sflag:s15] =	ssyncadd.s32 $0xFFFFFF80  }
0x40: {  	[spmem:s3] =	stream.indirect.scatter.add.f32 [tilespmem:s14], [sflag:$0x1], $0x1, s31, s19, $0xb8;
	[tilespmem:$0x5800] =	vst v63  }
0x41: {  	_ =	swait.ge [sflag:s15], $0x80  }
0x42: {  	[sflag:s15] =	ssyncset.done $0x0  }
0x43: {  	[sflag:s15] =	ssyncadd.s32 $0xFFFFFF80  }
0x44: {  	[bflag:$0x0] =	sbarrier.arrive $0xFFFF  }
0x45: {  	[hbm:s11], [sflag:s20] =	dma.local [spmem:s21], $0x50  }
0x46: {  	s23 =	sadd.s32 $0x1, s23;
	_ =	swait.ge [sflag:s15], $0x50  }
0x47: {  	p0 =	sne.s32 s23, s13;
	[sflag:s15] =	ssyncset.done $0x0  }
.Ltmp1:
0x48: {  	[sflag:s15] =	ssyncadd.s32 $0xFFFFFFB0;
	(pc) =	sbr.rel @p0 .LBB2_1-.Ltmp1, $4  }
0x49: {  	[hbm:s12], [sflag:s20] =	dma.local [spmem:s22], $0x50  }
0x4a: {  	_ =	swait.ge [sflag:s15], $0x50  }
0x4b: {  	[sflag:s15] =	ssyncset.done $0x0  }
0x4c: {  	[sflag:s15] =	ssyncadd.s32 $0xFFFFFFB0  }
0x4d: {  	_ =	sfence.sel $0x180000  }
0x4e: {  	[bflag:$0x0] =	sbarrier.arrive $0xFFFF  }
0x4f: {  	p0 =	sne.s32 s0, $0x0;
	_ =	strace $0x90000047  }
0x50: {  	s0 =	sadd.s32 @!p0 $0x100000, s1;
	[bflag:$0x2] =	sbarrier.arrive $0xFFFF  }
0x51: {  	[sflag:s0] =	ssyncadd.tile.s32 @!p0 $0x1;
	_ =	shalt  }
.Lfunc_end2:
_tile_overlayer_lowered:
.L_overlay_start_2:
0x52: {  	(tag) =	ssettag $0x2  }
0x53: {  	s0 =	rddreg [dreg:$0x0];
	s2 =	stileid.u32  }
0x54: {  	s1 =	rddreg [dreg:$0x1];
	p0 =	sne.s32 s2, $0x0  }
0x55: {  	s3 =	rddreg [dreg:$0x2];
	[bflag:$0x3] =	sbarrier.arrive $0xFFFF;
	s2 =	simm.s32 @!p0 $0x1C01  }
0x56: {  	[timem:s3], [sflag:s2] =	dma.local @!p0 [hbm:s0], s1  }
0x57: {  	s0 =	simm.s32 @!p0 $0x1  }
0x58: {  	_ =	swait.ge @!p0 [sflag:s0], s1  }
0x59: {  	s1 =	ssub.s32 @!p0 $0x0, s1;
	[sflag:s0] =	ssyncset.done @!p0 $0x0  }
0x5a: {  	[sflag:s0] =	ssyncadd.s32 @!p0 s1  }
0x5b: {  	[bflag:$0x3] =	sbarrier.arrive $0xFFFF  }
0x5c: {  	_ =	shalt  }

</sc_bundles>
